<compile_context>
chip_gen: v7x
topology: tpu7x:2x2x1
jax: 0.10.2.dev20260603
libtpu: 0.0.44.dev20260713+nightly
codegen_flags: <defaults>
</compile_context>

<pallas_src>
import functools

import jax
import jax.numpy as jnp
from jax import lax
from jax.experimental import pallas as pl
from jax.experimental.pallas import tpu as pltpu
from jax.experimental.pallas import tpu_sc as plsc

NUM_CONCEPTS = 128
H1 = 512
H2 = 256
BATCH = 16384

NC = 2
NS = 16
NW = NC * NS
CHUNK = 128
PARTS = ((0, 8192), (8192, 8192))
BT = 4096


def _sc_gather_combine(pb, row0, uid2, qid2, user_table, qdiff_table,
                       qdisc_table, Q_table):
  mesh = plsc.VectorSubcoreMesh(core_axis_name="c", subcore_axis_name="s")
  b_per_w = pb // NW
  nchunk = b_per_w // CHUNK

  @functools.partial(
      pl.kernel,
      mesh=mesh,
      out_type=(
          jax.ShapeDtypeStruct((pb, NUM_CONCEPTS), jnp.float32),
          jax.ShapeDtypeStruct((pb,), jnp.float32),
      ),
      scratch_types=(
          pltpu.VMEM((nchunk, CHUNK), jnp.int32),
          pltpu.VMEM((nchunk, CHUNK), jnp.int32),
          pltpu.VMEM((2, CHUNK, NUM_CONCEPTS), jnp.float32),
          pltpu.VMEM((2, CHUNK, NUM_CONCEPTS), jnp.float32),
          pltpu.VMEM((2, CHUNK, NUM_CONCEPTS), jnp.float32),
          pltpu.VMEM((2, CHUNK), jnp.float32),
          (pltpu.SemaphoreType.DMA, pltpu.SemaphoreType.DMA),
          pltpu.SemaphoreType.DMA,
      ),
  )
  def k(uid_hbm, qid_hbm, ut_hbm, qd_hbm, qs_hbm, qm_hbm,
        x_out, s_out,
        uid_v, qid_v, ubuf, dbuf, qbuf, sbuf, gsems, wsem):
    wid = lax.axis_index("s") * NC + lax.axis_index("c")
    pltpu.sync_copy(uid_hbm.at[pl.ds(row0 + wid * nchunk, nchunk)], uid_v)
    pltpu.sync_copy(qid_hbm.at[pl.ds(row0 + wid * nchunk, nchunk)], qid_v)

    def fire(j, p):
      return (
          pltpu.async_copy(ut_hbm.at[uid_v.at[j]], ubuf.at[p], gsems[p]),
          pltpu.async_copy(qd_hbm.at[qid_v.at[j]], dbuf.at[p], gsems[p]),
          pltpu.async_copy(qm_hbm.at[qid_v.at[j]], qbuf.at[p], gsems[p]),
          pltpu.async_copy(qs_hbm.at[qid_v.at[j]], sbuf.at[p], gsems[p]),
      )

    pending = {0: fire(0, 0)}
    writes = []
    for j in range(nchunk):
      p = j % 2
      if j + 1 < nchunk:
        if j >= 1:
          writes.pop(0).wait()
          writes.pop(0).wait()
        pending[j + 1] = fire(j + 1, 1 - p)
      for cp in pending.pop(j):
        cp.wait()

      def body(r, carry, p=p):
        for ci in range(NUM_CONCEPTS // 16):
          sl = pl.ds(ci * 16, 16)
          a = jnp.exp(-ubuf[p, r, sl])
          b = jnp.exp(-dbuf[p, r, sl])
          q = qbuf[p, r, sl]
          ubuf[p, r, sl] = (b - a) / ((1.0 + a) * (1.0 + b)) * q
        return carry

      lax.fori_loop(0, CHUNK, body, 0)
      base = wid * b_per_w + j * CHUNK
      writes.append(pltpu.async_copy(ubuf.at[p], x_out.at[pl.ds(base, CHUNK)],
                                     wsem))
      writes.append(pltpu.async_copy(sbuf.at[p], s_out.at[pl.ds(base, CHUNK)],
                                     wsem))
    for w in writes:
      w.wait()

  return k(uid2, qid2, user_table, qdiff_table, qdisc_table.reshape(-1),
           Q_table)


def _tc_mlp_body(x_ref, s_ref, w1_ref, b1_ref, w2_ref, b2_ref,
                 w3_ref, b3_ref, out_ref):
  disc = 5.0 * jnp.tanh(0.5 * s_ref[...].reshape(BT, 1)) + 5.0
  x = disc * x_ref[...]
  t = jnp.tanh(
      jnp.dot(x, w1_ref[...], preferred_element_type=jnp.float32) + b1_ref[...])
  t = jnp.tanh(
      jnp.dot(t, w2_ref[...], preferred_element_type=jnp.float32) + b2_ref[...])
  o = jnp.tanh(
      jnp.dot(t, w3_ref[...], preferred_element_type=jnp.float32) + b3_ref[...])
  out_ref[...] = 0.5 * o.reshape(BT) + 0.5


def _tc_mlp(pb, x, s, W1, b1, W2, b2, W3, b3):
  grid = (pb // BT,)
  return pl.pallas_call(
      _tc_mlp_body,
      grid=grid,
      in_specs=[
          pl.BlockSpec((BT, NUM_CONCEPTS), lambda i: (i, 0)),
          pl.BlockSpec((1, 1, BT), lambda i: (i, 0, 0)),
          pl.BlockSpec((NUM_CONCEPTS, H1), lambda i: (0, 0)),
          pl.BlockSpec((1, H1), lambda i: (0, 0)),
          pl.BlockSpec((H1, H2), lambda i: (0, 0)),
          pl.BlockSpec((1, H2), lambda i: (0, 0)),
          pl.BlockSpec((H2, 1), lambda i: (0, 0)),
          pl.BlockSpec((1, 1), lambda i: (0, 0)),
      ],
      out_specs=pl.BlockSpec((BT,), lambda i: (i,)),
      out_shape=jax.ShapeDtypeStruct((pb,), jnp.float32),
  )(x, s.reshape(pb // BT, 1, BT), W1, b1, W2, b2, W3, b3)


def kernel(user_id, question_id, user_table, qdiff_table, qdisc_table, Q_table,
           W1, b1, W2, b2, W3, b3):
  uid2 = user_id.astype(jnp.int32).reshape(BATCH // CHUNK, CHUNK)
  qid2 = question_id.astype(jnp.int32).reshape(BATCH // CHUNK, CHUNK)
  w1f = 0.5 * W1
  b1f = (0.5 * b1).reshape(1, H1)
  w2f = 0.25 * W2
  b2f = (0.5 * b2 + 0.25 * jnp.sum(W2, axis=0)).reshape(1, H2)
  w3f = 0.25 * W3
  b3f = (0.5 * b3 + 0.25 * jnp.sum(W3, axis=0)).reshape(1, 1)
  outs = []
  for off, pb in PARTS:
    x, s = _sc_gather_combine(pb, off // CHUNK, uid2, qid2,
                              user_table, qdiff_table, qdisc_table, Q_table)
    outs.append(_tc_mlp(pb, x, s, w1f, b1f, w2f, b2f, w3f, b3f))
  return jnp.concatenate(outs)

# --- scband reference (transcript-rebuilt; emitter-appended) ---
"""Pipeline reference for scband-ncd-23330262352082 (READ-ONLY COPY).

The authoritative reference and input builder live on the scoring server;
editing this copy changes nothing except your own understanding.
"""

import jax, jax.numpy as jnp
import numpy as np

NUM_USERS = 100000
NUM_QUESTIONS = 100000
NUM_CONCEPTS = 128
H1 = 512
H2 = 256
BATCH = 16384


def setup_inputs(seed: int = 0) -> dict:
    key = jax.random.key(seed)
    ks = jax.random.split(key, 12)
    user_id = jax.random.randint(ks[0], (BATCH,), 0, NUM_USERS, dtype=jnp.int64 if jax.config.jax_enable_x64 else jnp.int32)
    question_id = jax.random.randint(ks[1], (BATCH,), 0, NUM_QUESTIONS, dtype=jnp.int64 if jax.config.jax_enable_x64 else jnp.int32)
    user_table = jax.random.normal(ks[2], (NUM_USERS, NUM_CONCEPTS), dtype=jnp.float32)
    qdiff_table = jax.random.normal(ks[3], (NUM_QUESTIONS, NUM_CONCEPTS), dtype=jnp.float32)
    qdisc_table = jax.random.normal(ks[4], (NUM_QUESTIONS, 1), dtype=jnp.float32)
    # Q-matrix: binary question-to-concept mapping (buffer, not trained in practice)
    Q_table = (jax.random.uniform(ks[5], (NUM_QUESTIONS, NUM_CONCEPTS)) < 0.1).astype(jnp.float32)
    # predictor MLP params (positive weights per NCD monotonicity assumption)
    W1 = jnp.abs(jax.random.normal(ks[6], (NUM_CONCEPTS, H1), dtype=jnp.float32)) * 0.05
    b1 = jnp.zeros((H1,), dtype=jnp.float32)
    W2 = jnp.abs(jax.random.normal(ks[7], (H1, H2), dtype=jnp.float32)) * 0.05
    b2 = jnp.zeros((H2,), dtype=jnp.float32)
    W3 = jnp.abs(jax.random.normal(ks[8], (H2, 1), dtype=jnp.float32)) * 0.05
    b3 = jnp.zeros((1,), dtype=jnp.float32)
    return {"user_id": user_id, "question_id": question_id,
            "user_table": user_table, "qdiff_table": qdiff_table,
            "qdisc_table": qdisc_table, "Q_table": Q_table,
            "W1": W1, "b1": b1, "W2": W2, "b2": b2, "W3": W3, "b3": b3}


def reference(user_id, question_id, user_table, qdiff_table, qdisc_table, Q_table,
              W1, b1, W2, b2, W3, b3):
    user_emb = jax.nn.sigmoid(jnp.take(user_table, user_id, axis=0))
    question_diff = jax.nn.sigmoid(jnp.take(qdiff_table, question_id, axis=0))
    question_disc = jax.nn.sigmoid(jnp.take(qdisc_table, question_id, axis=0)) * 10.0
    q_mask = jnp.take(Q_table, question_id, axis=0)
    x = question_disc * (user_emb - question_diff) * q_mask
    h = jax.nn.sigmoid(x @ W1 + b1)
    h = jax.nn.sigmoid(h @ W2 + b2)
    out = jax.nn.sigmoid(h @ W3 + b3)
    return jnp.squeeze(out, axis=-1)

if __name__ == "__main__":
    import jax
    _d = setup_inputs()
    print(jax.jit(kernel)(*tuple(_d.values())))

</pallas_src>

<mosaic_0001>
#map = affine_map<(d0, d1) -> (0, 0)>
#map1 = affine_map<(d0, d1) -> (0)>
module attributes {stable_mosaic.version = 14 : i64} {
  func.func @k(%arg0: i32, %arg1: i32, %arg2: memref<128x128xi32, #tpu.memory_space<hbm>>, %arg3: memref<128x128xi32, #tpu.memory_space<hbm>>, %arg4: memref<100000x128xf32, #tpu.memory_space<hbm>>, %arg5: memref<100000x128xf32, #tpu.memory_space<hbm>>, %arg6: memref<100000xf32, #tpu.memory_space<hbm>>, %arg7: memref<100000x128xf32, #tpu.memory_space<hbm>>, %arg8: memref<8192x128xf32, #tpu.memory_space<hbm>>, %arg9: memref<8192xf32, #tpu.memory_space<hbm>>, %arg10: memref<2x128xi32, #tpu.memory_space<vmem>>, %arg11: memref<2x128xi32, #tpu.memory_space<vmem>>, %arg12: memref<2x128x128xf32, #tpu.memory_space<vmem>>, %arg13: memref<2x128x128xf32, #tpu.memory_space<vmem>>, %arg14: memref<2x128x128xf32, #tpu.memory_space<vmem>>, %arg15: memref<2x128xf32, #tpu.memory_space<vmem>>, %arg16: memref<!tpu.dma_semaphore, #tpu.memory_space<semaphore_mem>>, %arg17: memref<!tpu.dma_semaphore, #tpu.memory_space<semaphore_mem>>, %arg18: memref<!tpu.dma_semaphore, #tpu.memory_space<semaphore_mem>>) attributes {dimension_semantics = [#tpu.dimension_semantics<core_parallel>, #tpu.dimension_semantics<subcore_parallel>], iteration_bounds = array<i64: 2, 16>, scalar_prefetch = 0 : i64, scratch_operands = 9 : i64, tpu.core_type = #tpu.core_type<sc_vector_subcore>, window_params = [{transform_indices = #map}, {transform_indices = #map}, {transform_indices = #map}, {transform_indices = #map}, {transform_indices = #map1}, {transform_indices = #map}, {transform_indices = #map}, {transform_indices = #map1}]} {
    %mul3A = arith.constant 2 : i32
    %mul3A_0 = arith.muli %arg1, %mul3A : i32
    %add3A = arith.addi %mul3A_0, %arg0 : i32
    %mul3A_1 = arith.constant 2 : i32
    %mul3A_2 = arith.muli %add3A, %mul3A_1 : i32
    %add3A_3 = arith.constant 64 : i32
    %add3A_4 = arith.addi %add3A_3, %mul3A_2 : i32
    "tpu.region"() ({
      %run_scoped3A = tpu.sem_alloc : memref<!tpu.dma_semaphore, #tpu.memory_space<semaphore_mem>>
      %dma_start3A_298 = arith.constant 0 : i32
      %dma_start3A_299 = tpu.memref_slice %arg2[%add3A_4, %dma_start3A_298] : memref<128x128xi32, #tpu.memory_space<hbm>> -> memref<2x128xi32, #tpu.memory_space<hbm>>
      %dma_start3A_300 = arith.constant 0 : i32
      %dma_start3A_301 = tpu.memref_slice %arg2[%add3A_4, %dma_start3A_300] : memref<128x128xi32, #tpu.memory_space<hbm>> -> memref<2x128xi32, #tpu.memory_space<hbm>>
      tpu.enqueue_dma source(%dma_start3A_301 : memref<2x128xi32, #tpu.memory_space<hbm>>) target(%arg10 : memref<2x128xi32, #tpu.memory_space<vmem>>) target_semaphore(%run_scoped3A : memref<!tpu.dma_semaphore, #tpu.memory_space<semaphore_mem>>)
      %dma_wait3A_302 = arith.constant 0 : i32
      %dma_wait3A_303 = tpu.memref_slice %arg2[%add3A_4, %dma_wait3A_302] : memref<128x128xi32, #tpu.memory_space<hbm>> -> memref<2x128xi32, #tpu.memory_space<hbm>>
      %dma_wait3A_304 = arith.constant 0 : i32
      %dma_wait3A_305 = tpu.memref_slice %arg2[%add3A_4, %dma_wait3A_304] : memref<128x128xi32, #tpu.memory_space<hbm>> -> memref<2x128xi32, #tpu.memory_space<hbm>>
      tpu.wait_dma2 semaphore(%run_scoped3A : memref<!tpu.dma_semaphore, #tpu.memory_space<semaphore_mem>>) src(%dma_wait3A_305 : memref<2x128xi32, #tpu.memory_space<hbm>>) dst(%arg10 : memref<2x128xi32, #tpu.memory_space<vmem>>)
      tpu.yield
    }) : () -> ()
    %mul3A_5 = arith.constant 2 : i32
    %mul3A_6 = arith.muli %add3A, %mul3A_5 : i32
    %add3A_7 = arith.constant 64 : i32
    %add3A_8 = arith.addi %add3A_7, %mul3A_6 : i32
    "tpu.region"() ({
      %run_scoped3A = tpu.sem_alloc : memref<!tpu.dma_semaphore, #tpu.memory_space<semaphore_mem>>
      %dma_start3A_298 = arith.constant 0 : i32
      %dma_start3A_299 = tpu.memref_slice %arg3[%add3A_8, %dma_start3A_298] : memref<128x128xi32, #tpu.memory_space<hbm>> -> memref<2x128xi32, #tpu.memory_space<hbm>>
      %dma_start3A_300 = arith.constant 0 : i32
      %dma_start3A_301 = tpu.memref_slice %arg3[%add3A_8, %dma_start3A_300] : memref<128x128xi32, #tpu.memory_space<hbm>> -> memref<2x128xi32, #tpu.memory_space<hbm>>
      tpu.enqueue_dma source(%dma_start3A_301 : memref<2x128xi32, #tpu.memory_space<hbm>>) target(%arg11 : memref<2x128xi32, #tpu.memory_space<vmem>>) target_semaphore(%run_scoped3A : memref<!tpu.dma_semaphore, #tpu.memory_space<semaphore_mem>>)
      %dma_wait3A_302 = arith.constant 0 : i32
      %dma_wait3A_303 = tpu.memref_slice %arg3[%add3A_8, %dma_wait3A_302] : memref<128x128xi32, #tpu.memory_space<hbm>> -> memref<2x128xi32, #tpu.memory_space<hbm>>
      %dma_wait3A_304 = arith.constant 0 : i32
      %dma_wait3A_305 = tpu.memref_slice %arg3[%add3A_8, %dma_wait3A_304] : memref<128x128xi32, #tpu.memory_space<hbm>> -> memref<2x128xi32, #tpu.memory_space<hbm>>
      tpu.wait_dma2 semaphore(%run_scoped3A : memref<!tpu.dma_semaphore, #tpu.memory_space<semaphore_mem>>) src(%dma_wait3A_305 : memref<2x128xi32, #tpu.memory_space<hbm>>) dst(%arg11 : memref<2x128xi32, #tpu.memory_space<vmem>>)
      tpu.yield
    }) : () -> ()
    %dma_start3A = arith.constant 0 : i32
    %dma_start3A_9 = arith.constant 0 : i32
    %dma_start3A_10 = arith.constant 0 : i32
    %dma_start3A_11 = arith.constant 0 : i32
    %dma_start3A_12 = tpu.memref_slice %arg12[%dma_start3A_9, %dma_start3A_10, %dma_start3A_11] : memref<2x128x128xf32, #tpu.memory_space<vmem>> -> memref<1x128x128xf32, #tpu.memory_space<vmem>>
    %dma_start3A_13 = tpu.memref_squeeze %dma_start3A_12 : memref<1x128x128xf32, #tpu.memory_space<vmem>> -> memref<128x128xf32, #tpu.memory_space<vmem>>
    %dma_start3A_14 = arith.constant 0 : i32
    %dma_start3A_15 = tpu.memref_slice %arg10[%dma_start3A, %dma_start3A_14] : memref<2x128xi32, #tpu.memory_space<vmem>> -> memref<1x128xi32, #tpu.memory_space<vmem>>
    %dma_start3A_16 = tpu.memref_squeeze %dma_start3A_15 : memref<1x128xi32, #tpu.memory_space<vmem>> -> memref<128xi32, #tpu.memory_space<vmem>>
    %dma_start3A_17 = arith.constant 0 : i32
    %dma_start3A_18 = arith.constant 0 : i32
    %dma_start3A_19 = tpu.memref_slice %arg4[%dma_start3A_17, %dma_start3A_18] : memref<100000x128xf32, #tpu.memory_space<hbm>> -> memref<100000x128xf32, #tpu.memory_space<hbm>>
    tpu.enqueue_indirect_dma source(%dma_start3A_19 : memref<100000x128xf32, #tpu.memory_space<hbm>>) target(%dma_start3A_13 : memref<128x128xf32, #tpu.memory_space<vmem>>) offsets(%dma_start3A_16 : memref<128xi32, #tpu.memory_space<vmem>>) semaphore(%arg16 : memref<!tpu.dma_semaphore, #tpu.memory_space<semaphore_mem>>)
    %dma_start3A_20 = arith.constant 0 : i32
    %dma_start3A_21 = arith.constant 0 : i32
    %dma_start3A_22 = arith.constant 0 : i32
    %dma_start3A_23 = arith.constant 0 : i32
    %dma_start3A_24 = tpu.memref_slice %arg13[%dma_start3A_21, %dma_start3A_22, %dma_start3A_23] : memref<2x128x128xf32, #tpu.memory_space<vmem>> -> memref<1x128x128xf32, #tpu.memory_space<vmem>>
    %dma_start3A_25 = tpu.memref_squeeze %dma_start3A_24 : memref<1x128x128xf32, #tpu.memory_space<vmem>> -> memref<128x128xf32, #tpu.memory_space<vmem>>
    %dma_start3A_26 = arith.constant 0 : i32
    %dma_start3A_27 = tpu.memref_slice %arg11[%dma_start3A_20, %dma_start3A_26] : memref<2x128xi32, #tpu.memory_space<vmem>> -> memref<1x128xi32, #tpu.memory_space<vmem>>
    %dma_start3A_28 = tpu.memref_squeeze %dma_start3A_27 : memref<1x128xi32, #tpu.memory_space<vmem>> -> memref<128xi32, #tpu.memory_space<vmem>>
    %dma_start3A_29 = arith.constant 0 : i32
    %dma_start3A_30 = arith.constant 0 : i32
    %dma_start3A_31 = tpu.memref_slice %arg5[%dma_start3A_29, %dma_start3A_30] : memref<100000x128xf32, #tpu.memory_space<hbm>> -> memref<100000x128xf32, #tpu.memory_space<hbm>>
    tpu.enqueue_indirect_dma source(%dma_start3A_31 : memref<100000x128xf32, #tpu.memory_space<hbm>>) target(%dma_start3A_25 : memref<128x128xf32, #tpu.memory_space<vmem>>) offsets(%dma_start3A_28 : memref<128xi32, #tpu.memory_space<vmem>>) semaphore(%arg16 : memref<!tpu.dma_semaphore, #tpu.memory_space<semaphore_mem>>)
    %dma_start3A_32 = arith.constant 0 : i32
    %dma_start3A_33 = arith.constant 0 : i32
    %dma_start3A_34 = arith.constant 0 : i32
    %dma_start3A_35 = arith.constant 0 : i32
    %dma_start3A_36 = tpu.memref_slice %arg14[%dma_start3A_33, %dma_start3A_34, %dma_start3A_35] : memref<2x128x128xf32, #tpu.memory_space<vmem>> -> memref<1x128x128xf32, #tpu.memory_space<vmem>>
    %dma_start3A_37 = tpu.memref_squeeze %dma_start3A_36 : memref<1x128x128xf32, #tpu.memory_space<vmem>> -> memref<128x128xf32, #tpu.memory_space<vmem>>
    %dma_start3A_38 = arith.constant 0 : i32
    %dma_start3A_39 = tpu.memref_slice %arg11[%dma_start3A_32, %dma_start3A_38] : memref<2x128xi32, #tpu.memory_space<vmem>> -> memref<1x128xi32, #tpu.memory_space<vmem>>
    %dma_start3A_40 = tpu.memref_squeeze %dma_start3A_39 : memref<1x128xi32, #tpu.memory_space<vmem>> -> memref<128xi32, #tpu.memory_space<vmem>>
    %dma_start3A_41 = arith.constant 0 : i32
    %dma_start3A_42 = arith.constant 0 : i32
    %dma_start3A_43 = tpu.memref_slice %arg7[%dma_start3A_41, %dma_start3A_42] : memref<100000x128xf32, #tpu.memory_space<hbm>> -> memref<100000x128xf32, #tpu.memory_space<hbm>>
    tpu.enqueue_indirect_dma source(%dma_start3A_43 : memref<100000x128xf32, #tpu.memory_space<hbm>>) target(%dma_start3A_37 : memref<128x128xf32, #tpu.memory_space<vmem>>) offsets(%dma_start3A_40 : memref<128xi32, #tpu.memory_space<vmem>>) semaphore(%arg16 : memref<!tpu.dma_semaphore, #tpu.memory_space<semaphore_mem>>)
    %dma_start3A_44 = arith.constant 0 : i32
    %dma_start3A_45 = arith.constant 0 : i32
    %dma_start3A_46 = arith.constant 0 : i32
    %dma_start3A_47 = tpu.memref_slice %arg15[%dma_start3A_45, %dma_start3A_46] : memref<2x128xf32, #tpu.memory_space<vmem>> -> memref<1x128xf32, #tpu.memory_space<vmem>>
    %dma_start3A_48 = tpu.memref_squeeze %dma_start3A_47 : memref<1x128xf32, #tpu.memory_space<vmem>> -> memref<128xf32, #tpu.memory_space<vmem>>
    %dma_start3A_49 = arith.constant 0 : i32
    %dma_start3A_50 = tpu.memref_slice %arg11[%dma_start3A_44, %dma_start3A_49] : memref<2x128xi32, #tpu.memory_space<vmem>> -> memref<1x128xi32, #tpu.memory_space<vmem>>
    %dma_start3A_51 = tpu.memref_squeeze %dma_start3A_50 : memref<1x128xi32, #tpu.memory_space<vmem>> -> memref<128xi32, #tpu.memory_space<vmem>>
    %dma_start3A_52 = arith.constant 0 : i32
    %dma_start3A_53 = tpu.memref_slice %arg6[%dma_start3A_52] : memref<100000xf32, #tpu.memory_space<hbm>> -> memref<100000xf32, #tpu.memory_space<hbm>>
    tpu.enqueue_indirect_dma source(%dma_start3A_53 : memref<100000xf32, #tpu.memory_space<hbm>>) target(%dma_start3A_48 : memref<128xf32, #tpu.memory_space<vmem>>) offsets(%dma_start3A_51 : memref<128xi32, #tpu.memory_space<vmem>>) semaphore(%arg16 : memref<!tpu.dma_semaphore, #tpu.memory_space<semaphore_mem>>)
    %dma_start3A_54 = arith.constant 1 : i32
    %dma_start3A_55 = arith.constant 1 : i32
    %dma_start3A_56 = arith.constant 0 : i32
    %dma_start3A_57 = arith.constant 0 : i32
    %dma_start3A_58 = tpu.memref_slice %arg12[%dma_start3A_55, %dma_start3A_56, %dma_start3A_57] : memref<2x128x128xf32, #tpu.memory_space<vmem>> -> memref<1x128x128xf32, #tpu.memory_space<vmem>>
    %dma_start3A_59 = tpu.memref_squeeze %dma_start3A_58 : memref<1x128x128xf32, #tpu.memory_space<vmem>> -> memref<128x128xf32, #tpu.memory_space<vmem>>
    %dma_start3A_60 = arith.constant 0 : i32
    %dma_start3A_61 = tpu.memref_slice %arg10[%dma_start3A_54, %dma_start3A_60] : memref<2x128xi32, #tpu.memory_space<vmem>> -> memref<1x128xi32, #tpu.memory_space<vmem>>
    %dma_start3A_62 = tpu.memref_squeeze %dma_start3A_61 : memref<1x128xi32, #tpu.memory_space<vmem>> -> memref<128xi32, #tpu.memory_space<vmem>>
    %dma_start3A_63 = arith.constant 0 : i32
    %dma_start3A_64 = arith.constant 0 : i32
    %dma_start3A_65 = tpu.memref_slice %arg4[%dma_start3A_63, %dma_start3A_64] : memref<100000x128xf32, #tpu.memory_space<hbm>> -> memref<100000x128xf32, #tpu.memory_space<hbm>>
    tpu.enqueue_indirect_dma source(%dma_start3A_65 : memref<100000x128xf32, #tpu.memory_space<hbm>>) target(%dma_start3A_59 : memref<128x128xf32, #tpu.memory_space<vmem>>) offsets(%dma_start3A_62 : memref<128xi32, #tpu.memory_space<vmem>>) semaphore(%arg17 : memref<!tpu.dma_semaphore, #tpu.memory_space<semaphore_mem>>)
    %dma_start3A_66 = arith.constant 1 : i32
    %dma_start3A_67 = arith.constant 1 : i32
    %dma_start3A_68 = arith.constant 0 : i32
    %dma_start3A_69 = arith.constant 0 : i32
    %dma_start3A_70 = tpu.memref_slice %arg13[%dma_start3A_67, %dma_start3A_68, %dma_start3A_69] : memref<2x128x128xf32, #tpu.memory_space<vmem>> -> memref<1x128x128xf32, #tpu.memory_space<vmem>>
    %dma_start3A_71 = tpu.memref_squeeze %dma_start3A_70 : memref<1x128x128xf32, #tpu.memory_space<vmem>> -> memref<128x128xf32, #tpu.memory_space<vmem>>
    %dma_start3A_72 = arith.constant 0 : i32
    %dma_start3A_73 = tpu.memref_slice %arg11[%dma_start3A_66, %dma_start3A_72] : memref<2x128xi32, #tpu.memory_space<vmem>> -> memref<1x128xi32, #tpu.memory_space<vmem>>
    %dma_start3A_74 = tpu.memref_squeeze %dma_start3A_73 : memref<1x128xi32, #tpu.memory_space<vmem>> -> memref<128xi32, #tpu.memory_space<vmem>>
    %dma_start3A_75 = arith.constant 0 : i32
    %dma_start3A_76 = arith.constant 0 : i32
    %dma_start3A_77 = tpu.memref_slice %arg5[%dma_start3A_75, %dma_start3A_76] : memref<100000x128xf32, #tpu.memory_space<hbm>> -> memref<100000x128xf32, #tpu.memory_space<hbm>>
    tpu.enqueue_indirect_dma source(%dma_start3A_77 : memref<100000x128xf32, #tpu.memory_space<hbm>>) target(%dma_start3A_71 : memref<128x128xf32, #tpu.memory_space<vmem>>) offsets(%dma_start3A_74 : memref<128xi32, #tpu.memory_space<vmem>>) semaphore(%arg17 : memref<!tpu.dma_semaphore, #tpu.memory_space<semaphore_mem>>)
    %dma_start3A_78 = arith.constant 1 : i32
    %dma_start3A_79 = arith.constant 1 : i32
    %dma_start3A_80 = arith.constant 0 : i32
    %dma_start3A_81 = arith.constant 0 : i32
    %dma_start3A_82 = tpu.memref_slice %arg14[%dma_start3A_79, %dma_start3A_80, %dma_start3A_81] : memref<2x128x128xf32, #tpu.memory_space<vmem>> -> memref<1x128x128xf32, #tpu.memory_space<vmem>>
    %dma_start3A_83 = tpu.memref_squeeze %dma_start3A_82 : memref<1x128x128xf32, #tpu.memory_space<vmem>> -> memref<128x128xf32, #tpu.memory_space<vmem>>
    %dma_start3A_84 = arith.constant 0 : i32
    %dma_start3A_85 = tpu.memref_slice %arg11[%dma_start3A_78, %dma_start3A_84] : memref<2x128xi32, #tpu.memory_space<vmem>> -> memref<1x128xi32, #tpu.memory_space<vmem>>
    %dma_start3A_86 = tpu.memref_squeeze %dma_start3A_85 : memref<1x128xi32, #tpu.memory_space<vmem>> -> memref<128xi32, #tpu.memory_space<vmem>>
    %dma_start3A_87 = arith.constant 0 : i32
    %dma_start3A_88 = arith.constant 0 : i32
    %dma_start3A_89 = tpu.memref_slice %arg7[%dma_start3A_87, %dma_start3A_88] : memref<100000x128xf32, #tpu.memory_space<hbm>> -> memref<100000x128xf32, #tpu.memory_space<hbm>>
    tpu.enqueue_indirect_dma source(%dma_start3A_89 : memref<100000x128xf32, #tpu.memory_space<hbm>>) target(%dma_start3A_83 : memref<128x128xf32, #tpu.memory_space<vmem>>) offsets(%dma_start3A_86 : memref<128xi32, #tpu.memory_space<vmem>>) semaphore(%arg17 : memref<!tpu.dma_semaphore, #tpu.memory_space<semaphore_mem>>)
    %dma_start3A_90 = arith.constant 1 : i32
    %dma_start3A_91 = arith.constant 1 : i32
    %dma_start3A_92 = arith.constant 0 : i32
    %dma_start3A_93 = tpu.memref_slice %arg15[%dma_start3A_91, %dma_start3A_92] : memref<2x128xf32, #tpu.memory_space<vmem>> -> memref<1x128xf32, #tpu.memory_space<vmem>>
    %dma_start3A_94 = tpu.memref_squeeze %dma_start3A_93 : memref<1x128xf32, #tpu.memory_space<vmem>> -> memref<128xf32, #tpu.memory_space<vmem>>
    %dma_start3A_95 = arith.constant 0 : i32
    %dma_start3A_96 = tpu.memref_slice %arg11[%dma_start3A_90, %dma_start3A_95] : memref<2x128xi32, #tpu.memory_space<vmem>> -> memref<1x128xi32, #tpu.memory_space<vmem>>
    %dma_start3A_97 = tpu.memref_squeeze %dma_start3A_96 : memref<1x128xi32, #tpu.memory_space<vmem>> -> memref<128xi32, #tpu.memory_space<vmem>>
    %dma_start3A_98 = arith.constant 0 : i32
    %dma_start3A_99 = tpu.memref_slice %arg6[%dma_start3A_98] : memref<100000xf32, #tpu.memory_space<hbm>> -> memref<100000xf32, #tpu.memory_space<hbm>>
    tpu.enqueue_indirect_dma source(%dma_start3A_99 : memref<100000xf32, #tpu.memory_space<hbm>>) target(%dma_start3A_94 : memref<128xf32, #tpu.memory_space<vmem>>) offsets(%dma_start3A_97 : memref<128xi32, #tpu.memory_space<vmem>>) semaphore(%arg17 : memref<!tpu.dma_semaphore, #tpu.memory_space<semaphore_mem>>)
    %dma_wait3A = arith.constant 0 : i32
    %dma_wait3A_100 = arith.constant 0 : i32
    %dma_wait3A_101 = arith.constant 0 : i32
    %dma_wait3A_102 = arith.constant 0 : i32
    %dma_wait3A_103 = tpu.memref_slice %arg12[%dma_wait3A_100, %dma_wait3A_101, %dma_wait3A_102] : memref<2x128x128xf32, #tpu.memory_space<vmem>> -> memref<1x128x128xf32, #tpu.memory_space<vmem>>
    %dma_wait3A_104 = tpu.memref_squeeze %dma_wait3A_103 : memref<1x128x128xf32, #tpu.memory_space<vmem>> -> memref<128x128xf32, #tpu.memory_space<vmem>>
    %dma_wait3A_105 = arith.constant 0 : i32
    %dma_wait3A_106 = tpu.memref_slice %arg10[%dma_wait3A, %dma_wait3A_105] : memref<2x128xi32, #tpu.memory_space<vmem>> -> memref<1x128xi32, #tpu.memory_space<vmem>>
    %dma_wait3A_107 = tpu.memref_squeeze %dma_wait3A_106 : memref<1x128xi32, #tpu.memory_space<vmem>> -> memref<128xi32, #tpu.memory_space<vmem>>
    %dma_wait3A_108 = arith.constant 0 : i32
    %dma_wait3A_109 = arith.constant 0 : i32
    %dma_wait3A_110 = tpu.memref_slice %arg4[%dma_wait3A_108, %dma_wait3A_109] : memref<100000x128xf32, #tpu.memory_space<hbm>> -> memref<100000x128xf32, #tpu.memory_space<hbm>>
    tpu.wait_indirect_dma semaphore(%arg16 : memref<!tpu.dma_semaphore, #tpu.memory_space<semaphore_mem>>) src(%dma_wait3A_110 : memref<100000x128xf32, #tpu.memory_space<hbm>>) dst(%dma_wait3A_104 : memref<128x128xf32, #tpu.memory_space<vmem>>)
    %dma_wait3A_111 = arith.constant 0 : i32
    %dma_wait3A_112 = arith.constant 0 : i32
    %dma_wait3A_113 = arith.constant 0 : i32
    %dma_wait3A_114 = arith.constant 0 : i32
    %dma_wait3A_115 = tpu.memref_slice %arg13[%dma_wait3A_112, %dma_wait3A_113, %dma_wait3A_114] : memref<2x128x128xf32, #tpu.memory_space<vmem>> -> memref<1x128x128xf32, #tpu.memory_space<vmem>>
    %dma_wait3A_116 = tpu.memref_squeeze %dma_wait3A_115 : memref<1x128x128xf32, #tpu.memory_space<vmem>> -> memref<128x128xf32, #tpu.memory_space<vmem>>
    %dma_wait3A_117 = arith.constant 0 : i32
    %dma_wait3A_118 = tpu.memref_slice %arg11[%dma_wait3A_111, %dma_wait3A_117] : memref<2x128xi32, #tpu.memory_space<vmem>> -> memref<1x128xi32, #tpu.memory_space<vmem>>
    %dma_wait3A_119 = tpu.memref_squeeze %dma_wait3A_118 : memref<1x128xi32, #tpu.memory_space<vmem>> -> memref<128xi32, #tpu.memory_space<vmem>>
    %dma_wait3A_120 = arith.constant 0 : i32
    %dma_wait3A_121 = arith.constant 0 : i32
    %dma_wait3A_122 = tpu.memref_slice %arg5[%dma_wait3A_120, %dma_wait3A_121] : memref<100000x128xf32, #tpu.memory_space<hbm>> -> memref<100000x128xf32, #tpu.memory_space<hbm>>
    tpu.wait_indirect_dma semaphore(%arg16 : memref<!tpu.dma_semaphore, #tpu.memory_space<semaphore_mem>>) src(%dma_wait3A_122 : memref<100000x128xf32, #tpu.memory_space<hbm>>) dst(%dma_wait3A_116 : memref<128x128xf32, #tpu.memory_space<vmem>>)
    %dma_wait3A_123 = arith.constant 0 : i32
    %dma_wait3A_124 = arith.constant 0 : i32
    %dma_wait3A_125 = arith.constant 0 : i32
    %dma_wait3A_126 = arith.constant 0 : i32
    %dma_wait3A_127 = tpu.memref_slice %arg14[%dma_wait3A_124, %dma_wait3A_125, %dma_wait3A_126] : memref<2x128x128xf32, #tpu.memory_space<vmem>> -> memref<1x128x128xf32, #tpu.memory_space<vmem>>
    %dma_wait3A_128 = tpu.memref_squeeze %dma_wait3A_127 : memref<1x128x128xf32, #tpu.memory_space<vmem>> -> memref<128x128xf32, #tpu.memory_space<vmem>>
    %dma_wait3A_129 = arith.constant 0 : i32
    %dma_wait3A_130 = tpu.memref_slice %arg11[%dma_wait3A_123, %dma_wait3A_129] : memref<2x128xi32, #tpu.memory_space<vmem>> -> memref<1x128xi32, #tpu.memory_space<vmem>>
    %dma_wait3A_131 = tpu.memref_squeeze %dma_wait3A_130 : memref<1x128xi32, #tpu.memory_space<vmem>> -> memref<128xi32, #tpu.memory_space<vmem>>
    %dma_wait3A_132 = arith.constant 0 : i32
    %dma_wait3A_133 = arith.constant 0 : i32
    %dma_wait3A_134 = tpu.memref_slice %arg7[%dma_wait3A_132, %dma_wait3A_133] : memref<100000x128xf32, #tpu.memory_space<hbm>> -> memref<100000x128xf32, #tpu.memory_space<hbm>>
    tpu.wait_indirect_dma semaphore(%arg16 : memref<!tpu.dma_semaphore, #tpu.memory_space<semaphore_mem>>) src(%dma_wait3A_134 : memref<100000x128xf32, #tpu.memory_space<hbm>>) dst(%dma_wait3A_128 : memref<128x128xf32, #tpu.memory_space<vmem>>)
    %dma_wait3A_135 = arith.constant 0 : i32
    %dma_wait3A_136 = arith.constant 0 : i32
    %dma_wait3A_137 = arith.constant 0 : i32
    %dma_wait3A_138 = tpu.memref_slice %arg15[%dma_wait3A_136, %dma_wait3A_137] : memref<2x128xf32, #tpu.memory_space<vmem>> -> memref<1x128xf32, #tpu.memory_space<vmem>>
    %dma_wait3A_139 = tpu.memref_squeeze %dma_wait3A_138 : memref<1x128xf32, #tpu.memory_space<vmem>> -> memref<128xf32, #tpu.memory_space<vmem>>
    %dma_wait3A_140 = arith.constant 0 : i32
    %dma_wait3A_141 = tpu.memref_slice %arg11[%dma_wait3A_135, %dma_wait3A_140] : memref<2x128xi32, #tpu.memory_space<vmem>> -> memref<1x128xi32, #tpu.memory_space<vmem>>
    %dma_wait3A_142 = tpu.memref_squeeze %dma_wait3A_141 : memref<1x128xi32, #tpu.memory_space<vmem>> -> memref<128xi32, #tpu.memory_space<vmem>>
    %dma_wait3A_143 = arith.constant 0 : i32
    %dma_wait3A_144 = tpu.memref_slice %arg6[%dma_wait3A_143] : memref<100000xf32, #tpu.memory_space<hbm>> -> memref<100000xf32, #tpu.memory_space<hbm>>
    tpu.wait_indirect_dma semaphore(%arg16 : memref<!tpu.dma_semaphore, #tpu.memory_space<semaphore_mem>>) src(%dma_wait3A_144 : memref<100000xf32, #tpu.memory_space<hbm>>) dst(%dma_wait3A_139 : memref<128xf32, #tpu.memory_space<vmem>>)
    %scan3A = arith.constant 0 : i32
    %scan3A_145 = arith.constant 0 : i32
    %scan3A_146 = arith.constant 128 : i32
    %scan3A_147 = arith.addi %scan3A_145, %scan3A_146 : i32
    %scan3A_148 = arith.constant 1 : i32
    scf.for %scan3A_298 = %scan3A_145 to %scan3A_147 step %scan3A_148  : i32 {
      %get3A = arith.constant 0 : i32
      %get3A_299 = arith.index_cast %get3A : i32 to index
      %get3A_300 = arith.index_cast %scan3A_298 : i32 to index
      %get3A_301 = arith.constant 0 : index
      %get3A_302 = tpu.vector_load %arg12[%get3A_299, %get3A_300, %get3A_301] {strides = array<i32>} : memref<2x128x128xf32, #tpu.memory_space<vmem>>, vector<1x1x16xf32>,
      %get3A_303 = vector.shape_cast %get3A_302 : vector<1x1x16xf32> to vector<16xf32>
      %neg3A = arith.constant 0.000000e+00 : f32
      %neg3A_304 = vector.broadcast %neg3A : f32 to vector<16xf32>
      %neg3A_305 = arith.subf %neg3A_304, %get3A_303 : vector<16xf32>
      %exp3A = math.exp %neg3A_305 : vector<16xf32>
      %get3A_306 = arith.constant 0 : i32
      %get3A_307 = arith.index_cast %get3A_306 : i32 to index
      %get3A_308 = arith.index_cast %scan3A_298 : i32 to index
      %get3A_309 = arith.constant 0 : index
      %get3A_310 = tpu.vector_load %arg13[%get3A_307, %get3A_308, %get3A_309] {strides = array<i32>} : memref<2x128x128xf32, #tpu.memory_space<vmem>>, vector<1x1x16xf32>,
      %get3A_311 = vector.shape_cast %get3A_310 : vector<1x1x16xf32> to vector<16xf32>
      %neg3A_312 = arith.constant 0.000000e+00 : f32
      %neg3A_313 = vector.broadcast %neg3A_312 : f32 to vector<16xf32>
      %neg3A_314 = arith.subf %neg3A_313, %get3A_311 : vector<16xf32>
      %exp3A_315 = math.exp %neg3A_314 : vector<16xf32>
      %get3A_316 = arith.constant 0 : i32
      %get3A_317 = arith.index_cast %get3A_316 : i32 to index
      %get3A_318 = arith.index_cast %scan3A_298 : i32 to index
      %get3A_319 = arith.constant 0 : index
      %get3A_320 = tpu.vector_load %arg14[%get3A_317, %get3A_318, %get3A_319] {strides = array<i32>} : memref<2x128x128xf32, #tpu.memory_space<vmem>>, vector<1x1x16xf32>,
      %get3A_321 = vector.shape_cast %get3A_320 : vector<1x1x16xf32> to vector<16xf32>
      %sub3A = arith.subf %exp3A_315, %exp3A : vector<16xf32>
      %add3A_322 = arith.constant 1.000000e+00 : f32
      %add3A_323 = vector.broadcast %add3A_322 : f32 to vector<16xf32>
      %add3A_324 = arith.addf %add3A_323, %exp3A : vector<16xf32>
      %add3A_325 = arith.constant 1.000000e+00 : f32
      %add3A_326 = vector.broadcast %add3A_325 : f32 to vector<16xf32>
      %add3A_327 = arith.addf %add3A_326, %exp3A_315 : vector<16xf32>
      %mul3A_328 = arith.mulf %add3A_324, %add3A_327 : vector<16xf32>
      %div3A = arith.divf %sub3A, %mul3A_328 : vector<16xf32>
      %mul3A_329 = arith.mulf %div3A, %get3A_321 : vector<16xf32>
      %swap3A = arith.constant 0 : i32
      %swap3A_330 = arith.index_cast %swap3A : i32 to index
      %swap3A_331 = arith.index_cast %scan3A_298 : i32 to index
      %swap3A_332 = arith.constant 0 : index
      %swap3A_333 = tpu.vector_load %arg12[%swap3A_330, %swap3A_331, %swap3A_332] {strides = array<i32>} : memref<2x128x128xf32, #tpu.memory_space<vmem>>, vector<1x1x16xf32>,
      %swap3A_334 = vector.shape_cast %swap3A_333 : vector<1x1x16xf32> to vector<16xf32>
      %swap3A_335 = vector.shape_cast %mul3A_329 : vector<16xf32> to vector<1x1x16xf32>
      tpu.vector_store %arg12[%swap3A_330, %swap3A_331, %swap3A_332], %swap3A_335 {strides = array<i32>} : memref<2x128x128xf32, #tpu.memory_space<vmem>>, vector<1x1x16xf32>,
      %get3A_336 = arith.constant 0 : i32
      %get3A_337 = arith.index_cast %get3A_336 : i32 to index
      %get3A_338 = arith.index_cast %scan3A_298 : i32 to index
      %get3A_339 = arith.constant 16 : index
      %get3A_340 = tpu.vector_load %arg12[%get3A_337, %get3A_338, %get3A_339] {strides = array<i32>} : memref<2x128x128xf32, #tpu.memory_space<vmem>>, vector<1x1x16xf32>,
      %get3A_341 = vector.shape_cast %get3A_340 : vector<1x1x16xf32> to vector<16xf32>
      %neg3A_342 = arith.constant 0.000000e+00 : f32
      %neg3A_343 = vector.broadcast %neg3A_342 : f32 to vector<16xf32>
      %neg3A_344 = arith.subf %neg3A_343, %get3A_341 : vector<16xf32>
      %exp3A_345 = math.exp %neg3A_344 : vector<16xf32>
      %get3A_346 = arith.constant 0 : i32
      %get3A_347 = arith.index_cast %get3A_346 : i32 to index
      %get3A_348 = arith.index_cast %scan3A_298 : i32 to index
      %get3A_349 = arith.constant 16 : index
      %get3A_350 = tpu.vector_load %arg13[%get3A_347, %get3A_348, %get3A_349] {strides = array<i32>} : memref<2x128x128xf32, #tpu.memory_space<vmem>>, vector<1x1x16xf32>,
      %get3A_351 = vector.shape_cast %get3A_350 : vector<1x1x16xf32> to vector<16xf32>
      %neg3A_352 = arith.constant 0.000000e+00 : f32
      %neg3A_353 = vector.broadcast %neg3A_352 : f32 to vector<16xf32>
      %neg3A_354 = arith.subf %neg3A_353, %get3A_351 : vector<16xf32>
      %exp3A_355 = math.exp %neg3A_354 : vector<16xf32>
      %get3A_356 = arith.constant 0 : i32
      %get3A_357 = arith.index_cast %get3A_356 : i32 to index
      %get3A_358 = arith.index_cast %scan3A_298 : i32 to index
      %get3A_359 = arith.constant 16 : index
      %get3A_360 = tpu.vector_load %arg14[%get3A_357, %get3A_358, %get3A_359] {strides = array<i32>} : memref<2x128x128xf32, #tpu.memory_space<vmem>>, vector<1x1x16xf32>,
      %get3A_361 = vector.shape_cast %get3A_360 : vector<1x1x16xf32> to vector<16xf32>
      %sub3A_362 = arith.subf %exp3A_355, %exp3A_345 : vector<16xf32>
      %add3A_363 = arith.constant 1.000000e+00 : f32
      %add3A_364 = vector.broadcast %add3A_363 : f32 to vector<16xf32>
      %add3A_365 = arith.addf %add3A_364, %exp3A_345 : vector<16xf32>
      %add3A_366 = arith.constant 1.000000e+00 : f32
      %add3A_367 = vector.broadcast %add3A_366 : f32 to vector<16xf32>
      %add3A_368 = arith.addf %add3A_367, %exp3A_355 : vector<16xf32>
      %mul3A_369 = arith.mulf %add3A_365, %add3A_368 : vector<16xf32>
      %div3A_370 = arith.divf %sub3A_362, %mul3A_369 : vector<16xf32>
      %mul3A_371 = arith.mulf %div3A_370, %get3A_361 : vector<16xf32>
      %swap3A_372 = arith.constant 0 : i32
      %swap3A_373 = arith.index_cast %swap3A_372 : i32 to index
      %swap3A_374 = arith.index_cast %scan3A_298 : i32 to index
      %swap3A_375 = arith.constant 16 : index
      %swap3A_376 = tpu.vector_load %arg12[%swap3A_373, %swap3A_374, %swap3A_375] {strides = array<i32>} : memref<2x128x128xf32, #tpu.memory_space<vmem>>, vector<1x1x16xf32>,
      %swap3A_377 = vector.shape_cast %swap3A_376 : vector<1x1x16xf32> to vector<16xf32>
      %swap3A_378 = vector.shape_cast %mul3A_371 : vector<16xf32> to vector<1x1x16xf32>
      tpu.vector_store %arg12[%swap3A_373, %swap3A_374, %swap3A_375], %swap3A_378 {strides = array<i32>} : memref<2x128x128xf32, #tpu.memory_space<vmem>>, vector<1x1x16xf32>,
      %get3A_379 = arith.constant 0 : i32
      %get3A_380 = arith.index_cast %get3A_379 : i32 to index
      %get3A_381 = arith.index_cast %scan3A_298 : i32 to index
      %get3A_382 = arith.constant 32 : index
      %get3A_383 = tpu.vector_load %arg12[%get3A_380, %get3A_381, %get3A_382] {strides = array<i32>} : memref<2x128x128xf32, #tpu.memory_space<vmem>>, vector<1x1x16xf32>,
      %get3A_384 = vector.shape_cast %get3A_383 : vector<1x1x16xf32> to vector<16xf32>
      %neg3A_385 = arith.constant 0.000000e+00 : f32
      %neg3A_386 = vector.broadcast %neg3A_385 : f32 to vector<16xf32>
      %neg3A_387 = arith.subf %neg3A_386, %get3A_384 : vector<16xf32>
      %exp3A_388 = math.exp %neg3A_387 : vector<16xf32>
      %get3A_389 = arith.constant 0 : i32
      %get3A_390 = arith.index_cast %get3A_389 : i32 to index
      %get3A_391 = arith.index_cast %scan3A_298 : i32 to index
      %get3A_392 = arith.constant 32 : index
      %get3A_393 = tpu.vector_load %arg13[%get3A_390, %get3A_391, %get3A_392] {strides = array<i32>} : memref<2x128x128xf32, #tpu.memory_space<vmem>>, vector<1x1x16xf32>,
      %get3A_394 = vector.shape_cast %get3A_393 : vector<1x1x16xf32> to vector<16xf32>
      %neg3A_395 = arith.constant 0.000000e+00 : f32
      %neg3A_396 = vector.broadcast %neg3A_395 : f32 to vector<16xf32>
      %neg3A_397 = arith.subf %neg3A_396, %get3A_394 : vector<16xf32>
      %exp3A_398 = math.exp %neg3A_397 : vector<16xf32>
      %get3A_399 = arith.constant 0 : i32
      %get3A_400 = arith.index_cast %get3A_399 : i32 to index
      %get3A_401 = arith.index_cast %scan3A_298 : i32 to index
      %get3A_402 = arith.constant 32 : index
      %get3A_403 = tpu.vector_load %arg14[%get3A_400, %get3A_401, %get3A_402] {strides = array<i32>} : memref<2x128x128xf32, #tpu.memory_space<vmem>>, vector<1x1x16xf32>,
      %get3A_404 = vector.shape_cast %get3A_403 : vector<1x1x16xf32> to vector<16xf32>
      %sub3A_405 = arith.subf %exp3A_398, %exp3A_388 : vector<16xf32>
      %add3A_406 = arith.constant 1.000000e+00 : f32
      %add3A_407 = vector.broadcast %add3A_406 : f32 to vector<16xf32>
      %add3A_408 = arith.addf %add3A_407, %exp3A_388 : vector<16xf32>
      %add3A_409 = arith.constant 1.000000e+00 : f32
      %add3A_410 = vector.broadcast %add3A_409 : f32 to vector<16xf32>
      %add3A_411 = arith.addf %add3A_410, %exp3A_398 : vector<16xf32>
      %mul3A_412 = arith.mulf %add3A_408, %add3A_411 : vector<16xf32>
      %div3A_413 = arith.divf %sub3A_405, %mul3A_412 : vector<16xf32>
      %mul3A_414 = arith.mulf %div3A_413, %get3A_404 : vector<16xf32>
      %swap3A_415 = arith.constant 0 : i32
      %swap3A_416 = arith.index_cast %swap3A_415 : i32 to index
      %swap3A_417 = arith.index_cast %scan3A_298 : i32 to index
      %swap3A_418 = arith.constant 32 : index
      %swap3A_419 = tpu.vector_load %arg12[%swap3A_416, %swap3A_417, %swap3A_418] {strides = array<i32>} : memref<2x128x128xf32, #tpu.memory_space<vmem>>, vector<1x1x16xf32>,
      %swap3A_420 = vector.shape_cast %swap3A_419 : vector<1x1x16xf32> to vector<16xf32>
      %swap3A_421 = vector.shape_cast %mul3A_414 : vector<16xf32> to vector<1x1x16xf32>
      tpu.vector_store %arg12[%swap3A_416, %swap3A_417, %swap3A_418], %swap3A_421 {strides = array<i32>} : memref<2x128x128xf32, #tpu.memory_space<vmem>>, vector<1x1x16xf32>,
      %get3A_422 = arith.constant 0 : i32
      %get3A_423 = arith.index_cast %get3A_422 : i32 to index
      %get3A_424 = arith.index_cast %scan3A_298 : i32 to index
      %get3A_425 = arith.constant 48 : index
      %get3A_426 = tpu.vector_load %arg12[%get3A_423, %get3A_424, %get3A_425] {strides = array<i32>} : memref<2x128x128xf32, #tpu.memory_space<vmem>>, vector<1x1x16xf32>,
      %get3A_427 = vector.shape_cast %get3A_426 : vector<1x1x16xf32> to vector<16xf32>
      %neg3A_428 = arith.constant 0.000000e+00 : f32
      %neg3A_429 = vector.broadcast %neg3A_428 : f32 to vector<16xf32>
      %neg3A_430 = arith.subf %neg3A_429, %get3A_427 : vector<16xf32>
      %exp3A_431 = math.exp %neg3A_430 : vector<16xf32>
      %get3A_432 = arith.constant 0 : i32
      %get3A_433 = arith.index_cast %get3A_432 : i32 to index
      %get3A_434 = arith.index_cast %scan3A_298 : i32 to index
      %get3A_435 = arith.constant 48 : index
      %get3A_436 = tpu.vector_load %arg13[%get3A_433, %get3A_434, %get3A_435] {strides = array<i32>} : memref<2x128x128xf32, #tpu.memory_space<vmem>>, vector<1x1x16xf32>,
      %get3A_437 = vector.shape_cast %get3A_436 : vector<1x1x16xf32> to vector<16xf32>
      %neg3A_438 = arith.constant 0.000000e+00 : f32
      %neg3A_439 = vector.broadcast %neg3A_438 : f32 to vector<16xf32>
      %neg3A_440 = arith.subf %neg3A_439, %get3A_437 : vector<16xf32>
      %exp3A_441 = math.exp %neg3A_440 : vector<16xf32>
      %get3A_442 = arith.constant 0 : i32
      %get3A_443 = arith.index_cast %get3A_442 : i32 to index
      %get3A_444 = arith.index_cast %scan3A_298 : i32 to index
      %get3A_445 = arith.constant 48 : index
      %get3A_446 = tpu.vector_load %arg14[%get3A_443, %get3A_444, %get3A_445] {strides = array<i32>} : memref<2x128x128xf32, #tpu.memory_space<vmem>>, vector<1x1x16xf32>,
      %get3A_447 = vector.shape_cast %get3A_446 : vector<1x1x16xf32> to vector<16xf32>
      %sub3A_448 = arith.subf %exp3A_441, %exp3A_431 : vector<16xf32>
      %add3A_449 = arith.constant 1.000000e+00 : f32
      %add3A_450 = vector.broadcast %add3A_449 : f32 to vector<16xf32>
      %add3A_451 = arith.addf %add3A_450, %exp3A_431 : vector<16xf32>
      %add3A_452 = arith.constant 1.000000e+00 : f32
      %add3A_453 = vector.broadcast %add3A_452 : f32 to vector<16xf32>
      %add3A_454 = arith.addf %add3A_453, %exp3A_441 : vector<16xf32>
      %mul3A_455 = arith.mulf %add3A_451, %add3A_454 : vector<16xf32>
      %div3A_456 = arith.divf %sub3A_448, %mul3A_455 : vector<16xf32>
      %mul3A_457 = arith.mulf %div3A_456, %get3A_447 : vector<16xf32>
      %swap3A_458 = arith.constant 0 : i32
      %swap3A_459 = arith.index_cast %swap3A_458 : i32 to index
      %swap3A_460 = arith.index_cast %scan3A_298 : i32 to index
      %swap3A_461 = arith.constant 48 : index
      %swap3A_462 = tpu.vector_load %arg12[%swap3A_459, %swap3A_460, %swap3A_461] {strides = array<i32>} : memref<2x128x128xf32, #tpu.memory_space<vmem>>, vector<1x1x16xf32>,
      %swap3A_463 = vector.shape_cast %swap3A_462 : vector<1x1x16xf32> to vector<16xf32>
      %swap3A_464 = vector.shape_cast %mul3A_457 : vector<16xf32> to vector<1x1x16xf32>
      tpu.vector_store %arg12[%swap3A_459, %swap3A_460, %swap3A_461], %swap3A_464 {strides = array<i32>} : memref<2x128x128xf32, #tpu.memory_space<vmem>>, vector<1x1x16xf32>,
      %get3A_465 = arith.constant 0 : i32
      %get3A_466 = arith.index_cast %get3A_465 : i32 to index
      %get3A_467 = arith.index_cast %scan3A_298 : i32 to index
      %get3A_468 = arith.constant 64 : index
      %get3A_469 = tpu.vector_load %arg12[%get3A_466, %get3A_467, %get3A_468] {strides = array<i32>} : memref<2x128x128xf32, #tpu.memory_space<vmem>>, vector<1x1x16xf32>,
      %get3A_470 = vector.shape_cast %get3A_469 : vector<1x1x16xf32> to vector<16xf32>
      %neg3A_471 = arith.constant 0.000000e+00 : f32
      %neg3A_472 = vector.broadcast %neg3A_471 : f32 to vector<16xf32>
      %neg3A_473 = arith.subf %neg3A_472, %get3A_470 : vector<16xf32>
      %exp3A_474 = math.exp %neg3A_473 : vector<16xf32>
      %get3A_475 = arith.constant 0 : i32
      %get3A_476 = arith.index_cast %get3A_475 : i32 to index
      %get3A_477 = arith.index_cast %scan3A_298 : i32 to index
      %get3A_478 = arith.constant 64 : index
      %get3A_479 = tpu.vector_load %arg13[%get3A_476, %get3A_477, %get3A_478] {strides = array<i32>} : memref<2x128x128xf32, #tpu.memory_space<vmem>>, vector<1x1x16xf32>,
      %get3A_480 = vector.shape_cast %get3A_479 : vector<1x1x16xf32> to vector<16xf32>
      %neg3A_481 = arith.constant 0.000000e+00 : f32
      %neg3A_482 = vector.broadcast %neg3A_481 : f32 to vector<16xf32>
      %neg3A_483 = arith.subf %neg3A_482, %get3A_480 : vector<16xf32>
      %exp3A_484 = math.exp %neg3A_483 : vector<16xf32>
      %get3A_485 = arith.constant 0 : i32
      %get3A_486 = arith.index_cast %get3A_485 : i32 to index
      %get3A_487 = arith.index_cast %scan3A_298 : i32 to index
      %get3A_488 = arith.constant 64 : index
      %get3A_489 = tpu.vector_load %arg14[%get3A_486, %get3A_487, %get3A_488] {strides = array<i32>} : memref<2x128x128xf32, #tpu.memory_space<vmem>>, vector<1x1x16xf32>,
      %get3A_490 = vector.shape_cast %get3A_489 : vector<1x1x16xf32> to vector<16xf32>
      %sub3A_491 = arith.subf %exp3A_484, %exp3A_474 : vector<16xf32>
      %add3A_492 = arith.constant 1.000000e+00 : f32
      %add3A_493 = vector.broadcast %add3A_492 : f32 to vector<16xf32>
      %add3A_494 = arith.addf %add3A_493, %exp3A_474 : vector<16xf32>
      %add3A_495 = arith.constant 1.000000e+00 : f32
      %add3A_496 = vector.broadcast %add3A_495 : f32 to vector<16xf32>
      %add3A_497 = arith.addf %add3A_496, %exp3A_484 : vector<16xf32>
      %mul3A_498 = arith.mulf %add3A_494, %add3A_497 : vector<16xf32>
      %div3A_499 = arith.divf %sub3A_491, %mul3A_498 : vector<16xf32>
      %mul3A_500 = arith.mulf %div3A_499, %get3A_490 : vector<16xf32>
      %swap3A_501 = arith.constant 0 : i32
      %swap3A_502 = arith.index_cast %swap3A_501 : i32 to index
      %swap3A_503 = arith.index_cast %scan3A_298 : i32 to index
      %swap3A_504 = arith.constant 64 : index
      %swap3A_505 = tpu.vector_load %arg12[%swap3A_502, %swap3A_503, %swap3A_504] {strides = array<i32>} : memref<2x128x128xf32, #tpu.memory_space<vmem>>, vector<1x1x16xf32>,
      %swap3A_506 = vector.shape_cast %swap3A_505 : vector<1x1x16xf32> to vector<16xf32>
      %swap3A_507 = vector.shape_cast %mul3A_500 : vector<16xf32> to vector<1x1x16xf32>
      tpu.vector_store %arg12[%swap3A_502, %swap3A_503, %swap3A_504], %swap3A_507 {strides = array<i32>} : memref<2x128x128xf32, #tpu.memory_space<vmem>>, vector<1x1x16xf32>,
      %get3A_508 = arith.constant 0 : i32
      %get3A_509 = arith.index_cast %get3A_508 : i32 to index
      %get3A_510 = arith.index_cast %scan3A_298 : i32 to index
      %get3A_511 = arith.constant 80 : index
      %get3A_512 = tpu.vector_load %arg12[%get3A_509, %get3A_510, %get3A_511] {strides = array<i32>} : memref<2x128x128xf32, #tpu.memory_space<vmem>>, vector<1x1x16xf32>,
      %get3A_513 = vector.shape_cast %get3A_512 : vector<1x1x16xf32> to vector<16xf32>
      %neg3A_514 = arith.constant 0.000000e+00 : f32
      %neg3A_515 = vector.broadcast %neg3A_514 : f32 to vector<16xf32>
      %neg3A_516 = arith.subf %neg3A_515, %get3A_513 : vector<16xf32>
      %exp3A_517 = math.exp %neg3A_516 : vector<16xf32>
      %get3A_518 = arith.constant 0 : i32
      %get3A_519 = arith.index_cast %get3A_518 : i32 to index
      %get3A_520 = arith.index_cast %scan3A_298 : i32 to index
      %get3A_521 = arith.constant 80 : index
      %get3A_522 = tpu.vector_load %arg13[%get3A_519, %get3A_520, %get3A_521] {strides = array<i32>} : memref<2x128x128xf32, #tpu.memory_space<vmem>>, vector<1x1x16xf32>,
      %get3A_523 = vector.shape_cast %get3A_522 : vector<1x1x16xf32> to vector<16xf32>
      %neg3A_524 = arith.constant 0.000000e+00 : f32
      %neg3A_525 = vector.broadcast %neg3A_524 : f32 to vector<16xf32>
      %neg3A_526 = arith.subf %neg3A_525, %get3A_523 : vector<16xf32>
      %exp3A_527 = math.exp %neg3A_526 : vector<16xf32>
      %get3A_528 = arith.constant 0 : i32
      %get3A_529 = arith.index_cast %get3A_528 : i32 to index
      %get3A_530 = arith.index_cast %scan3A_298 : i32 to index
      %get3A_531 = arith.constant 80 : index
      %get3A_532 = tpu.vector_load %arg14[%get3A_529, %get3A_530, %get3A_531] {strides = array<i32>} : memref<2x128x128xf32, #tpu.memory_space<vmem>>, vector<1x1x16xf32>,
      %get3A_533 = vector.shape_cast %get3A_532 : vector<1x1x16xf32> to vector<16xf32>
      %sub3A_534 = arith.subf %exp3A_527, %exp3A_517 : vector<16xf32>
      %add3A_535 = arith.constant 1.000000e+00 : f32
      %add3A_536 = vector.broadcast %add3A_535 : f32 to vector<16xf32>
      %add3A_537 = arith.addf %add3A_536, %exp3A_517 : vector<16xf32>
      %add3A_538 = arith.constant 1.000000e+00 : f32
      %add3A_539 = vector.broadcast %add3A_538 : f32 to vector<16xf32>
      %add3A_540 = arith.addf %add3A_539, %exp3A_527 : vector<16xf32>
      %mul3A_541 = arith.mulf %add3A_537, %add3A_540 : vector<16xf32>
      %div3A_542 = arith.divf %sub3A_534, %mul3A_541 : vector<16xf32>
      %mul3A_543 = arith.mulf %div3A_542, %get3A_533 : vector<16xf32>
      %swap3A_544 = arith.constant 0 : i32
      %swap3A_545 = arith.index_cast %swap3A_544 : i32 to index
      %swap3A_546 = arith.index_cast %scan3A_298 : i32 to index
      %swap3A_547 = arith.constant 80 : index
      %swap3A_548 = tpu.vector_load %arg12[%swap3A_545, %swap3A_546, %swap3A_547] {strides = array<i32>} : memref<2x128x128xf32, #tpu.memory_space<vmem>>, vector<1x1x16xf32>,
      %swap3A_549 = vector.shape_cast %swap3A_548 : vector<1x1x16xf32> to vector<16xf32>
      %swap3A_550 = vector.shape_cast %mul3A_543 : vector<16xf32> to vector<1x1x16xf32>
      tpu.vector_store %arg12[%swap3A_545, %swap3A_546, %swap3A_547], %swap3A_550 {strides = array<i32>} : memref<2x128x128xf32, #tpu.memory_space<vmem>>, vector<1x1x16xf32>,
      %get3A_551 = arith.constant 0 : i32
      %get3A_552 = arith.index_cast %get3A_551 : i32 to index
      %get3A_553 = arith.index_cast %scan3A_298 : i32 to index
      %get3A_554 = arith.constant 96 : index
      %get3A_555 = tpu.vector_load %arg12[%get3A_552, %get3A_553, %get3A_554] {strides = array<i32>} : memref<2x128x128xf32, #tpu.memory_space<vmem>>, vector<1x1x16xf32>,
      %get3A_556 = vector.shape_cast %get3A_555 : vector<1x1x16xf32> to vector<16xf32>
      %neg3A_557 = arith.constant 0.000000e+00 : f32
      %neg3A_558 = vector.broadcast %neg3A_557 : f32 to vector<16xf32>
      %neg3A_559 = arith.subf %neg3A_558, %get3A_556 : vector<16xf32>
      %exp3A_560 = math.exp %neg3A_559 : vector<16xf32>
      %get3A_561 = arith.constant 0 : i32
      %get3A_562 = arith.index_cast %get3A_561 : i32 to index
      %get3A_563 = arith.index_cast %scan3A_298 : i32 to index
      %get3A_564 = arith.constant 96 : index
      %get3A_565 = tpu.vector_load %arg13[%get3A_562, %get3A_563, %get3A_564] {strides = array<i32>} : memref<2x128x128xf32, #tpu.memory_space<vmem>>, vector<1x1x16xf32>,
      %get3A_566 = vector.shape_cast %get3A_565 : vector<1x1x16xf32> to vector<16xf32>
      %neg3A_567 = arith.constant 0.000000e+00 : f32
      %neg3A_568 = vector.broadcast %neg3A_567 : f32 to vector<16xf32>
      %neg3A_569 = arith.subf %neg3A_568, %get3A_566 : vector<16xf32>
      %exp3A_570 = math.exp %neg3A_569 : vector<16xf32>
      %get3A_571 = arith.constant 0 : i32
      %get3A_572 = arith.index_cast %get3A_571 : i32 to index
      %get3A_573 = arith.index_cast %scan3A_298 : i32 to index
      %get3A_574 = arith.constant 96 : index
      %get3A_575 = tpu.vector_load %arg14[%get3A_572, %get3A_573, %get3A_574] {strides = array<i32>} : memref<2x128x128xf32, #tpu.memory_space<vmem>>, vector<1x1x16xf32>,
      %get3A_576 = vector.shape_cast %get3A_575 : vector<1x1x16xf32> to vector<16xf32>
      %sub3A_577 = arith.subf %exp3A_570, %exp3A_560 : vector<16xf32>
      %add3A_578 = arith.constant 1.000000e+00 : f32
      %add3A_579 = vector.broadcast %add3A_578 : f32 to vector<16xf32>
      %add3A_580 = arith.addf %add3A_579, %exp3A_560 : vector<16xf32>
      %add3A_581 = arith.constant 1.000000e+00 : f32
      %add3A_582 = vector.broadcast %add3A_581 : f32 to vector<16xf32>
      %add3A_583 = arith.addf %add3A_582, %exp3A_570 : vector<16xf32>
      %mul3A_584 = arith.mulf %add3A_580, %add3A_583 : vector<16xf32>
      %div3A_585 = arith.divf %sub3A_577, %mul3A_584 : vector<16xf32>
      %mul3A_586 = arith.mulf %div3A_585, %get3A_576 : vector<16xf32>
      %swap3A_587 = arith.constant 0 : i32
      %swap3A_588 = arith.index_cast %swap3A_587 : i32 to index
      %swap3A_589 = arith.index_cast %scan3A_298 : i32 to index
      %swap3A_590 = arith.constant 96 : index
      %swap3A_591 = tpu.vector_load %arg12[%swap3A_588, %swap3A_589, %swap3A_590] {strides = array<i32>} : memref<2x128x128xf32, #tpu.memory_space<vmem>>, vector<1x1x16xf32>,
      %swap3A_592 = vector.shape_cast %swap3A_591 : vector<1x1x16xf32> to vector<16xf32>
      %swap3A_593 = vector.shape_cast %mul3A_586 : vector<16xf32> to vector<1x1x16xf32>
      tpu.vector_store %arg12[%swap3A_588, %swap3A_589, %swap3A_590], %swap3A_593 {strides = array<i32>} : memref<2x128x128xf32, #tpu.memory_space<vmem>>, vector<1x1x16xf32>,
      %get3A_594 = arith.constant 0 : i32
      %get3A_595 = arith.index_cast %get3A_594 : i32 to index
      %get3A_596 = arith.index_cast %scan3A_298 : i32 to index
      %get3A_597 = arith.constant 112 : index
      %get3A_598 = tpu.vector_load %arg12[%get3A_595, %get3A_596, %get3A_597] {strides = array<i32>} : memref<2x128x128xf32, #tpu.memory_space<vmem>>, vector<1x1x16xf32>,
      %get3A_599 = vector.shape_cast %get3A_598 : vector<1x1x16xf32> to vector<16xf32>
      %neg3A_600 = arith.constant 0.000000e+00 : f32
      %neg3A_601 = vector.broadcast %neg3A_600 : f32 to vector<16xf32>
      %neg3A_602 = arith.subf %neg3A_601, %get3A_599 : vector<16xf32>
      %exp3A_603 = math.exp %neg3A_602 : vector<16xf32>
      %get3A_604 = arith.constant 0 : i32
      %get3A_605 = arith.index_cast %get3A_604 : i32 to index
      %get3A_606 = arith.index_cast %scan3A_298 : i32 to index
      %get3A_607 = arith.constant 112 : index
      %get3A_608 = tpu.vector_load %arg13[%get3A_605, %get3A_606, %get3A_607] {strides = array<i32>} : memref<2x128x128xf32, #tpu.memory_space<vmem>>, vector<1x1x16xf32>,
      %get3A_609 = vector.shape_cast %get3A_608 : vector<1x1x16xf32> to vector<16xf32>
      %neg3A_610 = arith.constant 0.000000e+00 : f32
      %neg3A_611 = vector.broadcast %neg3A_610 : f32 to vector<16xf32>
      %neg3A_612 = arith.subf %neg3A_611, %get3A_609 : vector<16xf32>
      %exp3A_613 = math.exp %neg3A_612 : vector<16xf32>
      %get3A_614 = arith.constant 0 : i32
      %get3A_615 = arith.index_cast %get3A_614 : i32 to index
      %get3A_616 = arith.index_cast %scan3A_298 : i32 to index
      %get3A_617 = arith.constant 112 : index
      %get3A_618 = tpu.vector_load %arg14[%get3A_615, %get3A_616, %get3A_617] {strides = array<i32>} : memref<2x128x128xf32, #tpu.memory_space<vmem>>, vector<1x1x16xf32>,
      %get3A_619 = vector.shape_cast %get3A_618 : vector<1x1x16xf32> to vector<16xf32>
      %sub3A_620 = arith.subf %exp3A_613, %exp3A_603 : vector<16xf32>
      %add3A_621 = arith.constant 1.000000e+00 : f32
      %add3A_622 = vector.broadcast %add3A_621 : f32 to vector<16xf32>
      %add3A_623 = arith.addf %add3A_622, %exp3A_603 : vector<16xf32>
      %add3A_624 = arith.constant 1.000000e+00 : f32
      %add3A_625 = vector.broadcast %add3A_624 : f32 to vector<16xf32>
      %add3A_626 = arith.addf %add3A_625, %exp3A_613 : vector<16xf32>
      %mul3A_627 = arith.mulf %add3A_623, %add3A_626 : vector<16xf32>
      %div3A_628 = arith.divf %sub3A_620, %mul3A_627 : vector<16xf32>
      %mul3A_629 = arith.mulf %div3A_628, %get3A_619 : vector<16xf32>
      %swap3A_630 = arith.constant 0 : i32
      %swap3A_631 = arith.index_cast %swap3A_630 : i32 to index
      %swap3A_632 = arith.index_cast %scan3A_298 : i32 to index
      %swap3A_633 = arith.constant 112 : index
      %swap3A_634 = tpu.vector_load %arg12[%swap3A_631, %swap3A_632, %swap3A_633] {strides = array<i32>} : memref<2x128x128xf32, #tpu.memory_space<vmem>>, vector<1x1x16xf32>,
      %swap3A_635 = vector.shape_cast %swap3A_634 : vector<1x1x16xf32> to vector<16xf32>
      %swap3A_636 = vector.shape_cast %mul3A_629 : vector<16xf32> to vector<1x1x16xf32>
      tpu.vector_store %arg12[%swap3A_631, %swap3A_632, %swap3A_633], %swap3A_636 {strides = array<i32>} : memref<2x128x128xf32, #tpu.memory_space<vmem>>, vector<1x1x16xf32>,
    }
    %scan3A_149 = arith.constant 128 : i32
    %mul3A_150 = arith.constant 256 : i32
    %mul3A_151 = arith.muli %add3A, %mul3A_150 : i32
    %add3A_152 = arith.constant 0 : i32
    %add3A_153 = arith.addi %mul3A_151, %add3A_152 : i32
    %dma_start3A_154 = arith.constant 0 : i32
    %dma_start3A_155 = arith.constant 0 : i32
    %dma_start3A_156 = arith.constant 0 : i32
    %dma_start3A_157 = tpu.memref_slice %arg12[%dma_start3A_154, %dma_start3A_155, %dma_start3A_156] : memref<2x128x128xf32, #tpu.memory_space<vmem>> -> memref<1x128x128xf32, #tpu.memory_space<vmem>>
    %dma_start3A_158 = tpu.memref_squeeze %dma_start3A_157 : memref<1x128x128xf32, #tpu.memory_space<vmem>> -> memref<128x128xf32, #tpu.memory_space<vmem>>
    %dma_start3A_159 = arith.constant 0 : i32
    %dma_start3A_160 = tpu.memref_slice %arg8[%add3A_153, %dma_start3A_159] : memref<8192x128xf32, #tpu.memory_space<hbm>> -> memref<128x128xf32, #tpu.memory_space<hbm>>
    %dma_start3A_161 = arith.constant 0 : i32
    %dma_start3A_162 = tpu.memref_slice %arg8[%add3A_153, %dma_start3A_161] : memref<8192x128xf32, #tpu.memory_space<hbm>> -> memref<128x128xf32, #tpu.memory_space<hbm>>
    %dma_start3A_163 = arith.constant 0 : i32
    %dma_start3A_164 = arith.constant 0 : i32
    %dma_start3A_165 = tpu.memref_slice %arg12[%dma_start3A_154, %dma_start3A_163, %dma_start3A_164] : memref<2x128x128xf32, #tpu.memory_space<vmem>> -> memref<1x128x128xf32, #tpu.memory_space<vmem>>
    %dma_start3A_166 = tpu.memref_squeeze %dma_start3A_165 : memref<1x128x128xf32, #tpu.memory_space<vmem>> -> memref<128x128xf32, #tpu.memory_space<vmem>>
    tpu.enqueue_dma source(%dma_start3A_166 : memref<128x128xf32, #tpu.memory_space<vmem>>) target(%dma_start3A_162 : memref<128x128xf32, #tpu.memory_space<hbm>>) target_semaphore(%arg18 : memref<!tpu.dma_semaphore, #tpu.memory_space<semaphore_mem>>)
    %dma_start3A_167 = arith.constant 0 : i32
    %dma_start3A_168 = arith.constant 0 : i32
    %dma_start3A_169 = tpu.memref_slice %arg15[%dma_start3A_167, %dma_start3A_168] : memref<2x128xf32, #tpu.memory_space<vmem>> -> memref<1x128xf32, #tpu.memory_space<vmem>>
    %dma_start3A_170 = tpu.memref_squeeze %dma_start3A_169 : memref<1x128xf32, #tpu.memory_space<vmem>> -> memref<128xf32, #tpu.memory_space<vmem>>
    %dma_start3A_171 = tpu.memref_slice %arg9[%add3A_153] : memref<8192xf32, #tpu.memory_space<hbm>> -> memref<128xf32, #tpu.memory_space<hbm>>
    %dma_start3A_172 = tpu.memref_slice %arg9[%add3A_153] : memref<8192xf32, #tpu.memory_space<hbm>> -> memref<128xf32, #tpu.memory_space<hbm>>
    %dma_start3A_173 = arith.constant 0 : i32
    %dma_start3A_174 = tpu.memref_slice %arg15[%dma_start3A_167, %dma_start3A_173] : memref<2x128xf32, #tpu.memory_space<vmem>> -> memref<1x128xf32, #tpu.memory_space<vmem>>
    %dma_start3A_175 = tpu.memref_squeeze %dma_start3A_174 : memref<1x128xf32, #tpu.memory_space<vmem>> -> memref<128xf32, #tpu.memory_space<vmem>>
    tpu.enqueue_dma source(%dma_start3A_175 : memref<128xf32, #tpu.memory_space<vmem>>) target(%dma_start3A_172 : memref<128xf32, #tpu.memory_space<hbm>>) target_semaphore(%arg18 : memref<!tpu.dma_semaphore, #tpu.memory_space<semaphore_mem>>)
    %dma_wait3A_176 = arith.constant 1 : i32
    %dma_wait3A_177 = arith.constant 1 : i32
    %dma_wait3A_178 = arith.constant 0 : i32
    %dma_wait3A_179 = arith.constant 0 : i32
    %dma_wait3A_180 = tpu.memref_slice %arg12[%dma_wait3A_177, %dma_wait3A_178, %dma_wait3A_179] : memref<2x128x128xf32, #tpu.memory_space<vmem>> -> memref<1x128x128xf32, #tpu.memory_space<vmem>>
    %dma_wait3A_181 = tpu.memref_squeeze %dma_wait3A_180 : memref<1x128x128xf32, #tpu.memory_space<vmem>> -> memref<128x128xf32, #tpu.memory_space<vmem>>
    %dma_wait3A_182 = arith.constant 0 : i32
    %dma_wait3A_183 = tpu.memref_slice %arg10[%dma_wait3A_176, %dma_wait3A_182] : memref<2x128xi32, #tpu.memory_space<vmem>> -> memref<1x128xi32, #tpu.memory_space<vmem>>
    %dma_wait3A_184 = tpu.memref_squeeze %dma_wait3A_183 : memref<1x128xi32, #tpu.memory_space<vmem>> -> memref<128xi32, #tpu.memory_space<vmem>>
    %dma_wait3A_185 = arith.constant 0 : i32
    %dma_wait3A_186 = arith.constant 0 : i32
    %dma_wait3A_187 = tpu.memref_slice %arg4[%dma_wait3A_185, %dma_wait3A_186] : memref<100000x128xf32, #tpu.memory_space<hbm>> -> memref<100000x128xf32, #tpu.memory_space<hbm>>
    tpu.wait_indirect_dma semaphore(%arg17 : memref<!tpu.dma_semaphore, #tpu.memory_space<semaphore_mem>>) src(%dma_wait3A_187 : memref<100000x128xf32, #tpu.memory_space<hbm>>) dst(%dma_wait3A_181 : memref<128x128xf32, #tpu.memory_space<vmem>>)
    %dma_wait3A_188 = arith.constant 1 : i32
    %dma_wait3A_189 = arith.constant 1 : i32
    %dma_wait3A_190 = arith.constant 0 : i32
    %dma_wait3A_191 = arith.constant 0 : i32
    %dma_wait3A_192 = tpu.memref_slice %arg13[%dma_wait3A_189, %dma_wait3A_190, %dma_wait3A_191] : memref<2x128x128xf32, #tpu.memory_space<vmem>> -> memref<1x128x128xf32, #tpu.memory_space<vmem>>
    %dma_wait3A_193 = tpu.memref_squeeze %dma_wait3A_192 : memref<1x128x128xf32, #tpu.memory_space<vmem>> -> memref<128x128xf32, #tpu.memory_space<vmem>>
    %dma_wait3A_194 = arith.constant 0 : i32
    %dma_wait3A_195 = tpu.memref_slice %arg11[%dma_wait3A_188, %dma_wait3A_194] : memref<2x128xi32, #tpu.memory_space<vmem>> -> memref<1x128xi32, #tpu.memory_space<vmem>>
    %dma_wait3A_196 = tpu.memref_squeeze %dma_wait3A_195 : memref<1x128xi32, #tpu.memory_space<vmem>> -> memref<128xi32, #tpu.memory_space<vmem>>
    %dma_wait3A_197 = arith.constant 0 : i32
    %dma_wait3A_198 = arith.constant 0 : i32
    %dma_wait3A_199 = tpu.memref_slice %arg5[%dma_wait3A_197, %dma_wait3A_198] : memref<100000x128xf32, #tpu.memory_space<hbm>> -> memref<100000x128xf32, #tpu.memory_space<hbm>>
    tpu.wait_indirect_dma semaphore(%arg17 : memref<!tpu.dma_semaphore, #tpu.memory_space<semaphore_mem>>) src(%dma_wait3A_199 : memref<100000x128xf32, #tpu.memory_space<hbm>>) dst(%dma_wait3A_193 : memref<128x128xf32, #tpu.memory_space<vmem>>)
    %dma_wait3A_200 = arith.constant 1 : i32
    %dma_wait3A_201 = arith.constant 1 : i32
    %dma_wait3A_202 = arith.constant 0 : i32
    %dma_wait3A_203 = arith.constant 0 : i32
    %dma_wait3A_204 = tpu.memref_slice %arg14[%dma_wait3A_201, %dma_wait3A_202, %dma_wait3A_203] : memref<2x128x128xf32, #tpu.memory_space<vmem>> -> memref<1x128x128xf32, #tpu.memory_space<vmem>>
    %dma_wait3A_205 = tpu.memref_squeeze %dma_wait3A_204 : memref<1x128x128xf32, #tpu.memory_space<vmem>> -> memref<128x128xf32, #tpu.memory_space<vmem>>
    %dma_wait3A_206 = arith.constant 0 : i32
    %dma_wait3A_207 = tpu.memref_slice %arg11[%dma_wait3A_200, %dma_wait3A_206] : memref<2x128xi32, #tpu.memory_space<vmem>> -> memref<1x128xi32, #tpu.memory_space<vmem>>
    %dma_wait3A_208 = tpu.memref_squeeze %dma_wait3A_207 : memref<1x128xi32, #tpu.memory_space<vmem>> -> memref<128xi32, #tpu.memory_space<vmem>>
    %dma_wait3A_209 = arith.constant 0 : i32
    %dma_wait3A_210 = arith.constant 0 : i32
    %dma_wait3A_211 = tpu.memref_slice %arg7[%dma_wait3A_209, %dma_wait3A_210] : memref<100000x128xf32, #tpu.memory_space<hbm>> -> memref<100000x128xf32, #tpu.memory_space<hbm>>
    tpu.wait_indirect_dma semaphore(%arg17 : memref<!tpu.dma_semaphore, #tpu.memory_space<semaphore_mem>>) src(%dma_wait3A_211 : memref<100000x128xf32, #tpu.memory_space<hbm>>) dst(%dma_wait3A_205 : memref<128x128xf32, #tpu.memory_space<vmem>>)
    %dma_wait3A_212 = arith.constant 1 : i32
    %dma_wait3A_213 = arith.constant 1 : i32
    %dma_wait3A_214 = arith.constant 0 : i32
    %dma_wait3A_215 = tpu.memref_slice %arg15[%dma_wait3A_213, %dma_wait3A_214] : memref<2x128xf32, #tpu.memory_space<vmem>> -> memref<1x128xf32, #tpu.memory_space<vmem>>
    %dma_wait3A_216 = tpu.memref_squeeze %dma_wait3A_215 : memref<1x128xf32, #tpu.memory_space<vmem>> -> memref<128xf32, #tpu.memory_space<vmem>>
    %dma_wait3A_217 = arith.constant 0 : i32
    %dma_wait3A_218 = tpu.memref_slice %arg11[%dma_wait3A_212, %dma_wait3A_217] : memref<2x128xi32, #tpu.memory_space<vmem>> -> memref<1x128xi32, #tpu.memory_space<vmem>>
    %dma_wait3A_219 = tpu.memref_squeeze %dma_wait3A_218 : memref<1x128xi32, #tpu.memory_space<vmem>> -> memref<128xi32, #tpu.memory_space<vmem>>
    %dma_wait3A_220 = arith.constant 0 : i32
    %dma_wait3A_221 = tpu.memref_slice %arg6[%dma_wait3A_220] : memref<100000xf32, #tpu.memory_space<hbm>> -> memref<100000xf32, #tpu.memory_space<hbm>>
    tpu.wait_indirect_dma semaphore(%arg17 : memref<!tpu.dma_semaphore, #tpu.memory_space<semaphore_mem>>) src(%dma_wait3A_221 : memref<100000xf32, #tpu.memory_space<hbm>>) dst(%dma_wait3A_216 : memref<128xf32, #tpu.memory_space<vmem>>)
    %scan3A_222 = arith.constant 0 : i32
    %scan3A_223 = arith.constant 0 : i32
    %scan3A_224 = arith.constant 128 : i32
    %scan3A_225 = arith.addi %scan3A_223, %scan3A_224 : i32
    %scan3A_226 = arith.constant 1 : i32
    scf.for %scan3A_298 = %scan3A_223 to %scan3A_225 step %scan3A_226  : i32 {
      %get3A = arith.constant 1 : i32
      %get3A_299 = arith.index_cast %get3A : i32 to index
      %get3A_300 = arith.index_cast %scan3A_298 : i32 to index
      %get3A_301 = arith.constant 0 : index
      %get3A_302 = tpu.vector_load %arg12[%get3A_299, %get3A_300, %get3A_301] {strides = array<i32>} : memref<2x128x128xf32, #tpu.memory_space<vmem>>, vector<1x1x16xf32>,
      %get3A_303 = vector.shape_cast %get3A_302 : vector<1x1x16xf32> to vector<16xf32>
      %neg3A = arith.constant 0.000000e+00 : f32
      %neg3A_304 = vector.broadcast %neg3A : f32 to vector<16xf32>
      %neg3A_305 = arith.subf %neg3A_304, %get3A_303 : vector<16xf32>
      %exp3A = math.exp %neg3A_305 : vector<16xf32>
      %get3A_306 = arith.constant 1 : i32
      %get3A_307 = arith.index_cast %get3A_306 : i32 to index
      %get3A_308 = arith.index_cast %scan3A_298 : i32 to index
      %get3A_309 = arith.constant 0 : index
      %get3A_310 = tpu.vector_load %arg13[%get3A_307, %get3A_308, %get3A_309] {strides = array<i32>} : memref<2x128x128xf32, #tpu.memory_space<vmem>>, vector<1x1x16xf32>,
      %get3A_311 = vector.shape_cast %get3A_310 : vector<1x1x16xf32> to vector<16xf32>
      %neg3A_312 = arith.constant 0.000000e+00 : f32
      %neg3A_313 = vector.broadcast %neg3A_312 : f32 to vector<16xf32>
      %neg3A_314 = arith.subf %neg3A_313, %get3A_311 : vector<16xf32>
      %exp3A_315 = math.exp %neg3A_314 : vector<16xf32>
      %get3A_316 = arith.constant 1 : i32
      %get3A_317 = arith.index_cast %get3A_316 : i32 to index
      %get3A_318 = arith.index_cast %scan3A_298 : i32 to index
      %get3A_319 = arith.constant 0 : index
      %get3A_320 = tpu.vector_load %arg14[%get3A_317, %get3A_318, %get3A_319] {strides = array<i32>} : memref<2x128x128xf32, #tpu.memory_space<vmem>>, vector<1x1x16xf32>,
      %get3A_321 = vector.shape_cast %get3A_320 : vector<1x1x16xf32> to vector<16xf32>
      %sub3A = arith.subf %exp3A_315, %exp3A : vector<16xf32>
      %add3A_322 = arith.constant 1.000000e+00 : f32
      %add3A_323 = vector.broadcast %add3A_322 : f32 to vector<16xf32>
      %add3A_324 = arith.addf %add3A_323, %exp3A : vector<16xf32>
      %add3A_325 = arith.constant 1.000000e+00 : f32
      %add3A_326 = vector.broadcast %add3A_325 : f32 to vector<16xf32>
      %add3A_327 = arith.addf %add3A_326, %exp3A_315 : vector<16xf32>
      %mul3A_328 = arith.mulf %add3A_324, %add3A_327 : vector<16xf32>
      %div3A = arith.divf %sub3A, %mul3A_328 : vector<16xf32>
      %mul3A_329 = arith.mulf %div3A, %get3A_321 : vector<16xf32>
      %swap3A = arith.constant 1 : i32
      %swap3A_330 = arith.index_cast %swap3A : i32 to index
      %swap3A_331 = arith.index_cast %scan3A_298 : i32 to index
      %swap3A_332 = arith.constant 0 : index
      %swap3A_333 = tpu.vector_load %arg12[%swap3A_330, %swap3A_331, %swap3A_332] {strides = array<i32>} : memref<2x128x128xf32, #tpu.memory_space<vmem>>, vector<1x1x16xf32>,
      %swap3A_334 = vector.shape_cast %swap3A_333 : vector<1x1x16xf32> to vector<16xf32>
      %swap3A_335 = vector.shape_cast %mul3A_329 : vector<16xf32> to vector<1x1x16xf32>
      tpu.vector_store %arg12[%swap3A_330, %swap3A_331, %swap3A_332], %swap3A_335 {strides = array<i32>} : memref<2x128x128xf32, #tpu.memory_space<vmem>>, vector<1x1x16xf32>,
      %get3A_336 = arith.constant 1 : i32
      %get3A_337 = arith.index_cast %get3A_336 : i32 to index
      %get3A_338 = arith.index_cast %scan3A_298 : i32 to index
      %get3A_339 = arith.constant 16 : index
      %get3A_340 = tpu.vector_load %arg12[%get3A_337, %get3A_338, %get3A_339] {strides = array<i32>} : memref<2x128x128xf32, #tpu.memory_space<vmem>>, vector<1x1x16xf32>,
      %get3A_341 = vector.shape_cast %get3A_340 : vector<1x1x16xf32> to vector<16xf32>
      %neg3A_342 = arith.constant 0.000000e+00 : f32
      %neg3A_343 = vector.broadcast %neg3A_342 : f32 to vector<16xf32>
      %neg3A_344 = arith.subf %neg3A_343, %get3A_341 : vector<16xf32>
      %exp3A_345 = math.exp %neg3A_344 : vector<16xf32>
      %get3A_346 = arith.constant 1 : i32
      %get3A_347 = arith.index_cast %get3A_346 : i32 to index
      %get3A_348 = arith.index_cast %scan3A_298 : i32 to index
      %get3A_349 = arith.constant 16 : index
      %get3A_350 = tpu.vector_load %arg13[%get3A_347, %get3A_348, %get3A_349] {strides = array<i32>} : memref<2x128x128xf32, #tpu.memory_space<vmem>>, vector<1x1x16xf32>,
      %get3A_351 = vector.shape_cast %get3A_350 : vector<1x1x16xf32> to vector<16xf32>
      %neg3A_352 = arith.constant 0.000000e+00 : f32
      %neg3A_353 = vector.broadcast %neg3A_352 : f32 to vector<16xf32>
      %neg3A_354 = arith.subf %neg3A_353, %get3A_351 : vector<16xf32>
      %exp3A_355 = math.exp %neg3A_354 : vector<16xf32>
      %get3A_356 = arith.constant 1 : i32
      %get3A_357 = arith.index_cast %get3A_356 : i32 to index
      %get3A_358 = arith.index_cast %scan3A_298 : i32 to index
      %get3A_359 = arith.constant 16 : index
      %get3A_360 = tpu.vector_load %arg14[%get3A_357, %get3A_358, %get3A_359] {strides = array<i32>} : memref<2x128x128xf32, #tpu.memory_space<vmem>>, vector<1x1x16xf32>,
      %get3A_361 = vector.shape_cast %get3A_360 : vector<1x1x16xf32> to vector<16xf32>
      %sub3A_362 = arith.subf %exp3A_355, %exp3A_345 : vector<16xf32>
      %add3A_363 = arith.constant 1.000000e+00 : f32
      %add3A_364 = vector.broadcast %add3A_363 : f32 to vector<16xf32>
      %add3A_365 = arith.addf %add3A_364, %exp3A_345 : vector<16xf32>
      %add3A_366 = arith.constant 1.000000e+00 : f32
      %add3A_367 = vector.broadcast %add3A_366 : f32 to vector<16xf32>
      %add3A_368 = arith.addf %add3A_367, %exp3A_355 : vector<16xf32>
      %mul3A_369 = arith.mulf %add3A_365, %add3A_368 : vector<16xf32>
      %div3A_370 = arith.divf %sub3A_362, %mul3A_369 : vector<16xf32>
      %mul3A_371 = arith.mulf %div3A_370, %get3A_361 : vector<16xf32>
      %swap3A_372 = arith.constant 1 : i32
      %swap3A_373 = arith.index_cast %swap3A_372 : i32 to index
      %swap3A_374 = arith.index_cast %scan3A_298 : i32 to index
      %swap3A_375 = arith.constant 16 : index
      %swap3A_376 = tpu.vector_load %arg12[%swap3A_373, %swap3A_374, %swap3A_375] {strides = array<i32>} : memref<2x128x128xf32, #tpu.memory_space<vmem>>, vector<1x1x16xf32>,
      %swap3A_377 = vector.shape_cast %swap3A_376 : vector<1x1x16xf32> to vector<16xf32>
      %swap3A_378 = vector.shape_cast %mul3A_371 : vector<16xf32> to vector<1x1x16xf32>
      tpu.vector_store %arg12[%swap3A_373, %swap3A_374, %swap3A_375], %swap3A_378 {strides = array<i32>} : memref<2x128x128xf32, #tpu.memory_space<vmem>>, vector<1x1x16xf32>,
      %get3A_379 = arith.constant 1 : i32
      %get3A_380 = arith.index_cast %get3A_379 : i32 to index
      %get3A_381 = arith.index_cast %scan3A_298 : i32 to index
      %get3A_382 = arith.constant 32 : index
      %get3A_383 = tpu.vector_load %arg12[%get3A_380, %get3A_381, %get3A_382] {strides = array<i32>} : memref<2x128x128xf32, #tpu.memory_space<vmem>>, vector<1x1x16xf32>,
      %get3A_384 = vector.shape_cast %get3A_383 : vector<1x1x16xf32> to vector<16xf32>
      %neg3A_385 = arith.constant 0.000000e+00 : f32
      %neg3A_386 = vector.broadcast %neg3A_385 : f32 to vector<16xf32>
      %neg3A_387 = arith.subf %neg3A_386, %get3A_384 : vector<16xf32>
      %exp3A_388 = math.exp %neg3A_387 : vector<16xf32>
      %get3A_389 = arith.constant 1 : i32
      %get3A_390 = arith.index_cast %get3A_389 : i32 to index
      %get3A_391 = arith.index_cast %scan3A_298 : i32 to index
      %get3A_392 = arith.constant 32 : index
      %get3A_393 = tpu.vector_load %arg13[%get3A_390, %get3A_391, %get3A_392] {strides = array<i32>} : memref<2x128x128xf32, #tpu.memory_space<vmem>>, vector<1x1x16xf32>,
      %get3A_394 = vector.shape_cast %get3A_393 : vector<1x1x16xf32> to vector<16xf32>
      %neg3A_395 = arith.constant 0.000000e+00 : f32
      %neg3A_396 = vector.broadcast %neg3A_395 : f32 to vector<16xf32>
      %neg3A_397 = arith.subf %neg3A_396, %get3A_394 : vector<16xf32>
      %exp3A_398 = math.exp %neg3A_397 : vector<16xf32>
      %get3A_399 = arith.constant 1 : i32
      %get3A_400 = arith.index_cast %get3A_399 : i32 to index
      %get3A_401 = arith.index_cast %scan3A_298 : i32 to index
      %get3A_402 = arith.constant 32 : index
      %get3A_403 = tpu.vector_load %arg14[%get3A_400, %get3A_401, %get3A_402] {strides = array<i32>} : memref<2x128x128xf32, #tpu.memory_space<vmem>>, vector<1x1x16xf32>,
      %get3A_404 = vector.shape_cast %get3A_403 : vector<1x1x16xf32> to vector<16xf32>
      %sub3A_405 = arith.subf %exp3A_398, %exp3A_388 : vector<16xf32>
      %add3A_406 = arith.constant 1.000000e+00 : f32
      %add3A_407 = vector.broadcast %add3A_406 : f32 to vector<16xf32>
      %add3A_408 = arith.addf %add3A_407, %exp3A_388 : vector<16xf32>
      %add3A_409 = arith.constant 1.000000e+00 : f32
      %add3A_410 = vector.broadcast %add3A_409 : f32 to vector<16xf32>
      %add3A_411 = arith.addf %add3A_410, %exp3A_398 : vector<16xf32>
      %mul3A_412 = arith.mulf %add3A_408, %add3A_411 : vector<16xf32>
      %div3A_413 = arith.divf %sub3A_405, %mul3A_412 : vector<16xf32>
      %mul3A_414 = arith.mulf %div3A_413, %get3A_404 : vector<16xf32>
      %swap3A_415 = arith.constant 1 : i32
      %swap3A_416 = arith.index_cast %swap3A_415 : i32 to index
      %swap3A_417 = arith.index_cast %scan3A_298 : i32 to index
      %swap3A_418 = arith.constant 32 : index
      %swap3A_419 = tpu.vector_load %arg12[%swap3A_416, %swap3A_417, %swap3A_418] {strides = array<i32>} : memref<2x128x128xf32, #tpu.memory_space<vmem>>, vector<1x1x16xf32>,
      %swap3A_420 = vector.shape_cast %swap3A_419 : vector<1x1x16xf32> to vector<16xf32>
      %swap3A_421 = vector.shape_cast %mul3A_414 : vector<16xf32> to vector<1x1x16xf32>
      tpu.vector_store %arg12[%swap3A_416, %swap3A_417, %swap3A_418], %swap3A_421 {strides = array<i32>} : memref<2x128x128xf32, #tpu.memory_space<vmem>>, vector<1x1x16xf32>,
      %get3A_422 = arith.constant 1 : i32
      %get3A_423 = arith.index_cast %get3A_422 : i32 to index
      %get3A_424 = arith.index_cast %scan3A_298 : i32 to index
      %get3A_425 = arith.constant 48 : index
      %get3A_426 = tpu.vector_load %arg12[%get3A_423, %get3A_424, %get3A_425] {strides = array<i32>} : memref<2x128x128xf32, #tpu.memory_space<vmem>>, vector<1x1x16xf32>,
      %get3A_427 = vector.shape_cast %get3A_426 : vector<1x1x16xf32> to vector<16xf32>
      %neg3A_428 = arith.constant 0.000000e+00 : f32
      %neg3A_429 = vector.broadcast %neg3A_428 : f32 to vector<16xf32>
      %neg3A_430 = arith.subf %neg3A_429, %get3A_427 : vector<16xf32>
      %exp3A_431 = math.exp %neg3A_430 : vector<16xf32>
      %get3A_432 = arith.constant 1 : i32
      %get3A_433 = arith.index_cast %get3A_432 : i32 to index
      %get3A_434 = arith.index_cast %scan3A_298 : i32 to index
      %get3A_435 = arith.constant 48 : index
      %get3A_436 = tpu.vector_load %arg13[%get3A_433, %get3A_434, %get3A_435] {strides = array<i32>} : memref<2x128x128xf32, #tpu.memory_space<vmem>>, vector<1x1x16xf32>,
      %get3A_437 = vector.shape_cast %get3A_436 : vector<1x1x16xf32> to vector<16xf32>
      %neg3A_438 = arith.constant 0.000000e+00 : f32
      %neg3A_439 = vector.broadcast %neg3A_438 : f32 to vector<16xf32>
      %neg3A_440 = arith.subf %neg3A_439, %get3A_437 : vector<16xf32>
      %exp3A_441 = math.exp %neg3A_440 : vector<16xf32>
      %get3A_442 = arith.constant 1 : i32
      %get3A_443 = arith.index_cast %get3A_442 : i32 to index
      %get3A_444 = arith.index_cast %scan3A_298 : i32 to index
      %get3A_445 = arith.constant 48 : index
      %get3A_446 = tpu.vector_load %arg14[%get3A_443, %get3A_444, %get3A_445] {strides = array<i32>} : memref<2x128x128xf32, #tpu.memory_space<vmem>>, vector<1x1x16xf32>,
      %get3A_447 = vector.shape_cast %get3A_446 : vector<1x1x16xf32> to vector<16xf32>
      %sub3A_448 = arith.subf %exp3A_441, %exp3A_431 : vector<16xf32>
      %add3A_449 = arith.constant 1.000000e+00 : f32
      %add3A_450 = vector.broadcast %add3A_449 : f32 to vector<16xf32>
      %add3A_451 = arith.addf %add3A_450, %exp3A_431 : vector<16xf32>
      %add3A_452 = arith.constant 1.000000e+00 : f32
      %add3A_453 = vector.broadcast %add3A_452 : f32 to vector<16xf32>
      %add3A_454 = arith.addf %add3A_453, %exp3A_441 : vector<16xf32>
      %mul3A_455 = arith.mulf %add3A_451, %add3A_454 : vector<16xf32>
      %div3A_456 = arith.divf %sub3A_448, %mul3A_455 : vector<16xf32>
      %mul3A_457 = arith.mulf %div3A_456, %get3A_447 : vector<16xf32>
      %swap3A_458 = arith.constant 1 : i32
      %swap3A_459 = arith.index_cast %swap3A_458 : i32 to index
      %swap3A_460 = arith.index_cast %scan3A_298 : i32 to index
      %swap3A_461 = arith.constant 48 : index
      %swap3A_462 = tpu.vector_load %arg12[%swap3A_459, %swap3A_460, %swap3A_461] {strides = array<i32>} : memref<2x128x128xf32, #tpu.memory_space<vmem>>, vector<1x1x16xf32>,
      %swap3A_463 = vector.shape_cast %swap3A_462 : vector<1x1x16xf32> to vector<16xf32>
      %swap3A_464 = vector.shape_cast %mul3A_457 : vector<16xf32> to vector<1x1x16xf32>
      tpu.vector_store %arg12[%swap3A_459, %swap3A_460, %swap3A_461], %swap3A_464 {strides = array<i32>} : memref<2x128x128xf32, #tpu.memory_space<vmem>>, vector<1x1x16xf32>,
      %get3A_465 = arith.constant 1 : i32
      %get3A_466 = arith.index_cast %get3A_465 : i32 to index
      %get3A_467 = arith.index_cast %scan3A_298 : i32 to index
      %get3A_468 = arith.constant 64 : index
      %get3A_469 = tpu.vector_load %arg12[%get3A_466, %get3A_467, %get3A_468] {strides = array<i32>} : memref<2x128x128xf32, #tpu.memory_space<vmem>>, vector<1x1x16xf32>,
      %get3A_470 = vector.shape_cast %get3A_469 : vector<1x1x16xf32> to vector<16xf32>
      %neg3A_471 = arith.constant 0.000000e+00 : f32
      %neg3A_472 = vector.broadcast %neg3A_471 : f32 to vector<16xf32>
      %neg3A_473 = arith.subf %neg3A_472, %get3A_470 : vector<16xf32>
      %exp3A_474 = math.exp %neg3A_473 : vector<16xf32>
      %get3A_475 = arith.constant 1 : i32
      %get3A_476 = arith.index_cast %get3A_475 : i32 to index
      %get3A_477 = arith.index_cast %scan3A_298 : i32 to index
      %get3A_478 = arith.constant 64 : index
      %get3A_479 = tpu.vector_load %arg13[%get3A_476, %get3A_477, %get3A_478] {strides = array<i32>} : memref<2x128x128xf32, #tpu.memory_space<vmem>>, vector<1x1x16xf32>,
      %get3A_480 = vector.shape_cast %get3A_479 : vector<1x1x16xf32> to vector<16xf32>
      %neg3A_481 = arith.constant 0.000000e+00 : f32
      %neg3A_482 = vector.broadcast %neg3A_481 : f32 to vector<16xf32>
      %neg3A_483 = arith.subf %neg3A_482, %get3A_480 : vector<16xf32>
      %exp3A_484 = math.exp %neg3A_483 : vector<16xf32>
      %get3A_485 = arith.constant 1 : i32
      %get3A_486 = arith.index_cast %get3A_485 : i32 to index
      %get3A_487 = arith.index_cast %scan3A_298 : i32 to index
      %get3A_488 = arith.constant 64 : index
      %get3A_489 = tpu.vector_load %arg14[%get3A_486, %get3A_487, %get3A_488] {strides = array<i32>} : memref<2x128x128xf32, #tpu.memory_space<vmem>>, vector<1x1x16xf32>,
      %get3A_490 = vector.shape_cast %get3A_489 : vector<1x1x16xf32> to vector<16xf32>
      %sub3A_491 = arith.subf %exp3A_484, %exp3A_474 : vector<16xf32>
      %add3A_492 = arith.constant 1.000000e+00 : f32
      %add3A_493 = vector.broadcast %add3A_492 : f32 to vector<16xf32>
      %add3A_494 = arith.addf %add3A_493, %exp3A_474 : vector<16xf32>
      %add3A_495 = arith.constant 1.000000e+00 : f32
      %add3A_496 = vector.broadcast %add3A_495 : f32 to vector<16xf32>
      %add3A_497 = arith.addf %add3A_496, %exp3A_484 : vector<16xf32>
      %mul3A_498 = arith.mulf %add3A_494, %add3A_497 : vector<16xf32>
      %div3A_499 = arith.divf %sub3A_491, %mul3A_498 : vector<16xf32>
      %mul3A_500 = arith.mulf %div3A_499, %get3A_490 : vector<16xf32>
      %swap3A_501 = arith.constant 1 : i32
      %swap3A_502 = arith.index_cast %swap3A_501 : i32 to index
      %swap3A_503 = arith.index_cast %scan3A_298 : i32 to index
      %swap3A_504 = arith.constant 64 : index
      %swap3A_505 = tpu.vector_load %arg12[%swap3A_502, %swap3A_503, %swap3A_504] {strides = array<i32>} : memref<2x128x128xf32, #tpu.memory_space<vmem>>, vector<1x1x16xf32>,
      %swap3A_506 = vector.shape_cast %swap3A_505 : vector<1x1x16xf32> to vector<16xf32>
      %swap3A_507 = vector.shape_cast %mul3A_500 : vector<16xf32> to vector<1x1x16xf32>
      tpu.vector_store %arg12[%swap3A_502, %swap3A_503, %swap3A_504], %swap3A_507 {strides = array<i32>} : memref<2x128x128xf32, #tpu.memory_space<vmem>>, vector<1x1x16xf32>,
      %get3A_508 = arith.constant 1 : i32
      %get3A_509 = arith.index_cast %get3A_508 : i32 to index
      %get3A_510 = arith.index_cast %scan3A_298 : i32 to index
      %get3A_511 = arith.constant 80 : index
      %get3A_512 = tpu.vector_load %arg12[%get3A_509, %get3A_510, %get3A_511] {strides = array<i32>} : memref<2x128x128xf32, #tpu.memory_space<vmem>>, vector<1x1x16xf32>,
      %get3A_513 = vector.shape_cast %get3A_512 : vector<1x1x16xf32> to vector<16xf32>
      %neg3A_514 = arith.constant 0.000000e+00 : f32
      %neg3A_515 = vector.broadcast %neg3A_514 : f32 to vector<16xf32>
      %neg3A_516 = arith.subf %neg3A_515, %get3A_513 : vector<16xf32>
      %exp3A_517 = math.exp %neg3A_516 : vector<16xf32>
      %get3A_518 = arith.constant 1 : i32
      %get3A_519 = arith.index_cast %get3A_518 : i32 to index
      %get3A_520 = arith.index_cast %scan3A_298 : i32 to index
      %get3A_521 = arith.constant 80 : index
      %get3A_522 = tpu.vector_load %arg13[%get3A_519, %get3A_520, %get3A_521] {strides = array<i32>} : memref<2x128x128xf32, #tpu.memory_space<vmem>>, vector<1x1x16xf32>,
      %get3A_523 = vector.shape_cast %get3A_522 : vector<1x1x16xf32> to vector<16xf32>
      %neg3A_524 = arith.constant 0.000000e+00 : f32
      %neg3A_525 = vector.broadcast %neg3A_524 : f32 to vector<16xf32>
      %neg3A_526 = arith.subf %neg3A_525, %get3A_523 : vector<16xf32>
      %exp3A_527 = math.exp %neg3A_526 : vector<16xf32>
      %get3A_528 = arith.constant 1 : i32
      %get3A_529 = arith.index_cast %get3A_528 : i32 to index
      %get3A_530 = arith.index_cast %scan3A_298 : i32 to index
      %get3A_531 = arith.constant 80 : index
      %get3A_532 = tpu.vector_load %arg14[%get3A_529, %get3A_530, %get3A_531] {strides = array<i32>} : memref<2x128x128xf32, #tpu.memory_space<vmem>>, vector<1x1x16xf32>,
      %get3A_533 = vector.shape_cast %get3A_532 : vector<1x1x16xf32> to vector<16xf32>
      %sub3A_534 = arith.subf %exp3A_527, %exp3A_517 : vector<16xf32>
      %add3A_535 = arith.constant 1.000000e+00 : f32
      %add3A_536 = vector.broadcast %add3A_535 : f32 to vector<16xf32>
      %add3A_537 = arith.addf %add3A_536, %exp3A_517 : vector<16xf32>
      %add3A_538 = arith.constant 1.000000e+00 : f32
      %add3A_539 = vector.broadcast %add3A_538 : f32 to vector<16xf32>
      %add3A_540 = arith.addf %add3A_539, %exp3A_527 : vector<16xf32>
      %mul3A_541 = arith.mulf %add3A_537, %add3A_540 : vector<16xf32>
      %div3A_542 = arith.divf %sub3A_534, %mul3A_541 : vector<16xf32>
      %mul3A_543 = arith.mulf %div3A_542, %get3A_533 : vector<16xf32>
      %swap3A_544 = arith.constant 1 : i32
      %swap3A_545 = arith.index_cast %swap3A_544 : i32 to index
      %swap3A_546 = arith.index_cast %scan3A_298 : i32 to index
      %swap3A_547 = arith.constant 80 : index
      %swap3A_548 = tpu.vector_load %arg12[%swap3A_545, %swap3A_546, %swap3A_547] {strides = array<i32>} : memref<2x128x128xf32, #tpu.memory_space<vmem>>, vector<1x1x16xf32>,
      %swap3A_549 = vector.shape_cast %swap3A_548 : vector<1x1x16xf32> to vector<16xf32>
      %swap3A_550 = vector.shape_cast %mul3A_543 : vector<16xf32> to vector<1x1x16xf32>
      tpu.vector_store %arg12[%swap3A_545, %swap3A_546, %swap3A_547], %swap3A_550 {strides = array<i32>} : memref<2x128x128xf32, #tpu.memory_space<vmem>>, vector<1x1x16xf32>,
      %get3A_551 = arith.constant 1 : i32
      %get3A_552 = arith.index_cast %get3A_551 : i32 to index
      %get3A_553 = arith.index_cast %scan3A_298 : i32 to index
      %get3A_554 = arith.constant 96 : index
      %get3A_555 = tpu.vector_load %arg12[%get3A_552, %get3A_553, %get3A_554] {strides = array<i32>} : memref<2x128x128xf32, #tpu.memory_space<vmem>>, vector<1x1x16xf32>,
      %get3A_556 = vector.shape_cast %get3A_555 : vector<1x1x16xf32> to vector<16xf32>
      %neg3A_557 = arith.constant 0.000000e+00 : f32
      %neg3A_558 = vector.broadcast %neg3A_557 : f32 to vector<16xf32>
      %neg3A_559 = arith.subf %neg3A_558, %get3A_556 : vector<16xf32>
      %exp3A_560 = math.exp %neg3A_559 : vector<16xf32>
      %get3A_561 = arith.constant 1 : i32
      %get3A_562 = arith.index_cast %get3A_561 : i32 to index
      %get3A_563 = arith.index_cast %scan3A_298 : i32 to index
      %get3A_564 = arith.constant 96 : index
      %get3A_565 = tpu.vector_load %arg13[%get3A_562, %get3A_563, %get3A_564] {strides = array<i32>} : memref<2x128x128xf32, #tpu.memory_space<vmem>>, vector<1x1x16xf32>,
      %get3A_566 = vector.shape_cast %get3A_565 : vector<1x1x16xf32> to vector<16xf32>
      %neg3A_567 = arith.constant 0.000000e+00 : f32
      %neg3A_568 = vector.broadcast %neg3A_567 : f32 to vector<16xf32>
      %neg3A_569 = arith.subf %neg3A_568, %get3A_566 : vector<16xf32>
      %exp3A_570 = math.exp %neg3A_569 : vector<16xf32>
      %get3A_571 = arith.constant 1 : i32
      %get3A_572 = arith.index_cast %get3A_571 : i32 to index
      %get3A_573 = arith.index_cast %scan3A_298 : i32 to index
      %get3A_574 = arith.constant 96 : index
      %get3A_575 = tpu.vector_load %arg14[%get3A_572, %get3A_573, %get3A_574] {strides = array<i32>} : memref<2x128x128xf32, #tpu.memory_space<vmem>>, vector<1x1x16xf32>,
      %get3A_576 = vector.shape_cast %get3A_575 : vector<1x1x16xf32> to vector<16xf32>
      %sub3A_577 = arith.subf %exp3A_570, %exp3A_560 : vector<16xf32>
      %add3A_578 = arith.constant 1.000000e+00 : f32
      %add3A_579 = vector.broadcast %add3A_578 : f32 to vector<16xf32>
      %add3A_580 = arith.addf %add3A_579, %exp3A_560 : vector<16xf32>
      %add3A_581 = arith.constant 1.000000e+00 : f32
      %add3A_582 = vector.broadcast %add3A_581 : f32 to vector<16xf32>
      %add3A_583 = arith.addf %add3A_582, %exp3A_570 : vector<16xf32>
      %mul3A_584 = arith.mulf %add3A_580, %add3A_583 : vector<16xf32>
      %div3A_585 = arith.divf %sub3A_577, %mul3A_584 : vector<16xf32>
      %mul3A_586 = arith.mulf %div3A_585, %get3A_576 : vector<16xf32>
      %swap3A_587 = arith.constant 1 : i32
      %swap3A_588 = arith.index_cast %swap3A_587 : i32 to index
      %swap3A_589 = arith.index_cast %scan3A_298 : i32 to index
      %swap3A_590 = arith.constant 96 : index
      %swap3A_591 = tpu.vector_load %arg12[%swap3A_588, %swap3A_589, %swap3A_590] {strides = array<i32>} : memref<2x128x128xf32, #tpu.memory_space<vmem>>, vector<1x1x16xf32>,
      %swap3A_592 = vector.shape_cast %swap3A_591 : vector<1x1x16xf32> to vector<16xf32>
      %swap3A_593 = vector.shape_cast %mul3A_586 : vector<16xf32> to vector<1x1x16xf32>
      tpu.vector_store %arg12[%swap3A_588, %swap3A_589, %swap3A_590], %swap3A_593 {strides = array<i32>} : memref<2x128x128xf32, #tpu.memory_space<vmem>>, vector<1x1x16xf32>,
      %get3A_594 = arith.constant 1 : i32
      %get3A_595 = arith.index_cast %get3A_594 : i32 to index
      %get3A_596 = arith.index_cast %scan3A_298 : i32 to index
      %get3A_597 = arith.constant 112 : index
      %get3A_598 = tpu.vector_load %arg12[%get3A_595, %get3A_596, %get3A_597] {strides = array<i32>} : memref<2x128x128xf32, #tpu.memory_space<vmem>>, vector<1x1x16xf32>,
      %get3A_599 = vector.shape_cast %get3A_598 : vector<1x1x16xf32> to vector<16xf32>
      %neg3A_600 = arith.constant 0.000000e+00 : f32
      %neg3A_601 = vector.broadcast %neg3A_600 : f32 to vector<16xf32>
      %neg3A_602 = arith.subf %neg3A_601, %get3A_599 : vector<16xf32>
      %exp3A_603 = math.exp %neg3A_602 : vector<16xf32>
      %get3A_604 = arith.constant 1 : i32
      %get3A_605 = arith.index_cast %get3A_604 : i32 to index
      %get3A_606 = arith.index_cast %scan3A_298 : i32 to index
      %get3A_607 = arith.constant 112 : index
      %get3A_608 = tpu.vector_load %arg13[%get3A_605, %get3A_606, %get3A_607] {strides = array<i32>} : memref<2x128x128xf32, #tpu.memory_space<vmem>>, vector<1x1x16xf32>,
      %get3A_609 = vector.shape_cast %get3A_608 : vector<1x1x16xf32> to vector<16xf32>
      %neg3A_610 = arith.constant 0.000000e+00 : f32
      %neg3A_611 = vector.broadcast %neg3A_610 : f32 to vector<16xf32>
      %neg3A_612 = arith.subf %neg3A_611, %get3A_609 : vector<16xf32>
      %exp3A_613 = math.exp %neg3A_612 : vector<16xf32>
      %get3A_614 = arith.constant 1 : i32
      %get3A_615 = arith.index_cast %get3A_614 : i32 to index
      %get3A_616 = arith.index_cast %scan3A_298 : i32 to index
      %get3A_617 = arith.constant 112 : index
      %get3A_618 = tpu.vector_load %arg14[%get3A_615, %get3A_616, %get3A_617] {strides = array<i32>} : memref<2x128x128xf32, #tpu.memory_space<vmem>>, vector<1x1x16xf32>,
      %get3A_619 = vector.shape_cast %get3A_618 : vector<1x1x16xf32> to vector<16xf32>
      %sub3A_620 = arith.subf %exp3A_613, %exp3A_603 : vector<16xf32>
      %add3A_621 = arith.constant 1.000000e+00 : f32
      %add3A_622 = vector.broadcast %add3A_621 : f32 to vector<16xf32>
      %add3A_623 = arith.addf %add3A_622, %exp3A_603 : vector<16xf32>
      %add3A_624 = arith.constant 1.000000e+00 : f32
      %add3A_625 = vector.broadcast %add3A_624 : f32 to vector<16xf32>
      %add3A_626 = arith.addf %add3A_625, %exp3A_613 : vector<16xf32>
      %mul3A_627 = arith.mulf %add3A_623, %add3A_626 : vector<16xf32>
      %div3A_628 = arith.divf %sub3A_620, %mul3A_627 : vector<16xf32>
      %mul3A_629 = arith.mulf %div3A_628, %get3A_619 : vector<16xf32>
      %swap3A_630 = arith.constant 1 : i32
      %swap3A_631 = arith.index_cast %swap3A_630 : i32 to index
      %swap3A_632 = arith.index_cast %scan3A_298 : i32 to index
      %swap3A_633 = arith.constant 112 : index
      %swap3A_634 = tpu.vector_load %arg12[%swap3A_631, %swap3A_632, %swap3A_633] {strides = array<i32>} : memref<2x128x128xf32, #tpu.memory_space<vmem>>, vector<1x1x16xf32>,
      %swap3A_635 = vector.shape_cast %swap3A_634 : vector<1x1x16xf32> to vector<16xf32>
      %swap3A_636 = vector.shape_cast %mul3A_629 : vector<16xf32> to vector<1x1x16xf32>
      tpu.vector_store %arg12[%swap3A_631, %swap3A_632, %swap3A_633], %swap3A_636 {strides = array<i32>} : memref<2x128x128xf32, #tpu.memory_space<vmem>>, vector<1x1x16xf32>,
    }
    %scan3A_227 = arith.constant 128 : i32
    %mul3A_228 = arith.constant 256 : i32
    %mul3A_229 = arith.muli %add3A, %mul3A_228 : i32
    %add3A_230 = arith.constant 128 : i32
    %add3A_231 = arith.addi %mul3A_229, %add3A_230 : i32
    %dma_start3A_232 = arith.constant 1 : i32
    %dma_start3A_233 = arith.constant 0 : i32
    %dma_start3A_234 = arith.constant 0 : i32
    %dma_start3A_235 = tpu.memref_slice %arg12[%dma_start3A_232, %dma_start3A_233, %dma_start3A_234] : memref<2x128x128xf32, #tpu.memory_space<vmem>> -> memref<1x128x128xf32, #tpu.memory_space<vmem>>
    %dma_start3A_236 = tpu.memref_squeeze %dma_start3A_235 : memref<1x128x128xf32, #tpu.memory_space<vmem>> -> memref<128x128xf32, #tpu.memory_space<vmem>>
    %dma_start3A_237 = arith.constant 0 : i32
    %dma_start3A_238 = tpu.memref_slice %arg8[%add3A_231, %dma_start3A_237] : memref<8192x128xf32, #tpu.memory_space<hbm>> -> memref<128x128xf32, #tpu.memory_space<hbm>>
    %dma_start3A_239 = arith.constant 0 : i32
    %dma_start3A_240 = tpu.memref_slice %arg8[%add3A_231, %dma_start3A_239] : memref<8192x128xf32, #tpu.memory_space<hbm>> -> memref<128x128xf32, #tpu.memory_space<hbm>>
    %dma_start3A_241 = arith.constant 0 : i32
    %dma_start3A_242 = arith.constant 0 : i32
    %dma_start3A_243 = tpu.memref_slice %arg12[%dma_start3A_232, %dma_start3A_241, %dma_start3A_242] : memref<2x128x128xf32, #tpu.memory_space<vmem>> -> memref<1x128x128xf32, #tpu.memory_space<vmem>>
    %dma_start3A_244 = tpu.memref_squeeze %dma_start3A_243 : memref<1x128x128xf32, #tpu.memory_space<vmem>> -> memref<128x128xf32, #tpu.memory_space<vmem>>
    tpu.enqueue_dma source(%dma_start3A_244 : memref<128x128xf32, #tpu.memory_space<vmem>>) target(%dma_start3A_240 : memref<128x128xf32, #tpu.memory_space<hbm>>) target_semaphore(%arg18 : memref<!tpu.dma_semaphore, #tpu.memory_space<semaphore_mem>>)
    %dma_start3A_245 = arith.constant 1 : i32
    %dma_start3A_246 = arith.constant 0 : i32
    %dma_start3A_247 = tpu.memref_slice %arg15[%dma_start3A_245, %dma_start3A_246] : memref<2x128xf32, #tpu.memory_space<vmem>> -> memref<1x128xf32, #tpu.memory_space<vmem>>
    %dma_start3A_248 = tpu.memref_squeeze %dma_start3A_247 : memref<1x128xf32, #tpu.memory_space<vmem>> -> memref<128xf32, #tpu.memory_space<vmem>>
    %dma_start3A_249 = tpu.memref_slice %arg9[%add3A_231] : memref<8192xf32, #tpu.memory_space<hbm>> -> memref<128xf32, #tpu.memory_space<hbm>>
    %dma_start3A_250 = tpu.memref_slice %arg9[%add3A_231] : memref<8192xf32, #tpu.memory_space<hbm>> -> memref<128xf32, #tpu.memory_space<hbm>>
    %dma_start3A_251 = arith.constant 0 : i32
    %dma_start3A_252 = tpu.memref_slice %arg15[%dma_start3A_245, %dma_start3A_251] : memref<2x128xf32, #tpu.memory_space<vmem>> -> memref<1x128xf32, #tpu.memory_space<vmem>>
    %dma_start3A_253 = tpu.memref_squeeze %dma_start3A_252 : memref<1x128xf32, #tpu.memory_space<vmem>> -> memref<128xf32, #tpu.memory_space<vmem>>
    tpu.enqueue_dma source(%dma_start3A_253 : memref<128xf32, #tpu.memory_space<vmem>>) target(%dma_start3A_250 : memref<128xf32, #tpu.memory_space<hbm>>) target_semaphore(%arg18 : memref<!tpu.dma_semaphore, #tpu.memory_space<semaphore_mem>>)
    %dma_wait3A_254 = arith.constant 0 : i32
    %dma_wait3A_255 = arith.constant 0 : i32
    %dma_wait3A_256 = arith.constant 0 : i32
    %dma_wait3A_257 = tpu.memref_slice %arg12[%dma_wait3A_254, %dma_wait3A_255, %dma_wait3A_256] : memref<2x128x128xf32, #tpu.memory_space<vmem>> -> memref<1x128x128xf32, #tpu.memory_space<vmem>>
    %dma_wait3A_258 = tpu.memref_squeeze %dma_wait3A_257 : memref<1x128x128xf32, #tpu.memory_space<vmem>> -> memref<128x128xf32, #tpu.memory_space<vmem>>
    %dma_wait3A_259 = arith.constant 0 : i32
    %dma_wait3A_260 = tpu.memref_slice %arg8[%add3A_153, %dma_wait3A_259] : memref<8192x128xf32, #tpu.memory_space<hbm>> -> memref<128x128xf32, #tpu.memory_space<hbm>>
    %dma_wait3A_261 = arith.constant 0 : i32
    %dma_wait3A_262 = tpu.memref_slice %arg8[%add3A_153, %dma_wait3A_261] : memref<8192x128xf32, #tpu.memory_space<hbm>> -> memref<128x128xf32, #tpu.memory_space<hbm>>
    %dma_wait3A_263 = arith.constant 0 : i32
    %dma_wait3A_264 = arith.constant 0 : i32
    %dma_wait3A_265 = tpu.memref_slice %arg12[%dma_wait3A_254, %dma_wait3A_263, %dma_wait3A_264] : memref<2x128x128xf32, #tpu.memory_space<vmem>> -> memref<1x128x128xf32, #tpu.memory_space<vmem>>
    %dma_wait3A_266 = tpu.memref_squeeze %dma_wait3A_265 : memref<1x128x128xf32, #tpu.memory_space<vmem>> -> memref<128x128xf32, #tpu.memory_space<vmem>>
    tpu.wait_dma2 semaphore(%arg18 : memref<!tpu.dma_semaphore, #tpu.memory_space<semaphore_mem>>) src(%dma_wait3A_266 : memref<128x128xf32, #tpu.memory_space<vmem>>) dst(%dma_wait3A_262 : memref<128x128xf32, #tpu.memory_space<hbm>>)
    %dma_wait3A_267 = arith.constant 0 : i32
    %dma_wait3A_268 = arith.constant 0 : i32
    %dma_wait3A_269 = tpu.memref_slice %arg15[%dma_wait3A_267, %dma_wait3A_268] : memref<2x128xf32, #tpu.memory_space<vmem>> -> memref<1x128xf32, #tpu.memory_space<vmem>>
    %dma_wait3A_270 = tpu.memref_squeeze %dma_wait3A_269 : memref<1x128xf32, #tpu.memory_space<vmem>> -> memref<128xf32, #tpu.memory_space<vmem>>
    %dma_wait3A_271 = tpu.memref_slice %arg9[%add3A_153] : memref<8192xf32, #tpu.memory_space<hbm>> -> memref<128xf32, #tpu.memory_space<hbm>>
    %dma_wait3A_272 = tpu.memref_slice %arg9[%add3A_153] : memref<8192xf32, #tpu.memory_space<hbm>> -> memref<128xf32, #tpu.memory_space<hbm>>
    %dma_wait3A_273 = arith.constant 0 : i32
    %dma_wait3A_274 = tpu.memref_slice %arg15[%dma_wait3A_267, %dma_wait3A_273] : memref<2x128xf32, #tpu.memory_space<vmem>> -> memref<1x128xf32, #tpu.memory_space<vmem>>
    %dma_wait3A_275 = tpu.memref_squeeze %dma_wait3A_274 : memref<1x128xf32, #tpu.memory_space<vmem>> -> memref<128xf32, #tpu.memory_space<vmem>>
    tpu.wait_dma2 semaphore(%arg18 : memref<!tpu.dma_semaphore, #tpu.memory_space<semaphore_mem>>) src(%dma_wait3A_275 : memref<128xf32, #tpu.memory_space<vmem>>) dst(%dma_wait3A_272 : memref<128xf32, #tpu.memory_space<hbm>>)
    %dma_wait3A_276 = arith.constant 1 : i32
    %dma_wait3A_277 = arith.constant 0 : i32
    %dma_wait3A_278 = arith.constant 0 : i32
    %dma_wait3A_279 = tpu.memref_slice %arg12[%dma_wait3A_276, %dma_wait3A_277, %dma_wait3A_278] : memref<2x128x128xf32, #tpu.memory_space<vmem>> -> memref<1x128x128xf32, #tpu.memory_space<vmem>>
    %dma_wait3A_280 = tpu.memref_squeeze %dma_wait3A_279 : memref<1x128x128xf32, #tpu.memory_space<vmem>> -> memref<128x128xf32, #tpu.memory_space<vmem>>
    %dma_wait3A_281 = arith.constant 0 : i32
    %dma_wait3A_282 = tpu.memref_slice %arg8[%add3A_231, %dma_wait3A_281] : memref<8192x128xf32, #tpu.memory_space<hbm>> -> memref<128x128xf32, #tpu.memory_space<hbm>>
    %dma_wait3A_283 = arith.constant 0 : i32
    %dma_wait3A_284 = tpu.memref_slice %arg8[%add3A_231, %dma_wait3A_283] : memref<8192x128xf32, #tpu.memory_space<hbm>> -> memref<128x128xf32, #tpu.memory_space<hbm>>
    %dma_wait3A_285 = arith.constant 0 : i32
    %dma_wait3A_286 = arith.constant 0 : i32
    %dma_wait3A_287 = tpu.memref_slice %arg12[%dma_wait3A_276, %dma_wait3A_285, %dma_wait3A_286] : memref<2x128x128xf32, #tpu.memory_space<vmem>> -> memref<1x128x128xf32, #tpu.memory_space<vmem>>
    %dma_wait3A_288 = tpu.memref_squeeze %dma_wait3A_287 : memref<1x128x128xf32, #tpu.memory_space<vmem>> -> memref<128x128xf32, #tpu.memory_space<vmem>>
    tpu.wait_dma2 semaphore(%arg18 : memref<!tpu.dma_semaphore, #tpu.memory_space<semaphore_mem>>) src(%dma_wait3A_288 : memref<128x128xf32, #tpu.memory_space<vmem>>) dst(%dma_wait3A_284 : memref<128x128xf32, #tpu.memory_space<hbm>>)
    %dma_wait3A_289 = arith.constant 1 : i32
    %dma_wait3A_290 = arith.constant 0 : i32
    %dma_wait3A_291 = tpu.memref_slice %arg15[%dma_wait3A_289, %dma_wait3A_290] : memref<2x128xf32, #tpu.memory_space<vmem>> -> memref<1x128xf32, #tpu.memory_space<vmem>>
    %dma_wait3A_292 = tpu.memref_squeeze %dma_wait3A_291 : memref<1x128xf32, #tpu.memory_space<vmem>> -> memref<128xf32, #tpu.memory_space<vmem>>
    %dma_wait3A_293 = tpu.memref_slice %arg9[%add3A_231] : memref<8192xf32, #tpu.memory_space<hbm>> -> memref<128xf32, #tpu.memory_space<hbm>>
    %dma_wait3A_294 = tpu.memref_slice %arg9[%add3A_231] : memref<8192xf32, #tpu.memory_space<hbm>> -> memref<128xf32, #tpu.memory_space<hbm>>
    %dma_wait3A_295 = arith.constant 0 : i32
    %dma_wait3A_296 = tpu.memref_slice %arg15[%dma_wait3A_289, %dma_wait3A_295] : memref<2x128xf32, #tpu.memory_space<vmem>> -> memref<1x128xf32, #tpu.memory_space<vmem>>
    %dma_wait3A_297 = tpu.memref_squeeze %dma_wait3A_296 : memref<1x128xf32, #tpu.memory_space<vmem>> -> memref<128xf32, #tpu.memory_space<vmem>>
    tpu.wait_dma2 semaphore(%arg18 : memref<!tpu.dma_semaphore, #tpu.memory_space<semaphore_mem>>) src(%dma_wait3A_297 : memref<128xf32, #tpu.memory_space<vmem>>) dst(%dma_wait3A_294 : memref<128xf32, #tpu.memory_space<hbm>>)
    return
  }
}

#map = affine_map<(d0, d1) -> (0, 0)>
#map1 = affine_map<(d0, d1) -> (0)>
module attributes {stable_mosaic.version = 14 : i64} {
  func.func @k(%arg0: i32, %arg1: i32, %arg2: memref<128x128xi32, #tpu.memory_space<hbm>>, %arg3: memref<128x128xi32, #tpu.memory_space<hbm>>, %arg4: memref<100000x128xf32, #tpu.memory_space<hbm>>, %arg5: memref<100000x128xf32, #tpu.memory_space<hbm>>, %arg6: memref<100000xf32, #tpu.memory_space<hbm>>, %arg7: memref<100000x128xf32, #tpu.memory_space<hbm>>, %arg8: memref<8192x128xf32, #tpu.memory_space<hbm>>, %arg9: memref<8192xf32, #tpu.memory_space<hbm>>, %arg10: memref<2x128xi32, #tpu.memory_space<vmem>>, %arg11: memref<2x128xi32, #tpu.memory_space<vmem>>, %arg12: memref<2x128x128xf32, #tpu.memory_space<vmem>>, %arg13: memref<2x128x128xf32, #tpu.memory_space<vmem>>, %arg14: memref<2x128x128xf32, #tpu.memory_space<vmem>>, %arg15: memref<2x128xf32, #tpu.memory_space<vmem>>, %arg16: memref<!tpu.dma_semaphore, #tpu.memory_space<semaphore_mem>>, %arg17: memref<!tpu.dma_semaphore, #tpu.memory_space<semaphore_mem>>, %arg18: memref<!tpu.dma_semaphore, #tpu.memory_space<semaphore_mem>>) attributes {dimension_semantics = [#tpu.dimension_semantics<core_parallel>, #tpu.dimension_semantics<subcore_parallel>], iteration_bounds = array<i64: 2, 16>, scalar_prefetch = 0 : i64, scratch_operands = 9 : i64, tpu.core_type = #tpu.core_type<sc_vector_subcore>, window_params = [{transform_indices = #map}, {transform_indices = #map}, {transform_indices = #map}, {transform_indices = #map}, {transform_indices = #map1}, {transform_indices = #map}, {transform_indices = #map}, {transform_indices = #map1}]} {
    %mul3A = arith.constant 2 : i32
    %mul3A_0 = arith.muli %arg1, %mul3A : i32
    %add3A = arith.addi %mul3A_0, %arg0 : i32
    %mul3A_1 = arith.constant 2 : i32
    %mul3A_2 = arith.muli %add3A, %mul3A_1 : i32
    %add3A_3 = arith.constant 0 : i32
    %add3A_4 = arith.addi %add3A_3, %mul3A_2 : i32
    "tpu.region"() ({
      %run_scoped3A = tpu.sem_alloc : memref<!tpu.dma_semaphore, #tpu.memory_space<semaphore_mem>>
      %dma_start3A_298 = arith.constant 0 : i32
      %dma_start3A_299 = tpu.memref_slice %arg2[%add3A_4, %dma_start3A_298] : memref<128x128xi32, #tpu.memory_space<hbm>> -> memref<2x128xi32, #tpu.memory_space<hbm>>
      %dma_start3A_300 = arith.constant 0 : i32
      %dma_start3A_301 = tpu.memref_slice %arg2[%add3A_4, %dma_start3A_300] : memref<128x128xi32, #tpu.memory_space<hbm>> -> memref<2x128xi32, #tpu.memory_space<hbm>>
      tpu.enqueue_dma source(%dma_start3A_301 : memref<2x128xi32, #tpu.memory_space<hbm>>) target(%arg10 : memref<2x128xi32, #tpu.memory_space<vmem>>) target_semaphore(%run_scoped3A : memref<!tpu.dma_semaphore, #tpu.memory_space<semaphore_mem>>)
      %dma_wait3A_302 = arith.constant 0 : i32
      %dma_wait3A_303 = tpu.memref_slice %arg2[%add3A_4, %dma_wait3A_302] : memref<128x128xi32, #tpu.memory_space<hbm>> -> memref<2x128xi32, #tpu.memory_space<hbm>>
      %dma_wait3A_304 = arith.constant 0 : i32
      %dma_wait3A_305 = tpu.memref_slice %arg2[%add3A_4, %dma_wait3A_304] : memref<128x128xi32, #tpu.memory_space<hbm>> -> memref<2x128xi32, #tpu.memory_space<hbm>>
      tpu.wait_dma2 semaphore(%run_scoped3A : memref<!tpu.dma_semaphore, #tpu.memory_space<semaphore_mem>>) src(%dma_wait3A_305 : memref<2x128xi32, #tpu.memory_space<hbm>>) dst(%arg10 : memref<2x128xi32, #tpu.memory_space<vmem>>)
      tpu.yield
    }) : () -> ()
    %mul3A_5 = arith.constant 2 : i32
    %mul3A_6 = arith.muli %add3A, %mul3A_5 : i32
    %add3A_7 = arith.constant 0 : i32
    %add3A_8 = arith.addi %add3A_7, %mul3A_6 : i32
    "tpu.region"() ({
      %run_scoped3A = tpu.sem_alloc : memref<!tpu.dma_semaphore, #tpu.memory_space<semaphore_mem>>
      %dma_start3A_298 = arith.constant 0 : i32
      %dma_start3A_299 = tpu.memref_slice %arg3[%add3A_8, %dma_start3A_298] : memref<128x128xi32, #tpu.memory_space<hbm>> -> memref<2x128xi32, #tpu.memory_space<hbm>>
      %dma_start3A_300 = arith.constant 0 : i32
      %dma_start3A_301 = tpu.memref_slice %arg3[%add3A_8, %dma_start3A_300] : memref<128x128xi32, #tpu.memory_space<hbm>> -> memref<2x128xi32, #tpu.memory_space<hbm>>
      tpu.enqueue_dma source(%dma_start3A_301 : memref<2x128xi32, #tpu.memory_space<hbm>>) target(%arg11 : memref<2x128xi32, #tpu.memory_space<vmem>>) target_semaphore(%run_scoped3A : memref<!tpu.dma_semaphore, #tpu.memory_space<semaphore_mem>>)
      %dma_wait3A_302 = arith.constant 0 : i32
      %dma_wait3A_303 = tpu.memref_slice %arg3[%add3A_8, %dma_wait3A_302] : memref<128x128xi32, #tpu.memory_space<hbm>> -> memref<2x128xi32, #tpu.memory_space<hbm>>
      %dma_wait3A_304 = arith.constant 0 : i32
      %dma_wait3A_305 = tpu.memref_slice %arg3[%add3A_8, %dma_wait3A_304] : memref<128x128xi32, #tpu.memory_space<hbm>> -> memref<2x128xi32, #tpu.memory_space<hbm>>
      tpu.wait_dma2 semaphore(%run_scoped3A : memref<!tpu.dma_semaphore, #tpu.memory_space<semaphore_mem>>) src(%dma_wait3A_305 : memref<2x128xi32, #tpu.memory_space<hbm>>) dst(%arg11 : memref<2x128xi32, #tpu.memory_space<vmem>>)
      tpu.yield
    }) : () -> ()
    %dma_start3A = arith.constant 0 : i32
    %dma_start3A_9 = arith.constant 0 : i32
    %dma_start3A_10 = arith.constant 0 : i32
    %dma_start3A_11 = arith.constant 0 : i32
    %dma_start3A_12 = tpu.memref_slice %arg12[%dma_start3A_9, %dma_start3A_10, %dma_start3A_11] : memref<2x128x128xf32, #tpu.memory_space<vmem>> -> memref<1x128x128xf32, #tpu.memory_space<vmem>>
    %dma_start3A_13 = tpu.memref_squeeze %dma_start3A_12 : memref<1x128x128xf32, #tpu.memory_space<vmem>> -> memref<128x128xf32, #tpu.memory_space<vmem>>
    %dma_start3A_14 = arith.constant 0 : i32
    %dma_start3A_15 = tpu.memref_slice %arg10[%dma_start3A, %dma_start3A_14] : memref<2x128xi32, #tpu.memory_space<vmem>> -> memref<1x128xi32, #tpu.memory_space<vmem>>
    %dma_start3A_16 = tpu.memref_squeeze %dma_start3A_15 : memref<1x128xi32, #tpu.memory_space<vmem>> -> memref<128xi32, #tpu.memory_space<vmem>>
    %dma_start3A_17 = arith.constant 0 : i32
    %dma_start3A_18 = arith.constant 0 : i32
    %dma_start3A_19 = tpu.memref_slice %arg4[%dma_start3A_17, %dma_start3A_18] : memref<100000x128xf32, #tpu.memory_space<hbm>> -> memref<100000x128xf32, #tpu.memory_space<hbm>>
    tpu.enqueue_indirect_dma source(%dma_start3A_19 : memref<100000x128xf32, #tpu.memory_space<hbm>>) target(%dma_start3A_13 : memref<128x128xf32, #tpu.memory_space<vmem>>) offsets(%dma_start3A_16 : memref<128xi32, #tpu.memory_space<vmem>>) semaphore(%arg16 : memref<!tpu.dma_semaphore, #tpu.memory_space<semaphore_mem>>)
    %dma_start3A_20 = arith.constant 0 : i32
    %dma_start3A_21 = arith.constant 0 : i32
    %dma_start3A_22 = arith.constant 0 : i32
    %dma_start3A_23 = arith.constant 0 : i32
    %dma_start3A_24 = tpu.memref_slice %arg13[%dma_start3A_21, %dma_start3A_22, %dma_start3A_23] : memref<2x128x128xf32, #tpu.memory_space<vmem>> -> memref<1x128x128xf32, #tpu.memory_space<vmem>>
    %dma_start3A_25 = tpu.memref_squeeze %dma_start3A_24 : memref<1x128x128xf32, #tpu.memory_space<vmem>> -> memref<128x128xf32, #tpu.memory_space<vmem>>
    %dma_start3A_26 = arith.constant 0 : i32
    %dma_start3A_27 = tpu.memref_slice %arg11[%dma_start3A_20, %dma_start3A_26] : memref<2x128xi32, #tpu.memory_space<vmem>> -> memref<1x128xi32, #tpu.memory_space<vmem>>
    %dma_start3A_28 = tpu.memref_squeeze %dma_start3A_27 : memref<1x128xi32, #tpu.memory_space<vmem>> -> memref<128xi32, #tpu.memory_space<vmem>>
    %dma_start3A_29 = arith.constant 0 : i32
    %dma_start3A_30 = arith.constant 0 : i32
    %dma_start3A_31 = tpu.memref_slice %arg5[%dma_start3A_29, %dma_start3A_30] : memref<100000x128xf32, #tpu.memory_space<hbm>> -> memref<100000x128xf32, #tpu.memory_space<hbm>>
    tpu.enqueue_indirect_dma source(%dma_start3A_31 : memref<100000x128xf32, #tpu.memory_space<hbm>>) target(%dma_start3A_25 : memref<128x128xf32, #tpu.memory_space<vmem>>) offsets(%dma_start3A_28 : memref<128xi32, #tpu.memory_space<vmem>>) semaphore(%arg16 : memref<!tpu.dma_semaphore, #tpu.memory_space<semaphore_mem>>)
    %dma_start3A_32 = arith.constant 0 : i32
    %dma_start3A_33 = arith.constant 0 : i32
    %dma_start3A_34 = arith.constant 0 : i32
    %dma_start3A_35 = arith.constant 0 : i32
    %dma_start3A_36 = tpu.memref_slice %arg14[%dma_start3A_33, %dma_start3A_34, %dma_start3A_35] : memref<2x128x128xf32, #tpu.memory_space<vmem>> -> memref<1x128x128xf32, #tpu.memory_space<vmem>>
    %dma_start3A_37 = tpu.memref_squeeze %dma_start3A_36 : memref<1x128x128xf32, #tpu.memory_space<vmem>> -> memref<128x128xf32, #tpu.memory_space<vmem>>
    %dma_start3A_38 = arith.constant 0 : i32
    %dma_start3A_39 = tpu.memref_slice %arg11[%dma_start3A_32, %dma_start3A_38] : memref<2x128xi32, #tpu.memory_space<vmem>> -> memref<1x128xi32, #tpu.memory_space<vmem>>
    %dma_start3A_40 = tpu.memref_squeeze %dma_start3A_39 : memref<1x128xi32, #tpu.memory_space<vmem>> -> memref<128xi32, #tpu.memory_space<vmem>>
    %dma_start3A_41 = arith.constant 0 : i32
    %dma_start3A_42 = arith.constant 0 : i32
    %dma_start3A_43 = tpu.memref_slice %arg7[%dma_start3A_41, %dma_start3A_42] : memref<100000x128xf32, #tpu.memory_space<hbm>> -> memref<100000x128xf32, #tpu.memory_space<hbm>>
    tpu.enqueue_indirect_dma source(%dma_start3A_43 : memref<100000x128xf32, #tpu.memory_space<hbm>>) target(%dma_start3A_37 : memref<128x128xf32, #tpu.memory_space<vmem>>) offsets(%dma_start3A_40 : memref<128xi32, #tpu.memory_space<vmem>>) semaphore(%arg16 : memref<!tpu.dma_semaphore, #tpu.memory_space<semaphore_mem>>)
    %dma_start3A_44 = arith.constant 0 : i32
    %dma_start3A_45 = arith.constant 0 : i32
    %dma_start3A_46 = arith.constant 0 : i32
    %dma_start3A_47 = tpu.memref_slice %arg15[%dma_start3A_45, %dma_start3A_46] : memref<2x128xf32, #tpu.memory_space<vmem>> -> memref<1x128xf32, #tpu.memory_space<vmem>>
    %dma_start3A_48 = tpu.memref_squeeze %dma_start3A_47 : memref<1x128xf32, #tpu.memory_space<vmem>> -> memref<128xf32, #tpu.memory_space<vmem>>
    %dma_start3A_49 = arith.constant 0 : i32
    %dma_start3A_50 = tpu.memref_slice %arg11[%dma_start3A_44, %dma_start3A_49] : memref<2x128xi32, #tpu.memory_space<vmem>> -> memref<1x128xi32, #tpu.memory_space<vmem>>
    %dma_start3A_51 = tpu.memref_squeeze %dma_start3A_50 : memref<1x128xi32, #tpu.memory_space<vmem>> -> memref<128xi32, #tpu.memory_space<vmem>>
    %dma_start3A_52 = arith.constant 0 : i32
    %dma_start3A_53 = tpu.memref_slice %arg6[%dma_start3A_52] : memref<100000xf32, #tpu.memory_space<hbm>> -> memref<100000xf32, #tpu.memory_space<hbm>>
    tpu.enqueue_indirect_dma source(%dma_start3A_53 : memref<100000xf32, #tpu.memory_space<hbm>>) target(%dma_start3A_48 : memref<128xf32, #tpu.memory_space<vmem>>) offsets(%dma_start3A_51 : memref<128xi32, #tpu.memory_space<vmem>>) semaphore(%arg16 : memref<!tpu.dma_semaphore, #tpu.memory_space<semaphore_mem>>)
    %dma_start3A_54 = arith.constant 1 : i32
    %dma_start3A_55 = arith.constant 1 : i32
    %dma_start3A_56 = arith.constant 0 : i32
    %dma_start3A_57 = arith.constant 0 : i32
    %dma_start3A_58 = tpu.memref_slice %arg12[%dma_start3A_55, %dma_start3A_56, %dma_start3A_57] : memref<2x128x128xf32, #tpu.memory_space<vmem>> -> memref<1x128x128xf32, #tpu.memory_space<vmem>>
    %dma_start3A_59 = tpu.memref_squeeze %dma_start3A_58 : memref<1x128x128xf32, #tpu.memory_space<vmem>> -> memref<128x128xf32, #tpu.memory_space<vmem>>
    %dma_start3A_60 = arith.constant 0 : i32
    %dma_start3A_61 = tpu.memref_slice %arg10[%dma_start3A_54, %dma_start3A_60] : memref<2x128xi32, #tpu.memory_space<vmem>> -> memref<1x128xi32, #tpu.memory_space<vmem>>
    %dma_start3A_62 = tpu.memref_squeeze %dma_start3A_61 : memref<1x128xi32, #tpu.memory_space<vmem>> -> memref<128xi32, #tpu.memory_space<vmem>>
    %dma_start3A_63 = arith.constant 0 : i32
    %dma_start3A_64 = arith.constant 0 : i32
    %dma_start3A_65 = tpu.memref_slice %arg4[%dma_start3A_63, %dma_start3A_64] : memref<100000x128xf32, #tpu.memory_space<hbm>> -> memref<100000x128xf32, #tpu.memory_space<hbm>>
    tpu.enqueue_indirect_dma source(%dma_start3A_65 : memref<100000x128xf32, #tpu.memory_space<hbm>>) target(%dma_start3A_59 : memref<128x128xf32, #tpu.memory_space<vmem>>) offsets(%dma_start3A_62 : memref<128xi32, #tpu.memory_space<vmem>>) semaphore(%arg17 : memref<!tpu.dma_semaphore, #tpu.memory_space<semaphore_mem>>)
    %dma_start3A_66 = arith.constant 1 : i32
    %dma_start3A_67 = arith.constant 1 : i32
    %dma_start3A_68 = arith.constant 0 : i32
    %dma_start3A_69 = arith.constant 0 : i32
    %dma_start3A_70 = tpu.memref_slice %arg13[%dma_start3A_67, %dma_start3A_68, %dma_start3A_69] : memref<2x128x128xf32, #tpu.memory_space<vmem>> -> memref<1x128x128xf32, #tpu.memory_space<vmem>>
    %dma_start3A_71 = tpu.memref_squeeze %dma_start3A_70 : memref<1x128x128xf32, #tpu.memory_space<vmem>> -> memref<128x128xf32, #tpu.memory_space<vmem>>
    %dma_start3A_72 = arith.constant 0 : i32
    %dma_start3A_73 = tpu.memref_slice %arg11[%dma_start3A_66, %dma_start3A_72] : memref<2x128xi32, #tpu.memory_space<vmem>> -> memref<1x128xi32, #tpu.memory_space<vmem>>
    %dma_start3A_74 = tpu.memref_squeeze %dma_start3A_73 : memref<1x128xi32, #tpu.memory_space<vmem>> -> memref<128xi32, #tpu.memory_space<vmem>>
    %dma_start3A_75 = arith.constant 0 : i32
    %dma_start3A_76 = arith.constant 0 : i32
    %dma_start3A_77 = tpu.memref_slice %arg5[%dma_start3A_75, %dma_start3A_76] : memref<100000x128xf32, #tpu.memory_space<hbm>> -> memref<100000x128xf32, #tpu.memory_space<hbm>>
    tpu.enqueue_indirect_dma source(%dma_start3A_77 : memref<100000x128xf32, #tpu.memory_space<hbm>>) target(%dma_start3A_71 : memref<128x128xf32, #tpu.memory_space<vmem>>) offsets(%dma_start3A_74 : memref<128xi32, #tpu.memory_space<vmem>>) semaphore(%arg17 : memref<!tpu.dma_semaphore, #tpu.memory_space<semaphore_mem>>)
    %dma_start3A_78 = arith.constant 1 : i32
    %dma_start3A_79 = arith.constant 1 : i32
    %dma_start3A_80 = arith.constant 0 : i32
    %dma_start3A_81 = arith.constant 0 : i32
    %dma_start3A_82 = tpu.memref_slice %arg14[%dma_start3A_79, %dma_start3A_80, %dma_start3A_81] : memref<2x128x128xf32, #tpu.memory_space<vmem>> -> memref<1x128x128xf32, #tpu.memory_space<vmem>>
    %dma_start3A_83 = tpu.memref_squeeze %dma_start3A_82 : memref<1x128x128xf32, #tpu.memory_space<vmem>> -> memref<128x128xf32, #tpu.memory_space<vmem>>
    %dma_start3A_84 = arith.constant 0 : i32
    %dma_start3A_85 = tpu.memref_slice %arg11[%dma_start3A_78, %dma_start3A_84] : memref<2x128xi32, #tpu.memory_space<vmem>> -> memref<1x128xi32, #tpu.memory_space<vmem>>
    %dma_start3A_86 = tpu.memref_squeeze %dma_start3A_85 : memref<1x128xi32, #tpu.memory_space<vmem>> -> memref<128xi32, #tpu.memory_space<vmem>>
    %dma_start3A_87 = arith.constant 0 : i32
    %dma_start3A_88 = arith.constant 0 : i32
    %dma_start3A_89 = tpu.memref_slice %arg7[%dma_start3A_87, %dma_start3A_88] : memref<100000x128xf32, #tpu.memory_space<hbm>> -> memref<100000x128xf32, #tpu.memory_space<hbm>>
    tpu.enqueue_indirect_dma source(%dma_start3A_89 : memref<100000x128xf32, #tpu.memory_space<hbm>>) target(%dma_start3A_83 : memref<128x128xf32, #tpu.memory_space<vmem>>) offsets(%dma_start3A_86 : memref<128xi32, #tpu.memory_space<vmem>>) semaphore(%arg17 : memref<!tpu.dma_semaphore, #tpu.memory_space<semaphore_mem>>)
    %dma_start3A_90 = arith.constant 1 : i32
    %dma_start3A_91 = arith.constant 1 : i32
    %dma_start3A_92 = arith.constant 0 : i32
    %dma_start3A_93 = tpu.memref_slice %arg15[%dma_start3A_91, %dma_start3A_92] : memref<2x128xf32, #tpu.memory_space<vmem>> -> memref<1x128xf32, #tpu.memory_space<vmem>>
    %dma_start3A_94 = tpu.memref_squeeze %dma_start3A_93 : memref<1x128xf32, #tpu.memory_space<vmem>> -> memref<128xf32, #tpu.memory_space<vmem>>
    %dma_start3A_95 = arith.constant 0 : i32
    %dma_start3A_96 = tpu.memref_slice %arg11[%dma_start3A_90, %dma_start3A_95] : memref<2x128xi32, #tpu.memory_space<vmem>> -> memref<1x128xi32, #tpu.memory_space<vmem>>
    %dma_start3A_97 = tpu.memref_squeeze %dma_start3A_96 : memref<1x128xi32, #tpu.memory_space<vmem>> -> memref<128xi32, #tpu.memory_space<vmem>>
    %dma_start3A_98 = arith.constant 0 : i32
    %dma_start3A_99 = tpu.memref_slice %arg6[%dma_start3A_98] : memref<100000xf32, #tpu.memory_space<hbm>> -> memref<100000xf32, #tpu.memory_space<hbm>>
    tpu.enqueue_indirect_dma source(%dma_start3A_99 : memref<100000xf32, #tpu.memory_space<hbm>>) target(%dma_start3A_94 : memref<128xf32, #tpu.memory_space<vmem>>) offsets(%dma_start3A_97 : memref<128xi32, #tpu.memory_space<vmem>>) semaphore(%arg17 : memref<!tpu.dma_semaphore, #tpu.memory_space<semaphore_mem>>)
    %dma_wait3A = arith.constant 0 : i32
    %dma_wait3A_100 = arith.constant 0 : i32
    %dma_wait3A_101 = arith.constant 0 : i32
    %dma_wait3A_102 = arith.constant 0 : i32
    %dma_wait3A_103 = tpu.memref_slice %arg12[%dma_wait3A_100, %dma_wait3A_101, %dma_wait3A_102] : memref<2x128x128xf32, #tpu.memory_space<vmem>> -> memref<1x128x128xf32, #tpu.memory_space<vmem>>
    %dma_wait3A_104 = tpu.memref_squeeze %dma_wait3A_103 : memref<1x128x128xf32, #tpu.memory_space<vmem>> -> memref<128x128xf32, #tpu.memory_space<vmem>>
    %dma_wait3A_105 = arith.constant 0 : i32
    %dma_wait3A_106 = tpu.memref_slice %arg10[%dma_wait3A, %dma_wait3A_105] : memref<2x128xi32, #tpu.memory_space<vmem>> -> memref<1x128xi32, #tpu.memory_space<vmem>>
    %dma_wait3A_107 = tpu.memref_squeeze %dma_wait3A_106 : memref<1x128xi32, #tpu.memory_space<vmem>> -> memref<128xi32, #tpu.memory_space<vmem>>
    %dma_wait3A_108 = arith.constant 0 : i32
    %dma_wait3A_109 = arith.constant 0 : i32
    %dma_wait3A_110 = tpu.memref_slice %arg4[%dma_wait3A_108, %dma_wait3A_109] : memref<100000x128xf32, #tpu.memory_space<hbm>> -> memref<100000x128xf32, #tpu.memory_space<hbm>>
    tpu.wait_indirect_dma semaphore(%arg16 : memref<!tpu.dma_semaphore, #tpu.memory_space<semaphore_mem>>) src(%dma_wait3A_110 : memref<100000x128xf32, #tpu.memory_space<hbm>>) dst(%dma_wait3A_104 : memref<128x128xf32, #tpu.memory_space<vmem>>)
    %dma_wait3A_111 = arith.constant 0 : i32
    %dma_wait3A_112 = arith.constant 0 : i32
    %dma_wait3A_113 = arith.constant 0 : i32
    %dma_wait3A_114 = arith.constant 0 : i32
    %dma_wait3A_115 = tpu.memref_slice %arg13[%dma_wait3A_112, %dma_wait3A_113, %dma_wait3A_114] : memref<2x128x128xf32, #tpu.memory_space<vmem>> -> memref<1x128x128xf32, #tpu.memory_space<vmem>>
    %dma_wait3A_116 = tpu.memref_squeeze %dma_wait3A_115 : memref<1x128x128xf32, #tpu.memory_space<vmem>> -> memref<128x128xf32, #tpu.memory_space<vmem>>
    %dma_wait3A_117 = arith.constant 0 : i32
    %dma_wait3A_118 = tpu.memref_slice %arg11[%dma_wait3A_111, %dma_wait3A_117] : memref<2x128xi32, #tpu.memory_space<vmem>> -> memref<1x128xi32, #tpu.memory_space<vmem>>
    %dma_wait3A_119 = tpu.memref_squeeze %dma_wait3A_118 : memref<1x128xi32, #tpu.memory_space<vmem>> -> memref<128xi32, #tpu.memory_space<vmem>>
    %dma_wait3A_120 = arith.constant 0 : i32
    %dma_wait3A_121 = arith.constant 0 : i32
    %dma_wait3A_122 = tpu.memref_slice %arg5[%dma_wait3A_120, %dma_wait3A_121] : memref<100000x128xf32, #tpu.memory_space<hbm>> -> memref<100000x128xf32, #tpu.memory_space<hbm>>
    tpu.wait_indirect_dma semaphore(%arg16 : memref<!tpu.dma_semaphore, #tpu.memory_space<semaphore_mem>>) src(%dma_wait3A_122 : memref<100000x128xf32, #tpu.memory_space<hbm>>) dst(%dma_wait3A_116 : memref<128x128xf32, #tpu.memory_space<vmem>>)
    %dma_wait3A_123 = arith.constant 0 : i32
    %dma_wait3A_124 = arith.constant 0 : i32
    %dma_wait3A_125 = arith.constant 0 : i32
    %dma_wait3A_126 = arith.constant 0 : i32
    %dma_wait3A_127 = tpu.memref_slice %arg14[%dma_wait3A_124, %dma_wait3A_125, %dma_wait3A_126] : memref<2x128x128xf32, #tpu.memory_space<vmem>> -> memref<1x128x128xf32, #tpu.memory_space<vmem>>
    %dma_wait3A_128 = tpu.memref_squeeze %dma_wait3A_127 : memref<1x128x128xf32, #tpu.memory_space<vmem>> -> memref<128x128xf32, #tpu.memory_space<vmem>>
    %dma_wait3A_129 = arith.constant 0 : i32
    %dma_wait3A_130 = tpu.memref_slice %arg11[%dma_wait3A_123, %dma_wait3A_129] : memref<2x128xi32, #tpu.memory_space<vmem>> -> memref<1x128xi32, #tpu.memory_space<vmem>>
    %dma_wait3A_131 = tpu.memref_squeeze %dma_wait3A_130 : memref<1x128xi32, #tpu.memory_space<vmem>> -> memref<128xi32, #tpu.memory_space<vmem>>
    %dma_wait3A_132 = arith.constant 0 : i32
    %dma_wait3A_133 = arith.constant 0 : i32
    %dma_wait3A_134 = tpu.memref_slice %arg7[%dma_wait3A_132, %dma_wait3A_133] : memref<100000x128xf32, #tpu.memory_space<hbm>> -> memref<100000x128xf32, #tpu.memory_space<hbm>>
    tpu.wait_indirect_dma semaphore(%arg16 : memref<!tpu.dma_semaphore, #tpu.memory_space<semaphore_mem>>) src(%dma_wait3A_134 : memref<100000x128xf32, #tpu.memory_space<hbm>>) dst(%dma_wait3A_128 : memref<128x128xf32, #tpu.memory_space<vmem>>)
    %dma_wait3A_135 = arith.constant 0 : i32
    %dma_wait3A_136 = arith.constant 0 : i32
    %dma_wait3A_137 = arith.constant 0 : i32
    %dma_wait3A_138 = tpu.memref_slice %arg15[%dma_wait3A_136, %dma_wait3A_137] : memref<2x128xf32, #tpu.memory_space<vmem>> -> memref<1x128xf32, #tpu.memory_space<vmem>>
    %dma_wait3A_139 = tpu.memref_squeeze %dma_wait3A_138 : memref<1x128xf32, #tpu.memory_space<vmem>> -> memref<128xf32, #tpu.memory_space<vmem>>
    %dma_wait3A_140 = arith.constant 0 : i32
    %dma_wait3A_141 = tpu.memref_slice %arg11[%dma_wait3A_135, %dma_wait3A_140] : memref<2x128xi32, #tpu.memory_space<vmem>> -> memref<1x128xi32, #tpu.memory_space<vmem>>
    %dma_wait3A_142 = tpu.memref_squeeze %dma_wait3A_141 : memref<1x128xi32, #tpu.memory_space<vmem>> -> memref<128xi32, #tpu.memory_space<vmem>>
    %dma_wait3A_143 = arith.constant 0 : i32
    %dma_wait3A_144 = tpu.memref_slice %arg6[%dma_wait3A_143] : memref<100000xf32, #tpu.memory_space<hbm>> -> memref<100000xf32, #tpu.memory_space<hbm>>
    tpu.wait_indirect_dma semaphore(%arg16 : memref<!tpu.dma_semaphore, #tpu.memory_space<semaphore_mem>>) src(%dma_wait3A_144 : memref<100000xf32, #tpu.memory_space<hbm>>) dst(%dma_wait3A_139 : memref<128xf32, #tpu.memory_space<vmem>>)
    %scan3A = arith.constant 0 : i32
    %scan3A_145 = arith.constant 0 : i32
    %scan3A_146 = arith.constant 128 : i32
    %scan3A_147 = arith.addi %scan3A_145, %scan3A_146 : i32
    %scan3A_148 = arith.constant 1 : i32
    scf.for %scan3A_298 = %scan3A_145 to %scan3A_147 step %scan3A_148  : i32 {
      %get3A = arith.constant 0 : i32
      %get3A_299 = arith.index_cast %get3A : i32 to index
      %get3A_300 = arith.index_cast %scan3A_298 : i32 to index
      %get3A_301 = arith.constant 0 : index
      %get3A_302 = tpu.vector_load %arg12[%get3A_299, %get3A_300, %get3A_301] {strides = array<i32>} : memref<2x128x128xf32, #tpu.memory_space<vmem>>, vector<1x1x16xf32>,
      %get3A_303 = vector.shape_cast %get3A_302 : vector<1x1x16xf32> to vector<16xf32>
      %neg3A = arith.constant 0.000000e+00 : f32
      %neg3A_304 = vector.broadcast %neg3A : f32 to vector<16xf32>
      %neg3A_305 = arith.subf %neg3A_304, %get3A_303 : vector<16xf32>
      %exp3A = math.exp %neg3A_305 : vector<16xf32>
      %get3A_306 = arith.constant 0 : i32
      %get3A_307 = arith.index_cast %get3A_306 : i32 to index
      %get3A_308 = arith.index_cast %scan3A_298 : i32 to index
      %get3A_309 = arith.constant 0 : index
      %get3A_310 = tpu.vector_load %arg13[%get3A_307, %get3A_308, %get3A_309] {strides = array<i32>} : memref<2x128x128xf32, #tpu.memory_space<vmem>>, vector<1x1x16xf32>,
      %get3A_311 = vector.shape_cast %get3A_310 : vector<1x1x16xf32> to vector<16xf32>
      %neg3A_312 = arith.constant 0.000000e+00 : f32
      %neg3A_313 = vector.broadcast %neg3A_312 : f32 to vector<16xf32>
      %neg3A_314 = arith.subf %neg3A_313, %get3A_311 : vector<16xf32>
      %exp3A_315 = math.exp %neg3A_314 : vector<16xf32>
      %get3A_316 = arith.constant 0 : i32
      %get3A_317 = arith.index_cast %get3A_316 : i32 to index
      %get3A_318 = arith.index_cast %scan3A_298 : i32 to index
      %get3A_319 = arith.constant 0 : index
      %get3A_320 = tpu.vector_load %arg14[%get3A_317, %get3A_318, %get3A_319] {strides = array<i32>} : memref<2x128x128xf32, #tpu.memory_space<vmem>>, vector<1x1x16xf32>,
      %get3A_321 = vector.shape_cast %get3A_320 : vector<1x1x16xf32> to vector<16xf32>
      %sub3A = arith.subf %exp3A_315, %exp3A : vector<16xf32>
      %add3A_322 = arith.constant 1.000000e+00 : f32
      %add3A_323 = vector.broadcast %add3A_322 : f32 to vector<16xf32>
      %add3A_324 = arith.addf %add3A_323, %exp3A : vector<16xf32>
      %add3A_325 = arith.constant 1.000000e+00 : f32
      %add3A_326 = vector.broadcast %add3A_325 : f32 to vector<16xf32>
      %add3A_327 = arith.addf %add3A_326, %exp3A_315 : vector<16xf32>
      %mul3A_328 = arith.mulf %add3A_324, %add3A_327 : vector<16xf32>
      %div3A = arith.divf %sub3A, %mul3A_328 : vector<16xf32>
      %mul3A_329 = arith.mulf %div3A, %get3A_321 : vector<16xf32>
      %swap3A = arith.constant 0 : i32
      %swap3A_330 = arith.index_cast %swap3A : i32 to index
      %swap3A_331 = arith.index_cast %scan3A_298 : i32 to index
      %swap3A_332 = arith.constant 0 : index
      %swap3A_333 = tpu.vector_load %arg12[%swap3A_330, %swap3A_331, %swap3A_332] {strides = array<i32>} : memref<2x128x128xf32, #tpu.memory_space<vmem>>, vector<1x1x16xf32>,
      %swap3A_334 = vector.shape_cast %swap3A_333 : vector<1x1x16xf32> to vector<16xf32>
      %swap3A_335 = vector.shape_cast %mul3A_329 : vector<16xf32> to vector<1x1x16xf32>
      tpu.vector_store %arg12[%swap3A_330, %swap3A_331, %swap3A_332], %swap3A_335 {strides = array<i32>} : memref<2x128x128xf32, #tpu.memory_space<vmem>>, vector<1x1x16xf32>,
      %get3A_336 = arith.constant 0 : i32
      %get3A_337 = arith.index_cast %get3A_336 : i32 to index
      %get3A_338 = arith.index_cast %scan3A_298 : i32 to index
      %get3A_339 = arith.constant 16 : index
      %get3A_340 = tpu.vector_load %arg12[%get3A_337, %get3A_338, %get3A_339] {strides = array<i32>} : memref<2x128x128xf32, #tpu.memory_space<vmem>>, vector<1x1x16xf32>,
      %get3A_341 = vector.shape_cast %get3A_340 : vector<1x1x16xf32> to vector<16xf32>
      %neg3A_342 = arith.constant 0.000000e+00 : f32
      %neg3A_343 = vector.broadcast %neg3A_342 : f32 to vector<16xf32>
      %neg3A_344 = arith.subf %neg3A_343, %get3A_341 : vector<16xf32>
      %exp3A_345 = math.exp %neg3A_344 : vector<16xf32>
      %get3A_346 = arith.constant 0 : i32
      %get3A_347 = arith.index_cast %get3A_346 : i32 to index
      %get3A_348 = arith.index_cast %scan3A_298 : i32 to index
      %get3A_349 = arith.constant 16 : index
      %get3A_350 = tpu.vector_load %arg13[%get3A_347, %get3A_348, %get3A_349] {strides = array<i32>} : memref<2x128x128xf32, #tpu.memory_space<vmem>>, vector<1x1x16xf32>,
      %get3A_351 = vector.shape_cast %get3A_350 : vector<1x1x16xf32> to vector<16xf32>
      %neg3A_352 = arith.constant 0.000000e+00 : f32
      %neg3A_353 = vector.broadcast %neg3A_352 : f32 to vector<16xf32>
      %neg3A_354 = arith.subf %neg3A_353, %get3A_351 : vector<16xf32>
      %exp3A_355 = math.exp %neg3A_354 : vector<16xf32>
      %get3A_356 = arith.constant 0 : i32
      %get3A_357 = arith.index_cast %get3A_356 : i32 to index
      %get3A_358 = arith.index_cast %scan3A_298 : i32 to index
      %get3A_359 = arith.constant 16 : index
      %get3A_360 = tpu.vector_load %arg14[%get3A_357, %get3A_358, %get3A_359] {strides = array<i32>} : memref<2x128x128xf32, #tpu.memory_space<vmem>>, vector<1x1x16xf32>,
      %get3A_361 = vector.shape_cast %get3A_360 : vector<1x1x16xf32> to vector<16xf32>
      %sub3A_362 = arith.subf %exp3A_355, %exp3A_345 : vector<16xf32>
      %add3A_363 = arith.constant 1.000000e+00 : f32
      %add3A_364 = vector.broadcast %add3A_363 : f32 to vector<16xf32>
      %add3A_365 = arith.addf %add3A_364, %exp3A_345 : vector<16xf32>
      %add3A_366 = arith.constant 1.000000e+00 : f32
      %add3A_367 = vector.broadcast %add3A_366 : f32 to vector<16xf32>
      %add3A_368 = arith.addf %add3A_367, %exp3A_355 : vector<16xf32>
      %mul3A_369 = arith.mulf %add3A_365, %add3A_368 : vector<16xf32>
      %div3A_370 = arith.divf %sub3A_362, %mul3A_369 : vector<16xf32>
      %mul3A_371 = arith.mulf %div3A_370, %get3A_361 : vector<16xf32>
      %swap3A_372 = arith.constant 0 : i32
      %swap3A_373 = arith.index_cast %swap3A_372 : i32 to index
      %swap3A_374 = arith.index_cast %scan3A_298 : i32 to index
      %swap3A_375 = arith.constant 16 : index
      %swap3A_376 = tpu.vector_load %arg12[%swap3A_373, %swap3A_374, %swap3A_375] {strides = array<i32>} : memref<2x128x128xf32, #tpu.memory_space<vmem>>, vector<1x1x16xf32>,
      %swap3A_377 = vector.shape_cast %swap3A_376 : vector<1x1x16xf32> to vector<16xf32>
      %swap3A_378 = vector.shape_cast %mul3A_371 : vector<16xf32> to vector<1x1x16xf32>
      tpu.vector_store %arg12[%swap3A_373, %swap3A_374, %swap3A_375], %swap3A_378 {strides = array<i32>} : memref<2x128x128xf32, #tpu.memory_space<vmem>>, vector<1x1x16xf32>,
      %get3A_379 = arith.constant 0 : i32
      %get3A_380 = arith.index_cast %get3A_379 : i32 to index
      %get3A_381 = arith.index_cast %scan3A_298 : i32 to index
      %get3A_382 = arith.constant 32 : index
      %get3A_383 = tpu.vector_load %arg12[%get3A_380, %get3A_381, %get3A_382] {strides = array<i32>} : memref<2x128x128xf32, #tpu.memory_space<vmem>>, vector<1x1x16xf32>,
      %get3A_384 = vector.shape_cast %get3A_383 : vector<1x1x16xf32> to vector<16xf32>
      %neg3A_385 = arith.constant 0.000000e+00 : f32
      %neg3A_386 = vector.broadcast %neg3A_385 : f32 to vector<16xf32>
      %neg3A_387 = arith.subf %neg3A_386, %get3A_384 : vector<16xf32>
      %exp3A_388 = math.exp %neg3A_387 : vector<16xf32>
      %get3A_389 = arith.constant 0 : i32
      %get3A_390 = arith.index_cast %get3A_389 : i32 to index
      %get3A_391 = arith.index_cast %scan3A_298 : i32 to index
      %get3A_392 = arith.constant 32 : index
      %get3A_393 = tpu.vector_load %arg13[%get3A_390, %get3A_391, %get3A_392] {strides = array<i32>} : memref<2x128x128xf32, #tpu.memory_space<vmem>>, vector<1x1x16xf32>,
      %get3A_394 = vector.shape_cast %get3A_393 : vector<1x1x16xf32> to vector<16xf32>
      %neg3A_395 = arith.constant 0.000000e+00 : f32
      %neg3A_396 = vector.broadcast %neg3A_395 : f32 to vector<16xf32>
      %neg3A_397 = arith.subf %neg3A_396, %get3A_394 : vector<16xf32>
      %exp3A_398 = math.exp %neg3A_397 : vector<16xf32>
      %get3A_399 = arith.constant 0 : i32
      %get3A_400 = arith.index_cast %get3A_399 : i32 to index
      %get3A_401 = arith.index_cast %scan3A_298 : i32 to index
      %get3A_402 = arith.constant 32 : index
      %get3A_403 = tpu.vector_load %arg14[%get3A_400, %get3A_401, %get3A_402] {strides = array<i32>} : memref<2x128x128xf32, #tpu.memory_space<vmem>>, vector<1x1x16xf32>,
      %get3A_404 = vector.shape_cast %get3A_403 : vector<1x1x16xf32> to vector<16xf32>
      %sub3A_405 = arith.subf %exp3A_398, %exp3A_388 : vector<16xf32>
      %add3A_406 = arith.constant 1.000000e+00 : f32
      %add3A_407 = vector.broadcast %add3A_406 : f32 to vector<16xf32>
      %add3A_408 = arith.addf %add3A_407, %exp3A_388 : vector<16xf32>
      %add3A_409 = arith.constant 1.000000e+00 : f32
      %add3A_410 = vector.broadcast %add3A_409 : f32 to vector<16xf32>
      %add3A_411 = arith.addf %add3A_410, %exp3A_398 : vector<16xf32>
      %mul3A_412 = arith.mulf %add3A_408, %add3A_411 : vector<16xf32>
      %div3A_413 = arith.divf %sub3A_405, %mul3A_412 : vector<16xf32>
      %mul3A_414 = arith.mulf %div3A_413, %get3A_404 : vector<16xf32>
      %swap3A_415 = arith.constant 0 : i32
      %swap3A_416 = arith.index_cast %swap3A_415 : i32 to index
      %swap3A_417 = arith.index_cast %scan3A_298 : i32 to index
      %swap3A_418 = arith.constant 32 : index
      %swap3A_419 = tpu.vector_load %arg12[%swap3A_416, %swap3A_417, %swap3A_418] {strides = array<i32>} : memref<2x128x128xf32, #tpu.memory_space<vmem>>, vector<1x1x16xf32>,
      %swap3A_420 = vector.shape_cast %swap3A_419 : vector<1x1x16xf32> to vector<16xf32>
      %swap3A_421 = vector.shape_cast %mul3A_414 : vector<16xf32> to vector<1x1x16xf32>
      tpu.vector_store %arg12[%swap3A_416, %swap3A_417, %swap3A_418], %swap3A_421 {strides = array<i32>} : memref<2x128x128xf32, #tpu.memory_space<vmem>>, vector<1x1x16xf32>,
      %get3A_422 = arith.constant 0 : i32
      %get3A_423 = arith.index_cast %get3A_422 : i32 to index
      %get3A_424 = arith.index_cast %scan3A_298 : i32 to index
      %get3A_425 = arith.constant 48 : index
      %get3A_426 = tpu.vector_load %arg12[%get3A_423, %get3A_424, %get3A_425] {strides = array<i32>} : memref<2x128x128xf32, #tpu.memory_space<vmem>>, vector<1x1x16xf32>,
      %get3A_427 = vector.shape_cast %get3A_426 : vector<1x1x16xf32> to vector<16xf32>
      %neg3A_428 = arith.constant 0.000000e+00 : f32
      %neg3A_429 = vector.broadcast %neg3A_428 : f32 to vector<16xf32>
      %neg3A_430 = arith.subf %neg3A_429, %get3A_427 : vector<16xf32>
      %exp3A_431 = math.exp %neg3A_430 : vector<16xf32>
      %get3A_432 = arith.constant 0 : i32
      %get3A_433 = arith.index_cast %get3A_432 : i32 to index
      %get3A_434 = arith.index_cast %scan3A_298 : i32 to index
      %get3A_435 = arith.constant 48 : index
      %get3A_436 = tpu.vector_load %arg13[%get3A_433, %get3A_434, %get3A_435] {strides = array<i32>} : memref<2x128x128xf32, #tpu.memory_space<vmem>>, vector<1x1x16xf32>,
      %get3A_437 = vector.shape_cast %get3A_436 : vector<1x1x16xf32> to vector<16xf32>
      %neg3A_438 = arith.constant 0.000000e+00 : f32
      %neg3A_439 = vector.broadcast %neg3A_438 : f32 to vector<16xf32>
      %neg3A_440 = arith.subf %neg3A_439, %get3A_437 : vector<16xf32>
      %exp3A_441 = math.exp %neg3A_440 : vector<16xf32>
      %get3A_442 = arith.constant 0 : i32
      %get3A_443 = arith.index_cast %get3A_442 : i32 to index
      %get3A_444 = arith.index_cast %scan3A_298 : i32 to index
      %get3A_445 = arith.constant 48 : index
      %get3A_446 = tpu.vector_load %arg14[%get3A_443, %get3A_444, %get3A_445] {strides = array<i32>} : memref<2x128x128xf32, #tpu.memory_space<vmem>>, vector<1x1x16xf32>,
      %get3A_447 = vector.shape_cast %get3A_446 : vector<1x1x16xf32> to vector<16xf32>
      %sub3A_448 = arith.subf %exp3A_441, %exp3A_431 : vector<16xf32>
      %add3A_449 = arith.constant 1.000000e+00 : f32
      %add3A_450 = vector.broadcast %add3A_449 : f32 to vector<16xf32>
      %add3A_451 = arith.addf %add3A_450, %exp3A_431 : vector<16xf32>
      %add3A_452 = arith.constant 1.000000e+00 : f32
      %add3A_453 = vector.broadcast %add3A_452 : f32 to vector<16xf32>
      %add3A_454 = arith.addf %add3A_453, %exp3A_441 : vector<16xf32>
      %mul3A_455 = arith.mulf %add3A_451, %add3A_454 : vector<16xf32>
      %div3A_456 = arith.divf %sub3A_448, %mul3A_455 : vector<16xf32>
      %mul3A_457 = arith.mulf %div3A_456, %get3A_447 : vector<16xf32>
      %swap3A_458 = arith.constant 0 : i32
      %swap3A_459 = arith.index_cast %swap3A_458 : i32 to index
      %swap3A_460 = arith.index_cast %scan3A_298 : i32 to index
      %swap3A_461 = arith.constant 48 : index
      %swap3A_462 = tpu.vector_load %arg12[%swap3A_459, %swap3A_460, %swap3A_461] {strides = array<i32>} : memref<2x128x128xf32, #tpu.memory_space<vmem>>, vector<1x1x16xf32>,
      %swap3A_463 = vector.shape_cast %swap3A_462 : vector<1x1x16xf32> to vector<16xf32>
      %swap3A_464 = vector.shape_cast %mul3A_457 : vector<16xf32> to vector<1x1x16xf32>
      tpu.vector_store %arg12[%swap3A_459, %swap3A_460, %swap3A_461], %swap3A_464 {strides = array<i32>} : memref<2x128x128xf32, #tpu.memory_space<vmem>>, vector<1x1x16xf32>,
      %get3A_465 = arith.constant 0 : i32
      %get3A_466 = arith.index_cast %get3A_465 : i32 to index
      %get3A_467 = arith.index_cast %scan3A_298 : i32 to index
      %get3A_468 = arith.constant 64 : index
      %get3A_469 = tpu.vector_load %arg12[%get3A_466, %get3A_467, %get3A_468] {strides = array<i32>} : memref<2x128x128xf32, #tpu.memory_space<vmem>>, vector<1x1x16xf32>,
      %get3A_470 = vector.shape_cast %get3A_469 : vector<1x1x16xf32> to vector<16xf32>
      %neg3A_471 = arith.constant 0.000000e+00 : f32
      %neg3A_472 = vector.broadcast %neg3A_471 : f32 to vector<16xf32>
      %neg3A_473 = arith.subf %neg3A_472, %get3A_470 : vector<16xf32>
      %exp3A_474 = math.exp %neg3A_473 : vector<16xf32>
      %get3A_475 = arith.constant 0 : i32
      %get3A_476 = arith.index_cast %get3A_475 : i32 to index
      %get3A_477 = arith.index_cast %scan3A_298 : i32 to index
      %get3A_478 = arith.constant 64 : index
      %get3A_479 = tpu.vector_load %arg13[%get3A_476, %get3A_477, %get3A_478] {strides = array<i32>} : memref<2x128x128xf32, #tpu.memory_space<vmem>>, vector<1x1x16xf32>,
      %get3A_480 = vector.shape_cast %get3A_479 : vector<1x1x16xf32> to vector<16xf32>
      %neg3A_481 = arith.constant 0.000000e+00 : f32
      %neg3A_482 = vector.broadcast %neg3A_481 : f32 to vector<16xf32>
      %neg3A_483 = arith.subf %neg3A_482, %get3A_480 : vector<16xf32>
      %exp3A_484 = math.exp %neg3A_483 : vector<16xf32>
      %get3A_485 = arith.constant 0 : i32
      %get3A_486 = arith.index_cast %get3A_485 : i32 to index
      %get3A_487 = arith.index_cast %scan3A_298 : i32 to index
      %get3A_488 = arith.constant 64 : index
      %get3A_489 = tpu.vector_load %arg14[%get3A_486, %get3A_487, %get3A_488] {strides = array<i32>} : memref<2x128x128xf32, #tpu.memory_space<vmem>>, vector<1x1x16xf32>,
      %get3A_490 = vector.shape_cast %get3A_489 : vector<1x1x16xf32> to vector<16xf32>
      %sub3A_491 = arith.subf %exp3A_484, %exp3A_474 : vector<16xf32>
      %add3A_492 = arith.constant 1.000000e+00 : f32
      %add3A_493 = vector.broadcast %add3A_492 : f32 to vector<16xf32>
      %add3A_494 = arith.addf %add3A_493, %exp3A_474 : vector<16xf32>
      %add3A_495 = arith.constant 1.000000e+00 : f32
      %add3A_496 = vector.broadcast %add3A_495 : f32 to vector<16xf32>
      %add3A_497 = arith.addf %add3A_496, %exp3A_484 : vector<16xf32>
      %mul3A_498 = arith.mulf %add3A_494, %add3A_497 : vector<16xf32>
      %div3A_499 = arith.divf %sub3A_491, %mul3A_498 : vector<16xf32>
      %mul3A_500 = arith.mulf %div3A_499, %get3A_490 : vector<16xf32>
      %swap3A_501 = arith.constant 0 : i32
      %swap3A_502 = arith.index_cast %swap3A_501 : i32 to index
      %swap3A_503 = arith.index_cast %scan3A_298 : i32 to index
      %swap3A_504 = arith.constant 64 : index
      %swap3A_505 = tpu.vector_load %arg12[%swap3A_502, %swap3A_503, %swap3A_504] {strides = array<i32>} : memref<2x128x128xf32, #tpu.memory_space<vmem>>, vector<1x1x16xf32>,
      %swap3A_506 = vector.shape_cast %swap3A_505 : vector<1x1x16xf32> to vector<16xf32>
      %swap3A_507 = vector.shape_cast %mul3A_500 : vector<16xf32> to vector<1x1x16xf32>
      tpu.vector_store %arg12[%swap3A_502, %swap3A_503, %swap3A_504], %swap3A_507 {strides = array<i32>} : memref<2x128x128xf32, #tpu.memory_space<vmem>>, vector<1x1x16xf32>,
      %get3A_508 = arith.constant 0 : i32
      %get3A_509 = arith.index_cast %get3A_508 : i32 to index
      %get3A_510 = arith.index_cast %scan3A_298 : i32 to index
      %get3A_511 = arith.constant 80 : index
      %get3A_512 = tpu.vector_load %arg12[%get3A_509, %get3A_510, %get3A_511] {strides = array<i32>} : memref<2x128x128xf32, #tpu.memory_space<vmem>>, vector<1x1x16xf32>,
      %get3A_513 = vector.shape_cast %get3A_512 : vector<1x1x16xf32> to vector<16xf32>
      %neg3A_514 = arith.constant 0.000000e+00 : f32
      %neg3A_515 = vector.broadcast %neg3A_514 : f32 to vector<16xf32>
      %neg3A_516 = arith.subf %neg3A_515, %get3A_513 : vector<16xf32>
      %exp3A_517 = math.exp %neg3A_516 : vector<16xf32>
      %get3A_518 = arith.constant 0 : i32
      %get3A_519 = arith.index_cast %get3A_518 : i32 to index
      %get3A_520 = arith.index_cast %scan3A_298 : i32 to index
      %get3A_521 = arith.constant 80 : index
      %get3A_522 = tpu.vector_load %arg13[%get3A_519, %get3A_520, %get3A_521] {strides = array<i32>} : memref<2x128x128xf32, #tpu.memory_space<vmem>>, vector<1x1x16xf32>,
      %get3A_523 = vector.shape_cast %get3A_522 : vector<1x1x16xf32> to vector<16xf32>
      %neg3A_524 = arith.constant 0.000000e+00 : f32
      %neg3A_525 = vector.broadcast %neg3A_524 : f32 to vector<16xf32>
      %neg3A_526 = arith.subf %neg3A_525, %get3A_523 : vector<16xf32>
      %exp3A_527 = math.exp %neg3A_526 : vector<16xf32>
      %get3A_528 = arith.constant 0 : i32
      %get3A_529 = arith.index_cast %get3A_528 : i32 to index
      %get3A_530 = arith.index_cast %scan3A_298 : i32 to index
      %get3A_531 = arith.constant 80 : index
      %get3A_532 = tpu.vector_load %arg14[%get3A_529, %get3A_530, %get3A_531] {strides = array<i32>} : memref<2x128x128xf32, #tpu.memory_space<vmem>>, vector<1x1x16xf32>,
      %get3A_533 = vector.shape_cast %get3A_532 : vector<1x1x16xf32> to vector<16xf32>
      %sub3A_534 = arith.subf %exp3A_527, %exp3A_517 : vector<16xf32>
      %add3A_535 = arith.constant 1.000000e+00 : f32
      %add3A_536 = vector.broadcast %add3A_535 : f32 to vector<16xf32>
      %add3A_537 = arith.addf %add3A_536, %exp3A_517 : vector<16xf32>
      %add3A_538 = arith.constant 1.000000e+00 : f32
      %add3A_539 = vector.broadcast %add3A_538 : f32 to vector<16xf32>
      %add3A_540 = arith.addf %add3A_539, %exp3A_527 : vector<16xf32>
      %mul3A_541 = arith.mulf %add3A_537, %add3A_540 : vector<16xf32>
      %div3A_542 = arith.divf %sub3A_534, %mul3A_541 : vector<16xf32>
      %mul3A_543 = arith.mulf %div3A_542, %get3A_533 : vector<16xf32>
      %swap3A_544 = arith.constant 0 : i32
      %swap3A_545 = arith.index_cast %swap3A_544 : i32 to index
      %swap3A_546 = arith.index_cast %scan3A_298 : i32 to index
      %swap3A_547 = arith.constant 80 : index
      %swap3A_548 = tpu.vector_load %arg12[%swap3A_545, %swap3A_546, %swap3A_547] {strides = array<i32>} : memref<2x128x128xf32, #tpu.memory_space<vmem>>, vector<1x1x16xf32>,
      %swap3A_549 = vector.shape_cast %swap3A_548 : vector<1x1x16xf32> to vector<16xf32>
      %swap3A_550 = vector.shape_cast %mul3A_543 : vector<16xf32> to vector<1x1x16xf32>
      tpu.vector_store %arg12[%swap3A_545, %swap3A_546, %swap3A_547], %swap3A_550 {strides = array<i32>} : memref<2x128x128xf32, #tpu.memory_space<vmem>>, vector<1x1x16xf32>,
      %get3A_551 = arith.constant 0 : i32
      %get3A_552 = arith.index_cast %get3A_551 : i32 to index
      %get3A_553 = arith.index_cast %scan3A_298 : i32 to index
      %get3A_554 = arith.constant 96 : index
      %get3A_555 = tpu.vector_load %arg12[%get3A_552, %get3A_553, %get3A_554] {strides = array<i32>} : memref<2x128x128xf32, #tpu.memory_space<vmem>>, vector<1x1x16xf32>,
      %get3A_556 = vector.shape_cast %get3A_555 : vector<1x1x16xf32> to vector<16xf32>
      %neg3A_557 = arith.constant 0.000000e+00 : f32
      %neg3A_558 = vector.broadcast %neg3A_557 : f32 to vector<16xf32>
      %neg3A_559 = arith.subf %neg3A_558, %get3A_556 : vector<16xf32>
      %exp3A_560 = math.exp %neg3A_559 : vector<16xf32>
      %get3A_561 = arith.constant 0 : i32
      %get3A_562 = arith.index_cast %get3A_561 : i32 to index
      %get3A_563 = arith.index_cast %scan3A_298 : i32 to index
      %get3A_564 = arith.constant 96 : index
      %get3A_565 = tpu.vector_load %arg13[%get3A_562, %get3A_563, %get3A_564] {strides = array<i32>} : memref<2x128x128xf32, #tpu.memory_space<vmem>>, vector<1x1x16xf32>,
      %get3A_566 = vector.shape_cast %get3A_565 : vector<1x1x16xf32> to vector<16xf32>
      %neg3A_567 = arith.constant 0.000000e+00 : f32
      %neg3A_568 = vector.broadcast %neg3A_567 : f32 to vector<16xf32>
      %neg3A_569 = arith.subf %neg3A_568, %get3A_566 : vector<16xf32>
      %exp3A_570 = math.exp %neg3A_569 : vector<16xf32>
      %get3A_571 = arith.constant 0 : i32
      %get3A_572 = arith.index_cast %get3A_571 : i32 to index
      %get3A_573 = arith.index_cast %scan3A_298 : i32 to index
      %get3A_574 = arith.constant 96 : index
      %get3A_575 = tpu.vector_load %arg14[%get3A_572, %get3A_573, %get3A_574] {strides = array<i32>} : memref<2x128x128xf32, #tpu.memory_space<vmem>>, vector<1x1x16xf32>,
      %get3A_576 = vector.shape_cast %get3A_575 : vector<1x1x16xf32> to vector<16xf32>
      %sub3A_577 = arith.subf %exp3A_570, %exp3A_560 : vector<16xf32>
      %add3A_578 = arith.constant 1.000000e+00 : f32
      %add3A_579 = vector.broadcast %add3A_578 : f32 to vector<16xf32>
      %add3A_580 = arith.addf %add3A_579, %exp3A_560 : vector<16xf32>
      %add3A_581 = arith.constant 1.000000e+00 : f32
      %add3A_582 = vector.broadcast %add3A_581 : f32 to vector<16xf32>
      %add3A_583 = arith.addf %add3A_582, %exp3A_570 : vector<16xf32>
      %mul3A_584 = arith.mulf %add3A_580, %add3A_583 : vector<16xf32>
      %div3A_585 = arith.divf %sub3A_577, %mul3A_584 : vector<16xf32>
      %mul3A_586 = arith.mulf %div3A_585, %get3A_576 : vector<16xf32>
      %swap3A_587 = arith.constant 0 : i32
      %swap3A_588 = arith.index_cast %swap3A_587 : i32 to index
      %swap3A_589 = arith.index_cast %scan3A_298 : i32 to index
      %swap3A_590 = arith.constant 96 : index
      %swap3A_591 = tpu.vector_load %arg12[%swap3A_588, %swap3A_589, %swap3A_590] {strides = array<i32>} : memref<2x128x128xf32, #tpu.memory_space<vmem>>, vector<1x1x16xf32>,
      %swap3A_592 = vector.shape_cast %swap3A_591 : vector<1x1x16xf32> to vector<16xf32>
      %swap3A_593 = vector.shape_cast %mul3A_586 : vector<16xf32> to vector<1x1x16xf32>
      tpu.vector_store %arg12[%swap3A_588, %swap3A_589, %swap3A_590], %swap3A_593 {strides = array<i32>} : memref<2x128x128xf32, #tpu.memory_space<vmem>>, vector<1x1x16xf32>,
      %get3A_594 = arith.constant 0 : i32
      %get3A_595 = arith.index_cast %get3A_594 : i32 to index
      %get3A_596 = arith.index_cast %scan3A_298 : i32 to index
      %get3A_597 = arith.constant 112 : index
      %get3A_598 = tpu.vector_load %arg12[%get3A_595, %get3A_596, %get3A_597] {strides = array<i32>} : memref<2x128x128xf32, #tpu.memory_space<vmem>>, vector<1x1x16xf32>,
      %get3A_599 = vector.shape_cast %get3A_598 : vector<1x1x16xf32> to vector<16xf32>
      %neg3A_600 = arith.constant 0.000000e+00 : f32
      %neg3A_601 = vector.broadcast %neg3A_600 : f32 to vector<16xf32>
      %neg3A_602 = arith.subf %neg3A_601, %get3A_599 : vector<16xf32>
      %exp3A_603 = math.exp %neg3A_602 : vector<16xf32>
      %get3A_604 = arith.constant 0 : i32
      %get3A_605 = arith.index_cast %get3A_604 : i32 to index
      %get3A_606 = arith.index_cast %scan3A_298 : i32 to index
      %get3A_607 = arith.constant 112 : index
      %get3A_608 = tpu.vector_load %arg13[%get3A_605, %get3A_606, %get3A_607] {strides = array<i32>} : memref<2x128x128xf32, #tpu.memory_space<vmem>>, vector<1x1x16xf32>,
      %get3A_609 = vector.shape_cast %get3A_608 : vector<1x1x16xf32> to vector<16xf32>
      %neg3A_610 = arith.constant 0.000000e+00 : f32
      %neg3A_611 = vector.broadcast %neg3A_610 : f32 to vector<16xf32>
      %neg3A_612 = arith.subf %neg3A_611, %get3A_609 : vector<16xf32>
      %exp3A_613 = math.exp %neg3A_612 : vector<16xf32>
      %get3A_614 = arith.constant 0 : i32
      %get3A_615 = arith.index_cast %get3A_614 : i32 to index
      %get3A_616 = arith.index_cast %scan3A_298 : i32 to index
      %get3A_617 = arith.constant 112 : index
      %get3A_618 = tpu.vector_load %arg14[%get3A_615, %get3A_616, %get3A_617] {strides = array<i32>} : memref<2x128x128xf32, #tpu.memory_space<vmem>>, vector<1x1x16xf32>,
      %get3A_619 = vector.shape_cast %get3A_618 : vector<1x1x16xf32> to vector<16xf32>
      %sub3A_620 = arith.subf %exp3A_613, %exp3A_603 : vector<16xf32>
      %add3A_621 = arith.constant 1.000000e+00 : f32
      %add3A_622 = vector.broadcast %add3A_621 : f32 to vector<16xf32>
      %add3A_623 = arith.addf %add3A_622, %exp3A_603 : vector<16xf32>
      %add3A_624 = arith.constant 1.000000e+00 : f32
      %add3A_625 = vector.broadcast %add3A_624 : f32 to vector<16xf32>
      %add3A_626 = arith.addf %add3A_625, %exp3A_613 : vector<16xf32>
      %mul3A_627 = arith.mulf %add3A_623, %add3A_626 : vector<16xf32>
      %div3A_628 = arith.divf %sub3A_620, %mul3A_627 : vector<16xf32>
      %mul3A_629 = arith.mulf %div3A_628, %get3A_619 : vector<16xf32>
      %swap3A_630 = arith.constant 0 : i32
      %swap3A_631 = arith.index_cast %swap3A_630 : i32 to index
      %swap3A_632 = arith.index_cast %scan3A_298 : i32 to index
      %swap3A_633 = arith.constant 112 : index
      %swap3A_634 = tpu.vector_load %arg12[%swap3A_631, %swap3A_632, %swap3A_633] {strides = array<i32>} : memref<2x128x128xf32, #tpu.memory_space<vmem>>, vector<1x1x16xf32>,
      %swap3A_635 = vector.shape_cast %swap3A_634 : vector<1x1x16xf32> to vector<16xf32>
      %swap3A_636 = vector.shape_cast %mul3A_629 : vector<16xf32> to vector<1x1x16xf32>
      tpu.vector_store %arg12[%swap3A_631, %swap3A_632, %swap3A_633], %swap3A_636 {strides = array<i32>} : memref<2x128x128xf32, #tpu.memory_space<vmem>>, vector<1x1x16xf32>,
    }
    %scan3A_149 = arith.constant 128 : i32
    %mul3A_150 = arith.constant 256 : i32
    %mul3A_151 = arith.muli %add3A, %mul3A_150 : i32
    %add3A_152 = arith.constant 0 : i32
    %add3A_153 = arith.addi %mul3A_151, %add3A_152 : i32
    %dma_start3A_154 = arith.constant 0 : i32
    %dma_start3A_155 = arith.constant 0 : i32
    %dma_start3A_156 = arith.constant 0 : i32
    %dma_start3A_157 = tpu.memref_slice %arg12[%dma_start3A_154, %dma_start3A_155, %dma_start3A_156] : memref<2x128x128xf32, #tpu.memory_space<vmem>> -> memref<1x128x128xf32, #tpu.memory_space<vmem>>
    %dma_start3A_158 = tpu.memref_squeeze %dma_start3A_157 : memref<1x128x128xf32, #tpu.memory_space<vmem>> -> memref<128x128xf32, #tpu.memory_space<vmem>>
    %dma_start3A_159 = arith.constant 0 : i32
    %dma_start3A_160 = tpu.memref_slice %arg8[%add3A_153, %dma_start3A_159] : memref<8192x128xf32, #tpu.memory_space<hbm>> -> memref<128x128xf32, #tpu.memory_space<hbm>>
    %dma_start3A_161 = arith.constant 0 : i32
    %dma_start3A_162 = tpu.memref_slice %arg8[%add3A_153, %dma_start3A_161] : memref<8192x128xf32, #tpu.memory_space<hbm>> -> memref<128x128xf32, #tpu.memory_space<hbm>>
    %dma_start3A_163 = arith.constant 0 : i32
    %dma_start3A_164 = arith.constant 0 : i32
    %dma_start3A_165 = tpu.memref_slice %arg12[%dma_start3A_154, %dma_start3A_163, %dma_start3A_164] : memref<2x128x128xf32, #tpu.memory_space<vmem>> -> memref<1x128x128xf32, #tpu.memory_space<vmem>>
    %dma_start3A_166 = tpu.memref_squeeze %dma_start3A_165 : memref<1x128x128xf32, #tpu.memory_space<vmem>> -> memref<128x128xf32, #tpu.memory_space<vmem>>
    tpu.enqueue_dma source(%dma_start3A_166 : memref<128x128xf32, #tpu.memory_space<vmem>>) target(%dma_start3A_162 : memref<128x128xf32, #tpu.memory_space<hbm>>) target_semaphore(%arg18 : memref<!tpu.dma_semaphore, #tpu.memory_space<semaphore_mem>>)
    %dma_start3A_167 = arith.constant 0 : i32
    %dma_start3A_168 = arith.constant 0 : i32
    %dma_start3A_169 = tpu.memref_slice %arg15[%dma_start3A_167, %dma_start3A_168] : memref<2x128xf32, #tpu.memory_space<vmem>> -> memref<1x128xf32, #tpu.memory_space<vmem>>
    %dma_start3A_170 = tpu.memref_squeeze %dma_start3A_169 : memref<1x128xf32, #tpu.memory_space<vmem>> -> memref<128xf32, #tpu.memory_space<vmem>>
    %dma_start3A_171 = tpu.memref_slice %arg9[%add3A_153] : memref<8192xf32, #tpu.memory_space<hbm>> -> memref<128xf32, #tpu.memory_space<hbm>>
    %dma_start3A_172 = tpu.memref_slice %arg9[%add3A_153] : memref<8192xf32, #tpu.memory_space<hbm>> -> memref<128xf32, #tpu.memory_space<hbm>>
    %dma_start3A_173 = arith.constant 0 : i32
    %dma_start3A_174 = tpu.memref_slice %arg15[%dma_start3A_167, %dma_start3A_173] : memref<2x128xf32, #tpu.memory_space<vmem>> -> memref<1x128xf32, #tpu.memory_space<vmem>>
    %dma_start3A_175 = tpu.memref_squeeze %dma_start3A_174 : memref<1x128xf32, #tpu.memory_space<vmem>> -> memref<128xf32, #tpu.memory_space<vmem>>
    tpu.enqueue_dma source(%dma_start3A_175 : memref<128xf32, #tpu.memory_space<vmem>>) target(%dma_start3A_172 : memref<128xf32, #tpu.memory_space<hbm>>) target_semaphore(%arg18 : memref<!tpu.dma_semaphore, #tpu.memory_space<semaphore_mem>>)
    %dma_wait3A_176 = arith.constant 1 : i32
    %dma_wait3A_177 = arith.constant 1 : i32
    %dma_wait3A_178 = arith.constant 0 : i32
    %dma_wait3A_179 = arith.constant 0 : i32
    %dma_wait3A_180 = tpu.memref_slice %arg12[%dma_wait3A_177, %dma_wait3A_178, %dma_wait3A_179] : memref<2x128x128xf32, #tpu.memory_space<vmem>> -> memref<1x128x128xf32, #tpu.memory_space<vmem>>
    %dma_wait3A_181 = tpu.memref_squeeze %dma_wait3A_180 : memref<1x128x128xf32, #tpu.memory_space<vmem>> -> memref<128x128xf32, #tpu.memory_space<vmem>>
    %dma_wait3A_182 = arith.constant 0 : i32
    %dma_wait3A_183 = tpu.memref_slice %arg10[%dma_wait3A_176, %dma_wait3A_182] : memref<2x128xi32, #tpu.memory_space<vmem>> -> memref<1x128xi32, #tpu.memory_space<vmem>>
    %dma_wait3A_184 = tpu.memref_squeeze %dma_wait3A_183 : memref<1x128xi32, #tpu.memory_space<vmem>> -> memref<128xi32, #tpu.memory_space<vmem>>
    %dma_wait3A_185 = arith.constant 0 : i32
    %dma_wait3A_186 = arith.constant 0 : i32
    %dma_wait3A_187 = tpu.memref_slice %arg4[%dma_wait3A_185, %dma_wait3A_186] : memref<100000x128xf32, #tpu.memory_space<hbm>> -> memref<100000x128xf32, #tpu.memory_space<hbm>>
    tpu.wait_indirect_dma semaphore(%arg17 : memref<!tpu.dma_semaphore, #tpu.memory_space<semaphore_mem>>) src(%dma_wait3A_187 : memref<100000x128xf32, #tpu.memory_space<hbm>>) dst(%dma_wait3A_181 : memref<128x128xf32, #tpu.memory_space<vmem>>)
    %dma_wait3A_188 = arith.constant 1 : i32
    %dma_wait3A_189 = arith.constant 1 : i32
    %dma_wait3A_190 = arith.constant 0 : i32
    %dma_wait3A_191 = arith.constant 0 : i32
    %dma_wait3A_192 = tpu.memref_slice %arg13[%dma_wait3A_189, %dma_wait3A_190, %dma_wait3A_191] : memref<2x128x128xf32, #tpu.memory_space<vmem>> -> memref<1x128x128xf32, #tpu.memory_space<vmem>>
    %dma_wait3A_193 = tpu.memref_squeeze %dma_wait3A_192 : memref<1x128x128xf32, #tpu.memory_space<vmem>> -> memref<128x128xf32, #tpu.memory_space<vmem>>
    %dma_wait3A_194 = arith.constant 0 : i32
    %dma_wait3A_195 = tpu.memref_slice %arg11[%dma_wait3A_188, %dma_wait3A_194] : memref<2x128xi32, #tpu.memory_space<vmem>> -> memref<1x128xi32, #tpu.memory_space<vmem>>
    %dma_wait3A_196 = tpu.memref_squeeze %dma_wait3A_195 : memref<1x128xi32, #tpu.memory_space<vmem>> -> memref<128xi32, #tpu.memory_space<vmem>>
    %dma_wait3A_197 = arith.constant 0 : i32
    %dma_wait3A_198 = arith.constant 0 : i32
    %dma_wait3A_199 = tpu.memref_slice %arg5[%dma_wait3A_197, %dma_wait3A_198] : memref<100000x128xf32, #tpu.memory_space<hbm>> -> memref<100000x128xf32, #tpu.memory_space<hbm>>
    tpu.wait_indirect_dma semaphore(%arg17 : memref<!tpu.dma_semaphore, #tpu.memory_space<semaphore_mem>>) src(%dma_wait3A_199 : memref<100000x128xf32, #tpu.memory_space<hbm>>) dst(%dma_wait3A_193 : memref<128x128xf32, #tpu.memory_space<vmem>>)
    %dma_wait3A_200 = arith.constant 1 : i32
    %dma_wait3A_201 = arith.constant 1 : i32
    %dma_wait3A_202 = arith.constant 0 : i32
    %dma_wait3A_203 = arith.constant 0 : i32
    %dma_wait3A_204 = tpu.memref_slice %arg14[%dma_wait3A_201, %dma_wait3A_202, %dma_wait3A_203] : memref<2x128x128xf32, #tpu.memory_space<vmem>> -> memref<1x128x128xf32, #tpu.memory_space<vmem>>
    %dma_wait3A_205 = tpu.memref_squeeze %dma_wait3A_204 : memref<1x128x128xf32, #tpu.memory_space<vmem>> -> memref<128x128xf32, #tpu.memory_space<vmem>>
    %dma_wait3A_206 = arith.constant 0 : i32
    %dma_wait3A_207 = tpu.memref_slice %arg11[%dma_wait3A_200, %dma_wait3A_206] : memref<2x128xi32, #tpu.memory_space<vmem>> -> memref<1x128xi32, #tpu.memory_space<vmem>>
    %dma_wait3A_208 = tpu.memref_squeeze %dma_wait3A_207 : memref<1x128xi32, #tpu.memory_space<vmem>> -> memref<128xi32, #tpu.memory_space<vmem>>
    %dma_wait3A_209 = arith.constant 0 : i32
    %dma_wait3A_210 = arith.constant 0 : i32
    %dma_wait3A_211 = tpu.memref_slice %arg7[%dma_wait3A_209, %dma_wait3A_210] : memref<100000x128xf32, #tpu.memory_space<hbm>> -> memref<100000x128xf32, #tpu.memory_space<hbm>>
    tpu.wait_indirect_dma semaphore(%arg17 : memref<!tpu.dma_semaphore, #tpu.memory_space<semaphore_mem>>) src(%dma_wait3A_211 : memref<100000x128xf32, #tpu.memory_space<hbm>>) dst(%dma_wait3A_205 : memref<128x128xf32, #tpu.memory_space<vmem>>)
    %dma_wait3A_212 = arith.constant 1 : i32
    %dma_wait3A_213 = arith.constant 1 : i32
    %dma_wait3A_214 = arith.constant 0 : i32
    %dma_wait3A_215 = tpu.memref_slice %arg15[%dma_wait3A_213, %dma_wait3A_214] : memref<2x128xf32, #tpu.memory_space<vmem>> -> memref<1x128xf32, #tpu.memory_space<vmem>>
    %dma_wait3A_216 = tpu.memref_squeeze %dma_wait3A_215 : memref<1x128xf32, #tpu.memory_space<vmem>> -> memref<128xf32, #tpu.memory_space<vmem>>
    %dma_wait3A_217 = arith.constant 0 : i32
    %dma_wait3A_218 = tpu.memref_slice %arg11[%dma_wait3A_212, %dma_wait3A_217] : memref<2x128xi32, #tpu.memory_space<vmem>> -> memref<1x128xi32, #tpu.memory_space<vmem>>
    %dma_wait3A_219 = tpu.memref_squeeze %dma_wait3A_218 : memref<1x128xi32, #tpu.memory_space<vmem>> -> memref<128xi32, #tpu.memory_space<vmem>>
    %dma_wait3A_220 = arith.constant 0 : i32
    %dma_wait3A_221 = tpu.memref_slice %arg6[%dma_wait3A_220] : memref<100000xf32, #tpu.memory_space<hbm>> -> memref<100000xf32, #tpu.memory_space<hbm>>
    tpu.wait_indirect_dma semaphore(%arg17 : memref<!tpu.dma_semaphore, #tpu.memory_space<semaphore_mem>>) src(%dma_wait3A_221 : memref<100000xf32, #tpu.memory_space<hbm>>) dst(%dma_wait3A_216 : memref<128xf32, #tpu.memory_space<vmem>>)
    %scan3A_222 = arith.constant 0 : i32
    %scan3A_223 = arith.constant 0 : i32
    %scan3A_224 = arith.constant 128 : i32
    %scan3A_225 = arith.addi %scan3A_223, %scan3A_224 : i32
    %scan3A_226 = arith.constant 1 : i32
    scf.for %scan3A_298 = %scan3A_223 to %scan3A_225 step %scan3A_226  : i32 {
      %get3A = arith.constant 1 : i32
      %get3A_299 = arith.index_cast %get3A : i32 to index
      %get3A_300 = arith.index_cast %scan3A_298 : i32 to index
      %get3A_301 = arith.constant 0 : index
      %get3A_302 = tpu.vector_load %arg12[%get3A_299, %get3A_300, %get3A_301] {strides = array<i32>} : memref<2x128x128xf32, #tpu.memory_space<vmem>>, vector<1x1x16xf32>,
      %get3A_303 = vector.shape_cast %get3A_302 : vector<1x1x16xf32> to vector<16xf32>
      %neg3A = arith.constant 0.000000e+00 : f32
      %neg3A_304 = vector.broadcast %neg3A : f32 to vector<16xf32>
      %neg3A_305 = arith.subf %neg3A_304, %get3A_303 : vector<16xf32>
      %exp3A = math.exp %neg3A_305 : vector<16xf32>
      %get3A_306 = arith.constant 1 : i32
      %get3A_307 = arith.index_cast %get3A_306 : i32 to index
      %get3A_308 = arith.index_cast %scan3A_298 : i32 to index
      %get3A_309 = arith.constant 0 : index
      %get3A_310 = tpu.vector_load %arg13[%get3A_307, %get3A_308, %get3A_309] {strides = array<i32>} : memref<2x128x128xf32, #tpu.memory_space<vmem>>, vector<1x1x16xf32>,
      %get3A_311 = vector.shape_cast %get3A_310 : vector<1x1x16xf32> to vector<16xf32>
      %neg3A_312 = arith.constant 0.000000e+00 : f32
      %neg3A_313 = vector.broadcast %neg3A_312 : f32 to vector<16xf32>
      %neg3A_314 = arith.subf %neg3A_313, %get3A_311 : vector<16xf32>
      %exp3A_315 = math.exp %neg3A_314 : vector<16xf32>
      %get3A_316 = arith.constant 1 : i32
      %get3A_317 = arith.index_cast %get3A_316 : i32 to index
      %get3A_318 = arith.index_cast %scan3A_298 : i32 to index
      %get3A_319 = arith.constant 0 : index
      %get3A_320 = tpu.vector_load %arg14[%get3A_317, %get3A_318, %get3A_319] {strides = array<i32>} : memref<2x128x128xf32, #tpu.memory_space<vmem>>, vector<1x1x16xf32>,
      %get3A_321 = vector.shape_cast %get3A_320 : vector<1x1x16xf32> to vector<16xf32>
      %sub3A = arith.subf %exp3A_315, %exp3A : vector<16xf32>
      %add3A_322 = arith.constant 1.000000e+00 : f32
      %add3A_323 = vector.broadcast %add3A_322 : f32 to vector<16xf32>
      %add3A_324 = arith.addf %add3A_323, %exp3A : vector<16xf32>
      %add3A_325 = arith.constant 1.000000e+00 : f32
      %add3A_326 = vector.broadcast %add3A_325 : f32 to vector<16xf32>
      %add3A_327 = arith.addf %add3A_326, %exp3A_315 : vector<16xf32>
      %mul3A_328 = arith.mulf %add3A_324, %add3A_327 : vector<16xf32>
      %div3A = arith.divf %sub3A, %mul3A_328 : vector<16xf32>
      %mul3A_329 = arith.mulf %div3A, %get3A_321 : vector<16xf32>
      %swap3A = arith.constant 1 : i32
      %swap3A_330 = arith.index_cast %swap3A : i32 to index
      %swap3A_331 = arith.index_cast %scan3A_298 : i32 to index
      %swap3A_332 = arith.constant 0 : index
      %swap3A_333 = tpu.vector_load %arg12[%swap3A_330, %swap3A_331, %swap3A_332] {strides = array<i32>} : memref<2x128x128xf32, #tpu.memory_space<vmem>>, vector<1x1x16xf32>,
      %swap3A_334 = vector.shape_cast %swap3A_333 : vector<1x1x16xf32> to vector<16xf32>
      %swap3A_335 = vector.shape_cast %mul3A_329 : vector<16xf32> to vector<1x1x16xf32>
      tpu.vector_store %arg12[%swap3A_330, %swap3A_331, %swap3A_332], %swap3A_335 {strides = array<i32>} : memref<2x128x128xf32, #tpu.memory_space<vmem>>, vector<1x1x16xf32>,
      %get3A_336 = arith.constant 1 : i32
      %get3A_337 = arith.index_cast %get3A_336 : i32 to index
      %get3A_338 = arith.index_cast %scan3A_298 : i32 to index
      %get3A_339 = arith.constant 16 : index
      %get3A_340 = tpu.vector_load %arg12[%get3A_337, %get3A_338, %get3A_339] {strides = array<i32>} : memref<2x128x128xf32, #tpu.memory_space<vmem>>, vector<1x1x16xf32>,
      %get3A_341 = vector.shape_cast %get3A_340 : vector<1x1x16xf32> to vector<16xf32>
      %neg3A_342 = arith.constant 0.000000e+00 : f32
      %neg3A_343 = vector.broadcast %neg3A_342 : f32 to vector<16xf32>
      %neg3A_344 = arith.subf %neg3A_343, %get3A_341 : vector<16xf32>
      %exp3A_345 = math.exp %neg3A_344 : vector<16xf32>
      %get3A_346 = arith.constant 1 : i32
      %get3A_347 = arith.index_cast %get3A_346 : i32 to index
      %get3A_348 = arith.index_cast %scan3A_298 : i32 to index
      %get3A_349 = arith.constant 16 : index
      %get3A_350 = tpu.vector_load %arg13[%get3A_347, %get3A_348, %get3A_349] {strides = array<i32>} : memref<2x128x128xf32, #tpu.memory_space<vmem>>, vector<1x1x16xf32>,
      %get3A_351 = vector.shape_cast %get3A_350 : vector<1x1x16xf32> to vector<16xf32>
      %neg3A_352 = arith.constant 0.000000e+00 : f32
      %neg3A_353 = vector.broadcast %neg3A_352 : f32 to vector<16xf32>
      %neg3A_354 = arith.subf %neg3A_353, %get3A_351 : vector<16xf32>
      %exp3A_355 = math.exp %neg3A_354 : vector<16xf32>
      %get3A_356 = arith.constant 1 : i32
      %get3A_357 = arith.index_cast %get3A_356 : i32 to index
      %get3A_358 = arith.index_cast %scan3A_298 : i32 to index
      %get3A_359 = arith.constant 16 : index
      %get3A_360 = tpu.vector_load %arg14[%get3A_357, %get3A_358, %get3A_359] {strides = array<i32>} : memref<2x128x128xf32, #tpu.memory_space<vmem>>, vector<1x1x16xf32>,
      %get3A_361 = vector.shape_cast %get3A_360 : vector<1x1x16xf32> to vector<16xf32>
      %sub3A_362 = arith.subf %exp3A_355, %exp3A_345 : vector<16xf32>
      %add3A_363 = arith.constant 1.000000e+00 : f32
      %add3A_364 = vector.broadcast %add3A_363 : f32 to vector<16xf32>
      %add3A_365 = arith.addf %add3A_364, %exp3A_345 : vector<16xf32>
      %add3A_366 = arith.constant 1.000000e+00 : f32
      %add3A_367 = vector.broadcast %add3A_366 : f32 to vector<16xf32>
      %add3A_368 = arith.addf %add3A_367, %exp3A_355 : vector<16xf32>
      %mul3A_369 = arith.mulf %add3A_365, %add3A_368 : vector<16xf32>
      %div3A_370 = arith.divf %sub3A_362, %mul3A_369 : vector<16xf32>
      %mul3A_371 = arith.mulf %div3A_370, %get3A_361 : vector<16xf32>
      %swap3A_372 = arith.constant 1 : i32
      %swap3A_373 = arith.index_cast %swap3A_372 : i32 to index
      %swap3A_374 = arith.index_cast %scan3A_298 : i32 to index
      %swap3A_375 = arith.constant 16 : index
      %swap3A_376 = tpu.vector_load %arg12[%swap3A_373, %swap3A_374, %swap3A_375] {strides = array<i32>} : memref<2x128x128xf32, #tpu.memory_space<vmem>>, vector<1x1x16xf32>,
      %swap3A_377 = vector.shape_cast %swap3A_376 : vector<1x1x16xf32> to vector<16xf32>
      %swap3A_378 = vector.shape_cast %mul3A_371 : vector<16xf32> to vector<1x1x16xf32>
      tpu.vector_store %arg12[%swap3A_373, %swap3A_374, %swap3A_375], %swap3A_378 {strides = array<i32>} : memref<2x128x128xf32, #tpu.memory_space<vmem>>, vector<1x1x16xf32>,
      %get3A_379 = arith.constant 1 : i32
      %get3A_380 = arith.index_cast %get3A_379 : i32 to index
      %get3A_381 = arith.index_cast %scan3A_298 : i32 to index
      %get3A_382 = arith.constant 32 : index
      %get3A_383 = tpu.vector_load %arg12[%get3A_380, %get3A_381, %get3A_382] {strides = array<i32>} : memref<2x128x128xf32, #tpu.memory_space<vmem>>, vector<1x1x16xf32>,
      %get3A_384 = vector.shape_cast %get3A_383 : vector<1x1x16xf32> to vector<16xf32>
      %neg3A_385 = arith.constant 0.000000e+00 : f32
      %neg3A_386 = vector.broadcast %neg3A_385 : f32 to vector<16xf32>
      %neg3A_387 = arith.subf %neg3A_386, %get3A_384 : vector<16xf32>
      %exp3A_388 = math.exp %neg3A_387 : vector<16xf32>
      %get3A_389 = arith.constant 1 : i32
      %get3A_390 = arith.index_cast %get3A_389 : i32 to index
      %get3A_391 = arith.index_cast %scan3A_298 : i32 to index
      %get3A_392 = arith.constant 32 : index
      %get3A_393 = tpu.vector_load %arg13[%get3A_390, %get3A_391, %get3A_392] {strides = array<i32>} : memref<2x128x128xf32, #tpu.memory_space<vmem>>, vector<1x1x16xf32>,
      %get3A_394 = vector.shape_cast %get3A_393 : vector<1x1x16xf32> to vector<16xf32>
      %neg3A_395 = arith.constant 0.000000e+00 : f32
      %neg3A_396 = vector.broadcast %neg3A_395 : f32 to vector<16xf32>
      %neg3A_397 = arith.subf %neg3A_396, %get3A_394 : vector<16xf32>
      %exp3A_398 = math.exp %neg3A_397 : vector<16xf32>
      %get3A_399 = arith.constant 1 : i32
      %get3A_400 = arith.index_cast %get3A_399 : i32 to index
      %get3A_401 = arith.index_cast %scan3A_298 : i32 to index
      %get3A_402 = arith.constant 32 : index
      %get3A_403 = tpu.vector_load %arg14[%get3A_400, %get3A_401, %get3A_402] {strides = array<i32>} : memref<2x128x128xf32, #tpu.memory_space<vmem>>, vector<1x1x16xf32>,
      %get3A_404 = vector.shape_cast %get3A_403 : vector<1x1x16xf32> to vector<16xf32>
      %sub3A_405 = arith.subf %exp3A_398, %exp3A_388 : vector<16xf32>
      %add3A_406 = arith.constant 1.000000e+00 : f32
      %add3A_407 = vector.broadcast %add3A_406 : f32 to vector<16xf32>
      %add3A_408 = arith.addf %add3A_407, %exp3A_388 : vector<16xf32>
      %add3A_409 = arith.constant 1.000000e+00 : f32
      %add3A_410 = vector.broadcast %add3A_409 : f32 to vector<16xf32>
      %add3A_411 = arith.addf %add3A_410, %exp3A_398 : vector<16xf32>
      %mul3A_412 = arith.mulf %add3A_408, %add3A_411 : vector<16xf32>
      %div3A_413 = arith.divf %sub3A_405, %mul3A_412 : vector<16xf32>
      %mul3A_414 = arith.mulf %div3A_413, %get3A_404 : vector<16xf32>
      %swap3A_415 = arith.constant 1 : i32
      %swap3A_416 = arith.index_cast %swap3A_415 : i32 to index
      %swap3A_417 = arith.index_cast %scan3A_298 : i32 to index
      %swap3A_418 = arith.constant 32 : index
      %swap3A_419 = tpu.vector_load %arg12[%swap3A_416, %swap3A_417, %swap3A_418] {strides = array<i32>} : memref<2x128x128xf32, #tpu.memory_space<vmem>>, vector<1x1x16xf32>,
      %swap3A_420 = vector.shape_cast %swap3A_419 : vector<1x1x16xf32> to vector<16xf32>
      %swap3A_421 = vector.shape_cast %mul3A_414 : vector<16xf32> to vector<1x1x16xf32>
      tpu.vector_store %arg12[%swap3A_416, %swap3A_417, %swap3A_418], %swap3A_421 {strides = array<i32>} : memref<2x128x128xf32, #tpu.memory_space<vmem>>, vector<1x1x16xf32>,
      %get3A_422 = arith.constant 1 : i32
      %get3A_423 = arith.index_cast %get3A_422 : i32 to index
      %get3A_424 = arith.index_cast %scan3A_298 : i32 to index
      %get3A_425 = arith.constant 48 : index
      %get3A_426 = tpu.vector_load %arg12[%get3A_423, %get3A_424, %get3A_425] {strides = array<i32>} : memref<2x128x128xf32, #tpu.memory_space<vmem>>, vector<1x1x16xf32>,
      %get3A_427 = vector.shape_cast %get3A_426 : vector<1x1x16xf32> to vector<16xf32>
      %neg3A_428 = arith.constant 0.000000e+00 : f32
      %neg3A_429 = vector.broadcast %neg3A_428 : f32 to vector<16xf32>
      %neg3A_430 = arith.subf %neg3A_429, %get3A_427 : vector<16xf32>
      %exp3A_431 = math.exp %neg3A_430 : vector<16xf32>
      %get3A_432 = arith.constant 1 : i32
      %get3A_433 = arith.index_cast %get3A_432 : i32 to index
      %get3A_434 = arith.index_cast %scan3A_298 : i32 to index
      %get3A_435 = arith.constant 48 : index
      %get3A_436 = tpu.vector_load %arg13[%get3A_433, %get3A_434, %get3A_435] {strides = array<i32>} : memref<2x128x128xf32, #tpu.memory_space<vmem>>, vector<1x1x16xf32>,
      %get3A_437 = vector.shape_cast %get3A_436 : vector<1x1x16xf32> to vector<16xf32>
      %neg3A_438 = arith.constant 0.000000e+00 : f32
      %neg3A_439 = vector.broadcast %neg3A_438 : f32 to vector<16xf32>
      %neg3A_440 = arith.subf %neg3A_439, %get3A_437 : vector<16xf32>
      %exp3A_441 = math.exp %neg3A_440 : vector<16xf32>
      %get3A_442 = arith.constant 1 : i32
      %get3A_443 = arith.index_cast %get3A_442 : i32 to index
      %get3A_444 = arith.index_cast %scan3A_298 : i32 to index
      %get3A_445 = arith.constant 48 : index
      %get3A_446 = tpu.vector_load %arg14[%get3A_443, %get3A_444, %get3A_445] {strides = array<i32>} : memref<2x128x128xf32, #tpu.memory_space<vmem>>, vector<1x1x16xf32>,
      %get3A_447 = vector.shape_cast %get3A_446 : vector<1x1x16xf32> to vector<16xf32>
      %sub3A_448 = arith.subf %exp3A_441, %exp3A_431 : vector<16xf32>
      %add3A_449 = arith.constant 1.000000e+00 : f32
      %add3A_450 = vector.broadcast %add3A_449 : f32 to vector<16xf32>
      %add3A_451 = arith.addf %add3A_450, %exp3A_431 : vector<16xf32>
      %add3A_452 = arith.constant 1.000000e+00 : f32
      %add3A_453 = vector.broadcast %add3A_452 : f32 to vector<16xf32>
      %add3A_454 = arith.addf %add3A_453, %exp3A_441 : vector<16xf32>
      %mul3A_455 = arith.mulf %add3A_451, %add3A_454 : vector<16xf32>
      %div3A_456 = arith.divf %sub3A_448, %mul3A_455 : vector<16xf32>
      %mul3A_457 = arith.mulf %div3A_456, %get3A_447 : vector<16xf32>
      %swap3A_458 = arith.constant 1 : i32
      %swap3A_459 = arith.index_cast %swap3A_458 : i32 to index
      %swap3A_460 = arith.index_cast %scan3A_298 : i32 to index
      %swap3A_461 = arith.constant 48 : index
      %swap3A_462 = tpu.vector_load %arg12[%swap3A_459, %swap3A_460, %swap3A_461] {strides = array<i32>} : memref<2x128x128xf32, #tpu.memory_space<vmem>>, vector<1x1x16xf32>,
      %swap3A_463 = vector.shape_cast %swap3A_462 : vector<1x1x16xf32> to vector<16xf32>
      %swap3A_464 = vector.shape_cast %mul3A_457 : vector<16xf32> to vector<1x1x16xf32>
      tpu.vector_store %arg12[%swap3A_459, %swap3A_460, %swap3A_461], %swap3A_464 {strides = array<i32>} : memref<2x128x128xf32, #tpu.memory_space<vmem>>, vector<1x1x16xf32>,
      %get3A_465 = arith.constant 1 : i32
      %get3A_466 = arith.index_cast %get3A_465 : i32 to index
      %get3A_467 = arith.index_cast %scan3A_298 : i32 to index
      %get3A_468 = arith.constant 64 : index
      %get3A_469 = tpu.vector_load %arg12[%get3A_466, %get3A_467, %get3A_468] {strides = array<i32>} : memref<2x128x128xf32, #tpu.memory_space<vmem>>, vector<1x1x16xf32>,
      %get3A_470 = vector.shape_cast %get3A_469 : vector<1x1x16xf32> to vector<16xf32>
      %neg3A_471 = arith.constant 0.000000e+00 : f32
      %neg3A_472 = vector.broadcast %neg3A_471 : f32 to vector<16xf32>
      %neg3A_473 = arith.subf %neg3A_472, %get3A_470 : vector<16xf32>
      %exp3A_474 = math.exp %neg3A_473 : vector<16xf32>
      %get3A_475 = arith.constant 1 : i32
      %get3A_476 = arith.index_cast %get3A_475 : i32 to index
      %get3A_477 = arith.index_cast %scan3A_298 : i32 to index
      %get3A_478 = arith.constant 64 : index
      %get3A_479 = tpu.vector_load %arg13[%get3A_476, %get3A_477, %get3A_478] {strides = array<i32>} : memref<2x128x128xf32, #tpu.memory_space<vmem>>, vector<1x1x16xf32>,
      %get3A_480 = vector.shape_cast %get3A_479 : vector<1x1x16xf32> to vector<16xf32>
      %neg3A_481 = arith.constant 0.000000e+00 : f32
      %neg3A_482 = vector.broadcast %neg3A_481 : f32 to vector<16xf32>
      %neg3A_483 = arith.subf %neg3A_482, %get3A_480 : vector<16xf32>
      %exp3A_484 = math.exp %neg3A_483 : vector<16xf32>
      %get3A_485 = arith.constant 1 : i32
      %get3A_486 = arith.index_cast %get3A_485 : i32 to index
      %get3A_487 = arith.index_cast %scan3A_298 : i32 to index
      %get3A_488 = arith.constant 64 : index
      %get3A_489 = tpu.vector_load %arg14[%get3A_486, %get3A_487, %get3A_488] {strides = array<i32>} : memref<2x128x128xf32, #tpu.memory_space<vmem>>, vector<1x1x16xf32>,
      %get3A_490 = vector.shape_cast %get3A_489 : vector<1x1x16xf32> to vector<16xf32>
      %sub3A_491 = arith.subf %exp3A_484, %exp3A_474 : vector<16xf32>
      %add3A_492 = arith.constant 1.000000e+00 : f32
      %add3A_493 = vector.broadcast %add3A_492 : f32 to vector<16xf32>
      %add3A_494 = arith.addf %add3A_493, %exp3A_474 : vector<16xf32>
      %add3A_495 = arith.constant 1.000000e+00 : f32
      %add3A_496 = vector.broadcast %add3A_495 : f32 to vector<16xf32>
      %add3A_497 = arith.addf %add3A_496, %exp3A_484 : vector<16xf32>
      %mul3A_498 = arith.mulf %add3A_494, %add3A_497 : vector<16xf32>
      %div3A_499 = arith.divf %sub3A_491, %mul3A_498 : vector<16xf32>
      %mul3A_500 = arith.mulf %div3A_499, %get3A_490 : vector<16xf32>
      %swap3A_501 = arith.constant 1 : i32
      %swap3A_502 = arith.index_cast %swap3A_501 : i32 to index
      %swap3A_503 = arith.index_cast %scan3A_298 : i32 to index
      %swap3A_504 = arith.constant 64 : index
      %swap3A_505 = tpu.vector_load %arg12[%swap3A_502, %swap3A_503, %swap3A_504] {strides = array<i32>} : memref<2x128x128xf32, #tpu.memory_space<vmem>>, vector<1x1x16xf32>,
      %swap3A_506 = vector.shape_cast %swap3A_505 : vector<1x1x16xf32> to vector<16xf32>
      %swap3A_507 = vector.shape_cast %mul3A_500 : vector<16xf32> to vector<1x1x16xf32>
      tpu.vector_store %arg12[%swap3A_502, %swap3A_503, %swap3A_504], %swap3A_507 {strides = array<i32>} : memref<2x128x128xf32, #tpu.memory_space<vmem>>, vector<1x1x16xf32>,
      %get3A_508 = arith.constant 1 : i32
      %get3A_509 = arith.index_cast %get3A_508 : i32 to index
      %get3A_510 = arith.index_cast %scan3A_298 : i32 to index
      %get3A_511 = arith.constant 80 : index
      %get3A_512 = tpu.vector_load %arg12[%get3A_509, %get3A_510, %get3A_511] {strides = array<i32>} : memref<2x128x128xf32, #tpu.memory_space<vmem>>, vector<1x1x16xf32>,
      %get3A_513 = vector.shape_cast %get3A_512 : vector<1x1x16xf32> to vector<16xf32>
      %neg3A_514 = arith.constant 0.000000e+00 : f32
      %neg3A_515 = vector.broadcast %neg3A_514 : f32 to vector<16xf32>
      %neg3A_516 = arith.subf %neg3A_515, %get3A_513 : vector<16xf32>
      %exp3A_517 = math.exp %neg3A_516 : vector<16xf32>
      %get3A_518 = arith.constant 1 : i32
      %get3A_519 = arith.index_cast %get3A_518 : i32 to index
      %get3A_520 = arith.index_cast %scan3A_298 : i32 to index
      %get3A_521 = arith.constant 80 : index
      %get3A_522 = tpu.vector_load %arg13[%get3A_519, %get3A_520, %get3A_521] {strides = array<i32>} : memref<2x128x128xf32, #tpu.memory_space<vmem>>, vector<1x1x16xf32>,
      %get3A_523 = vector.shape_cast %get3A_522 : vector<1x1x16xf32> to vector<16xf32>
      %neg3A_524 = arith.constant 0.000000e+00 : f32
      %neg3A_525 = vector.broadcast %neg3A_524 : f32 to vector<16xf32>
      %neg3A_526 = arith.subf %neg3A_525, %get3A_523 : vector<16xf32>
      %exp3A_527 = math.exp %neg3A_526 : vector<16xf32>
      %get3A_528 = arith.constant 1 : i32
      %get3A_529 = arith.index_cast %get3A_528 : i32 to index
      %get3A_530 = arith.index_cast %scan3A_298 : i32 to index
      %get3A_531 = arith.constant 80 : index
      %get3A_532 = tpu.vector_load %arg14[%get3A_529, %get3A_530, %get3A_531] {strides = array<i32>} : memref<2x128x128xf32, #tpu.memory_space<vmem>>, vector<1x1x16xf32>,
      %get3A_533 = vector.shape_cast %get3A_532 : vector<1x1x16xf32> to vector<16xf32>
      %sub3A_534 = arith.subf %exp3A_527, %exp3A_517 : vector<16xf32>
      %add3A_535 = arith.constant 1.000000e+00 : f32
      %add3A_536 = vector.broadcast %add3A_535 : f32 to vector<16xf32>
      %add3A_537 = arith.addf %add3A_536, %exp3A_517 : vector<16xf32>
      %add3A_538 = arith.constant 1.000000e+00 : f32
      %add3A_539 = vector.broadcast %add3A_538 : f32 to vector<16xf32>
      %add3A_540 = arith.addf %add3A_539, %exp3A_527 : vector<16xf32>
      %mul3A_541 = arith.mulf %add3A_537, %add3A_540 : vector<16xf32>
      %div3A_542 = arith.divf %sub3A_534, %mul3A_541 : vector<16xf32>
      %mul3A_543 = arith.mulf %div3A_542, %get3A_533 : vector<16xf32>
      %swap3A_544 = arith.constant 1 : i32
      %swap3A_545 = arith.index_cast %swap3A_544 : i32 to index
      %swap3A_546 = arith.index_cast %scan3A_298 : i32 to index
      %swap3A_547 = arith.constant 80 : index
      %swap3A_548 = tpu.vector_load %arg12[%swap3A_545, %swap3A_546, %swap3A_547] {strides = array<i32>} : memref<2x128x128xf32, #tpu.memory_space<vmem>>, vector<1x1x16xf32>,
      %swap3A_549 = vector.shape_cast %swap3A_548 : vector<1x1x16xf32> to vector<16xf32>
      %swap3A_550 = vector.shape_cast %mul3A_543 : vector<16xf32> to vector<1x1x16xf32>
      tpu.vector_store %arg12[%swap3A_545, %swap3A_546, %swap3A_547], %swap3A_550 {strides = array<i32>} : memref<2x128x128xf32, #tpu.memory_space<vmem>>, vector<1x1x16xf32>,
      %get3A_551 = arith.constant 1 : i32
      %get3A_552 = arith.index_cast %get3A_551 : i32 to index
      %get3A_553 = arith.index_cast %scan3A_298 : i32 to index
      %get3A_554 = arith.constant 96 : index
      %get3A_555 = tpu.vector_load %arg12[%get3A_552, %get3A_553, %get3A_554] {strides = array<i32>} : memref<2x128x128xf32, #tpu.memory_space<vmem>>, vector<1x1x16xf32>,
      %get3A_556 = vector.shape_cast %get3A_555 : vector<1x1x16xf32> to vector<16xf32>
      %neg3A_557 = arith.constant 0.000000e+00 : f32
      %neg3A_558 = vector.broadcast %neg3A_557 : f32 to vector<16xf32>
      %neg3A_559 = arith.subf %neg3A_558, %get3A_556 : vector<16xf32>
      %exp3A_560 = math.exp %neg3A_559 : vector<16xf32>
      %get3A_561 = arith.constant 1 : i32
      %get3A_562 = arith.index_cast %get3A_561 : i32 to index
      %get3A_563 = arith.index_cast %scan3A_298 : i32 to index
      %get3A_564 = arith.constant 96 : index
      %get3A_565 = tpu.vector_load %arg13[%get3A_562, %get3A_563, %get3A_564] {strides = array<i32>} : memref<2x128x128xf32, #tpu.memory_space<vmem>>, vector<1x1x16xf32>,
      %get3A_566 = vector.shape_cast %get3A_565 : vector<1x1x16xf32> to vector<16xf32>
      %neg3A_567 = arith.constant 0.000000e+00 : f32
      %neg3A_568 = vector.broadcast %neg3A_567 : f32 to vector<16xf32>
      %neg3A_569 = arith.subf %neg3A_568, %get3A_566 : vector<16xf32>
      %exp3A_570 = math.exp %neg3A_569 : vector<16xf32>
      %get3A_571 = arith.constant 1 : i32
      %get3A_572 = arith.index_cast %get3A_571 : i32 to index
      %get3A_573 = arith.index_cast %scan3A_298 : i32 to index
      %get3A_574 = arith.constant 96 : index
      %get3A_575 = tpu.vector_load %arg14[%get3A_572, %get3A_573, %get3A_574] {strides = array<i32>} : memref<2x128x128xf32, #tpu.memory_space<vmem>>, vector<1x1x16xf32>,
      %get3A_576 = vector.shape_cast %get3A_575 : vector<1x1x16xf32> to vector<16xf32>
      %sub3A_577 = arith.subf %exp3A_570, %exp3A_560 : vector<16xf32>
      %add3A_578 = arith.constant 1.000000e+00 : f32
      %add3A_579 = vector.broadcast %add3A_578 : f32 to vector<16xf32>
      %add3A_580 = arith.addf %add3A_579, %exp3A_560 : vector<16xf32>
      %add3A_581 = arith.constant 1.000000e+00 : f32
      %add3A_582 = vector.broadcast %add3A_581 : f32 to vector<16xf32>
      %add3A_583 = arith.addf %add3A_582, %exp3A_570 : vector<16xf32>
      %mul3A_584 = arith.mulf %add3A_580, %add3A_583 : vector<16xf32>
      %div3A_585 = arith.divf %sub3A_577, %mul3A_584 : vector<16xf32>
      %mul3A_586 = arith.mulf %div3A_585, %get3A_576 : vector<16xf32>
      %swap3A_587 = arith.constant 1 : i32
      %swap3A_588 = arith.index_cast %swap3A_587 : i32 to index
      %swap3A_589 = arith.index_cast %scan3A_298 : i32 to index
      %swap3A_590 = arith.constant 96 : index
      %swap3A_591 = tpu.vector_load %arg12[%swap3A_588, %swap3A_589, %swap3A_590] {strides = array<i32>} : memref<2x128x128xf32, #tpu.memory_space<vmem>>, vector<1x1x16xf32>,
      %swap3A_592 = vector.shape_cast %swap3A_591 : vector<1x1x16xf32> to vector<16xf32>
      %swap3A_593 = vector.shape_cast %mul3A_586 : vector<16xf32> to vector<1x1x16xf32>
      tpu.vector_store %arg12[%swap3A_588, %swap3A_589, %swap3A_590], %swap3A_593 {strides = array<i32>} : memref<2x128x128xf32, #tpu.memory_space<vmem>>, vector<1x1x16xf32>,
      %get3A_594 = arith.constant 1 : i32
      %get3A_595 = arith.index_cast %get3A_594 : i32 to index
      %get3A_596 = arith.index_cast %scan3A_298 : i32 to index
      %get3A_597 = arith.constant 112 : index
      %get3A_598 = tpu.vector_load %arg12[%get3A_595, %get3A_596, %get3A_597] {strides = array<i32>} : memref<2x128x128xf32, #tpu.memory_space<vmem>>, vector<1x1x16xf32>,
      %get3A_599 = vector.shape_cast %get3A_598 : vector<1x1x16xf32> to vector<16xf32>
      %neg3A_600 = arith.constant 0.000000e+00 : f32
      %neg3A_601 = vector.broadcast %neg3A_600 : f32 to vector<16xf32>
      %neg3A_602 = arith.subf %neg3A_601, %get3A_599 : vector<16xf32>
      %exp3A_603 = math.exp %neg3A_602 : vector<16xf32>
      %get3A_604 = arith.constant 1 : i32
      %get3A_605 = arith.index_cast %get3A_604 : i32 to index
      %get3A_606 = arith.index_cast %scan3A_298 : i32 to index
      %get3A_607 = arith.constant 112 : index
      %get3A_608 = tpu.vector_load %arg13[%get3A_605, %get3A_606, %get3A_607] {strides = array<i32>} : memref<2x128x128xf32, #tpu.memory_space<vmem>>, vector<1x1x16xf32>,
      %get3A_609 = vector.shape_cast %get3A_608 : vector<1x1x16xf32> to vector<16xf32>
      %neg3A_610 = arith.constant 0.000000e+00 : f32
      %neg3A_611 = vector.broadcast %neg3A_610 : f32 to vector<16xf32>
      %neg3A_612 = arith.subf %neg3A_611, %get3A_609 : vector<16xf32>
      %exp3A_613 = math.exp %neg3A_612 : vector<16xf32>
      %get3A_614 = arith.constant 1 : i32
      %get3A_615 = arith.index_cast %get3A_614 : i32 to index
      %get3A_616 = arith.index_cast %scan3A_298 : i32 to index
      %get3A_617 = arith.constant 112 : index
      %get3A_618 = tpu.vector_load %arg14[%get3A_615, %get3A_616, %get3A_617] {strides = array<i32>} : memref<2x128x128xf32, #tpu.memory_space<vmem>>, vector<1x1x16xf32>,
      %get3A_619 = vector.shape_cast %get3A_618 : vector<1x1x16xf32> to vector<16xf32>
      %sub3A_620 = arith.subf %exp3A_613, %exp3A_603 : vector<16xf32>
      %add3A_621 = arith.constant 1.000000e+00 : f32
      %add3A_622 = vector.broadcast %add3A_621 : f32 to vector<16xf32>
      %add3A_623 = arith.addf %add3A_622, %exp3A_603 : vector<16xf32>
      %add3A_624 = arith.constant 1.000000e+00 : f32
      %add3A_625 = vector.broadcast %add3A_624 : f32 to vector<16xf32>
      %add3A_626 = arith.addf %add3A_625, %exp3A_613 : vector<16xf32>
      %mul3A_627 = arith.mulf %add3A_623, %add3A_626 : vector<16xf32>
      %div3A_628 = arith.divf %sub3A_620, %mul3A_627 : vector<16xf32>
      %mul3A_629 = arith.mulf %div3A_628, %get3A_619 : vector<16xf32>
      %swap3A_630 = arith.constant 1 : i32
      %swap3A_631 = arith.index_cast %swap3A_630 : i32 to index
      %swap3A_632 = arith.index_cast %scan3A_298 : i32 to index
      %swap3A_633 = arith.constant 112 : index
      %swap3A_634 = tpu.vector_load %arg12[%swap3A_631, %swap3A_632, %swap3A_633] {strides = array<i32>} : memref<2x128x128xf32, #tpu.memory_space<vmem>>, vector<1x1x16xf32>,
      %swap3A_635 = vector.shape_cast %swap3A_634 : vector<1x1x16xf32> to vector<16xf32>
      %swap3A_636 = vector.shape_cast %mul3A_629 : vector<16xf32> to vector<1x1x16xf32>
      tpu.vector_store %arg12[%swap3A_631, %swap3A_632, %swap3A_633], %swap3A_636 {strides = array<i32>} : memref<2x128x128xf32, #tpu.memory_space<vmem>>, vector<1x1x16xf32>,
    }
    %scan3A_227 = arith.constant 128 : i32
    %mul3A_228 = arith.constant 256 : i32
    %mul3A_229 = arith.muli %add3A, %mul3A_228 : i32
    %add3A_230 = arith.constant 128 : i32
    %add3A_231 = arith.addi %mul3A_229, %add3A_230 : i32
    %dma_start3A_232 = arith.constant 1 : i32
    %dma_start3A_233 = arith.constant 0 : i32
    %dma_start3A_234 = arith.constant 0 : i32
    %dma_start3A_235 = tpu.memref_slice %arg12[%dma_start3A_232, %dma_start3A_233, %dma_start3A_234] : memref<2x128x128xf32, #tpu.memory_space<vmem>> -> memref<1x128x128xf32, #tpu.memory_space<vmem>>
    %dma_start3A_236 = tpu.memref_squeeze %dma_start3A_235 : memref<1x128x128xf32, #tpu.memory_space<vmem>> -> memref<128x128xf32, #tpu.memory_space<vmem>>
    %dma_start3A_237 = arith.constant 0 : i32
    %dma_start3A_238 = tpu.memref_slice %arg8[%add3A_231, %dma_start3A_237] : memref<8192x128xf32, #tpu.memory_space<hbm>> -> memref<128x128xf32, #tpu.memory_space<hbm>>
    %dma_start3A_239 = arith.constant 0 : i32
    %dma_start3A_240 = tpu.memref_slice %arg8[%add3A_231, %dma_start3A_239] : memref<8192x128xf32, #tpu.memory_space<hbm>> -> memref<128x128xf32, #tpu.memory_space<hbm>>
    %dma_start3A_241 = arith.constant 0 : i32
    %dma_start3A_242 = arith.constant 0 : i32
    %dma_start3A_243 = tpu.memref_slice %arg12[%dma_start3A_232, %dma_start3A_241, %dma_start3A_242] : memref<2x128x128xf32, #tpu.memory_space<vmem>> -> memref<1x128x128xf32, #tpu.memory_space<vmem>>
    %dma_start3A_244 = tpu.memref_squeeze %dma_start3A_243 : memref<1x128x128xf32, #tpu.memory_space<vmem>> -> memref<128x128xf32, #tpu.memory_space<vmem>>
    tpu.enqueue_dma source(%dma_start3A_244 : memref<128x128xf32, #tpu.memory_space<vmem>>) target(%dma_start3A_240 : memref<128x128xf32, #tpu.memory_space<hbm>>) target_semaphore(%arg18 : memref<!tpu.dma_semaphore, #tpu.memory_space<semaphore_mem>>)
    %dma_start3A_245 = arith.constant 1 : i32
    %dma_start3A_246 = arith.constant 0 : i32
    %dma_start3A_247 = tpu.memref_slice %arg15[%dma_start3A_245, %dma_start3A_246] : memref<2x128xf32, #tpu.memory_space<vmem>> -> memref<1x128xf32, #tpu.memory_space<vmem>>
    %dma_start3A_248 = tpu.memref_squeeze %dma_start3A_247 : memref<1x128xf32, #tpu.memory_space<vmem>> -> memref<128xf32, #tpu.memory_space<vmem>>
    %dma_start3A_249 = tpu.memref_slice %arg9[%add3A_231] : memref<8192xf32, #tpu.memory_space<hbm>> -> memref<128xf32, #tpu.memory_space<hbm>>
    %dma_start3A_250 = tpu.memref_slice %arg9[%add3A_231] : memref<8192xf32, #tpu.memory_space<hbm>> -> memref<128xf32, #tpu.memory_space<hbm>>
    %dma_start3A_251 = arith.constant 0 : i32
    %dma_start3A_252 = tpu.memref_slice %arg15[%dma_start3A_245, %dma_start3A_251] : memref<2x128xf32, #tpu.memory_space<vmem>> -> memref<1x128xf32, #tpu.memory_space<vmem>>
    %dma_start3A_253 = tpu.memref_squeeze %dma_start3A_252 : memref<1x128xf32, #tpu.memory_space<vmem>> -> memref<128xf32, #tpu.memory_space<vmem>>
    tpu.enqueue_dma source(%dma_start3A_253 : memref<128xf32, #tpu.memory_space<vmem>>) target(%dma_start3A_250 : memref<128xf32, #tpu.memory_space<hbm>>) target_semaphore(%arg18 : memref<!tpu.dma_semaphore, #tpu.memory_space<semaphore_mem>>)
    %dma_wait3A_254 = arith.constant 0 : i32
    %dma_wait3A_255 = arith.constant 0 : i32
    %dma_wait3A_256 = arith.constant 0 : i32
    %dma_wait3A_257 = tpu.memref_slice %arg12[%dma_wait3A_254, %dma_wait3A_255, %dma_wait3A_256] : memref<2x128x128xf32, #tpu.memory_space<vmem>> -> memref<1x128x128xf32, #tpu.memory_space<vmem>>
    %dma_wait3A_258 = tpu.memref_squeeze %dma_wait3A_257 : memref<1x128x128xf32, #tpu.memory_space<vmem>> -> memref<128x128xf32, #tpu.memory_space<vmem>>
    %dma_wait3A_259 = arith.constant 0 : i32
    %dma_wait3A_260 = tpu.memref_slice %arg8[%add3A_153, %dma_wait3A_259] : memref<8192x128xf32, #tpu.memory_space<hbm>> -> memref<128x128xf32, #tpu.memory_space<hbm>>
    %dma_wait3A_261 = arith.constant 0 : i32
    %dma_wait3A_262 = tpu.memref_slice %arg8[%add3A_153, %dma_wait3A_261] : memref<8192x128xf32, #tpu.memory_space<hbm>> -> memref<128x128xf32, #tpu.memory_space<hbm>>
    %dma_wait3A_263 = arith.constant 0 : i32
    %dma_wait3A_264 = arith.constant 0 : i32
    %dma_wait3A_265 = tpu.memref_slice %arg12[%dma_wait3A_254, %dma_wait3A_263, %dma_wait3A_264] : memref<2x128x128xf32, #tpu.memory_space<vmem>> -> memref<1x128x128xf32, #tpu.memory_space<vmem>>
    %dma_wait3A_266 = tpu.memref_squeeze %dma_wait3A_265 : memref<1x128x128xf32, #tpu.memory_space<vmem>> -> memref<128x128xf32, #tpu.memory_space<vmem>>
    tpu.wait_dma2 semaphore(%arg18 : memref<!tpu.dma_semaphore, #tpu.memory_space<semaphore_mem>>) src(%dma_wait3A_266 : memref<128x128xf32, #tpu.memory_space<vmem>>) dst(%dma_wait3A_262 : memref<128x128xf32, #tpu.memory_space<hbm>>)
    %dma_wait3A_267 = arith.constant 0 : i32
    %dma_wait3A_268 = arith.constant 0 : i32
    %dma_wait3A_269 = tpu.memref_slice %arg15[%dma_wait3A_267, %dma_wait3A_268] : memref<2x128xf32, #tpu.memory_space<vmem>> -> memref<1x128xf32, #tpu.memory_space<vmem>>
    %dma_wait3A_270 = tpu.memref_squeeze %dma_wait3A_269 : memref<1x128xf32, #tpu.memory_space<vmem>> -> memref<128xf32, #tpu.memory_space<vmem>>
    %dma_wait3A_271 = tpu.memref_slice %arg9[%add3A_153] : memref<8192xf32, #tpu.memory_space<hbm>> -> memref<128xf32, #tpu.memory_space<hbm>>
    %dma_wait3A_272 = tpu.memref_slice %arg9[%add3A_153] : memref<8192xf32, #tpu.memory_space<hbm>> -> memref<128xf32, #tpu.memory_space<hbm>>
    %dma_wait3A_273 = arith.constant 0 : i32
    %dma_wait3A_274 = tpu.memref_slice %arg15[%dma_wait3A_267, %dma_wait3A_273] : memref<2x128xf32, #tpu.memory_space<vmem>> -> memref<1x128xf32, #tpu.memory_space<vmem>>
    %dma_wait3A_275 = tpu.memref_squeeze %dma_wait3A_274 : memref<1x128xf32, #tpu.memory_space<vmem>> -> memref<128xf32, #tpu.memory_space<vmem>>
    tpu.wait_dma2 semaphore(%arg18 : memref<!tpu.dma_semaphore, #tpu.memory_space<semaphore_mem>>) src(%dma_wait3A_275 : memref<128xf32, #tpu.memory_space<vmem>>) dst(%dma_wait3A_272 : memref<128xf32, #tpu.memory_space<hbm>>)
    %dma_wait3A_276 = arith.constant 1 : i32
    %dma_wait3A_277 = arith.constant 0 : i32
    %dma_wait3A_278 = arith.constant 0 : i32
    %dma_wait3A_279 = tpu.memref_slice %arg12[%dma_wait3A_276, %dma_wait3A_277, %dma_wait3A_278] : memref<2x128x128xf32, #tpu.memory_space<vmem>> -> memref<1x128x128xf32, #tpu.memory_space<vmem>>
    %dma_wait3A_280 = tpu.memref_squeeze %dma_wait3A_279 : memref<1x128x128xf32, #tpu.memory_space<vmem>> -> memref<128x128xf32, #tpu.memory_space<vmem>>
    %dma_wait3A_281 = arith.constant 0 : i32
    %dma_wait3A_282 = tpu.memref_slice %arg8[%add3A_231, %dma_wait3A_281] : memref<8192x128xf32, #tpu.memory_space<hbm>> -> memref<128x128xf32, #tpu.memory_space<hbm>>
    %dma_wait3A_283 = arith.constant 0 : i32
    %dma_wait3A_284 = tpu.memref_slice %arg8[%add3A_231, %dma_wait3A_283] : memref<8192x128xf32, #tpu.memory_space<hbm>> -> memref<128x128xf32, #tpu.memory_space<hbm>>
    %dma_wait3A_285 = arith.constant 0 : i32
    %dma_wait3A_286 = arith.constant 0 : i32
    %dma_wait3A_287 = tpu.memref_slice %arg12[%dma_wait3A_276, %dma_wait3A_285, %dma_wait3A_286] : memref<2x128x128xf32, #tpu.memory_space<vmem>> -> memref<1x128x128xf32, #tpu.memory_space<vmem>>
    %dma_wait3A_288 = tpu.memref_squeeze %dma_wait3A_287 : memref<1x128x128xf32, #tpu.memory_space<vmem>> -> memref<128x128xf32, #tpu.memory_space<vmem>>
    tpu.wait_dma2 semaphore(%arg18 : memref<!tpu.dma_semaphore, #tpu.memory_space<semaphore_mem>>) src(%dma_wait3A_288 : memref<128x128xf32, #tpu.memory_space<vmem>>) dst(%dma_wait3A_284 : memref<128x128xf32, #tpu.memory_space<hbm>>)
    %dma_wait3A_289 = arith.constant 1 : i32
    %dma_wait3A_290 = arith.constant 0 : i32
    %dma_wait3A_291 = tpu.memref_slice %arg15[%dma_wait3A_289, %dma_wait3A_290] : memref<2x128xf32, #tpu.memory_space<vmem>> -> memref<1x128xf32, #tpu.memory_space<vmem>>
    %dma_wait3A_292 = tpu.memref_squeeze %dma_wait3A_291 : memref<1x128xf32, #tpu.memory_space<vmem>> -> memref<128xf32, #tpu.memory_space<vmem>>
    %dma_wait3A_293 = tpu.memref_slice %arg9[%add3A_231] : memref<8192xf32, #tpu.memory_space<hbm>> -> memref<128xf32, #tpu.memory_space<hbm>>
    %dma_wait3A_294 = tpu.memref_slice %arg9[%add3A_231] : memref<8192xf32, #tpu.memory_space<hbm>> -> memref<128xf32, #tpu.memory_space<hbm>>
    %dma_wait3A_295 = arith.constant 0 : i32
    %dma_wait3A_296 = tpu.memref_slice %arg15[%dma_wait3A_289, %dma_wait3A_295] : memref<2x128xf32, #tpu.memory_space<vmem>> -> memref<1x128xf32, #tpu.memory_space<vmem>>
    %dma_wait3A_297 = tpu.memref_squeeze %dma_wait3A_296 : memref<1x128xf32, #tpu.memory_space<vmem>> -> memref<128xf32, #tpu.memory_space<vmem>>
    tpu.wait_dma2 semaphore(%arg18 : memref<!tpu.dma_semaphore, #tpu.memory_space<semaphore_mem>>) src(%dma_wait3A_297 : memref<128xf32, #tpu.memory_space<vmem>>) dst(%dma_wait3A_294 : memref<128xf32, #tpu.memory_space<hbm>>)
    return
  }
}

module attributes {stable_mosaic.version = 14 : i64} {
  func.func @_tc_mlp_body(%arg0: i32, %arg1: memref<4096x128xf32, #tpu.memory_space<vmem>>, %arg2: memref<1x1x4096xf32, #tpu.memory_space<vmem>>, %arg3: memref<128x512xf32, #tpu.memory_space<vmem>>, %arg4: memref<1x512xf32, #tpu.memory_space<vmem>>, %arg5: memref<512x256xf32, #tpu.memory_space<vmem>>, %arg6: memref<1x256xf32, #tpu.memory_space<vmem>>, %arg7: memref<256x1xf32, #tpu.memory_space<vmem>>, %arg8: memref<1x1xf32, #tpu.memory_space<vmem>>, %arg9: memref<4096xf32, #tpu.memory_space<vmem>>) attributes {dimension_semantics = [#tpu.dimension_semantics<arbitrary>], iteration_bounds = array<i64: 2>, scalar_prefetch = 0 : i64, scratch_operands = 0 : i64, tpu.core_type = #tpu.core_type<tc>, window_params = [{transform_indices = @transform_0, window_bounds = array<i64: 4096, 128>}, {transform_indices = @transform_1, window_bounds = array<i64: 1, 1, 4096>}, {pipeline_mode = #tpu.pipeline_mode<synchronous>, transform_indices = @transform_2, window_bounds = array<i64: 128, 512>}, {pipeline_mode = #tpu.pipeline_mode<synchronous>, transform_indices = @transform_3, window_bounds = array<i64: 1, 512>}, {pipeline_mode = #tpu.pipeline_mode<synchronous>, transform_indices = @transform_4, window_bounds = array<i64: 512, 256>}, {pipeline_mode = #tpu.pipeline_mode<synchronous>, transform_indices = @transform_5, window_bounds = array<i64: 1, 256>}, {pipeline_mode = #tpu.pipeline_mode<synchronous>, transform_indices = @transform_6, window_bounds = array<i64: 256, 1>}, {pipeline_mode = #tpu.pipeline_mode<synchronous>, transform_indices = @transform_7, window_bounds = array<i64: 1, 1>}, {transform_indices = @transform_8, window_bounds = array<i64: 4096>}]} {
    %get3A = arith.constant 0 : index
    %get3A_0 = arith.constant 0 : index
    %get3A_1 = arith.constant 0 : index
    %get3A_2 = vector.load %arg2[%get3A, %get3A_0, %get3A_1] : memref<1x1x4096xf32, #tpu.memory_space<vmem>>, vector<1x1x4096xf32>
    %reshape3A = vector.shape_cast %get3A_2 : vector<1x1x4096xf32> to vector<4096x1xf32>
    %mul3A = arith.constant 5.000000e-01 : f32
    %mul3A_3 = vector.broadcast %mul3A : f32 to vector<4096x1xf32>
    %mul3A_4 = arith.mulf %mul3A_3, %reshape3A : vector<4096x1xf32>
    %tanh3A = math.tanh %mul3A_4 : vector<4096x1xf32>
    %mul3A_5 = arith.constant 5.000000e+00 : f32
    %mul3A_6 = vector.broadcast %mul3A_5 : f32 to vector<4096x1xf32>
    %mul3A_7 = arith.mulf %mul3A_6, %tanh3A : vector<4096x1xf32>
    %add3A = arith.constant 5.000000e+00 : f32
    %add3A_8 = vector.broadcast %add3A : f32 to vector<4096x1xf32>
    %add3A_9 = arith.addf %mul3A_7, %add3A_8 : vector<4096x1xf32>
    %get3A_10 = arith.constant 0 : index
    %get3A_11 = arith.constant 0 : index
    %get3A_12 = vector.load %arg1[%get3A_10, %get3A_11] : memref<4096x128xf32, #tpu.memory_space<vmem>>, vector<4096x128xf32>
    %mul3A_13 = vector.broadcast %add3A_9 : vector<4096x1xf32> to vector<4096x128xf32>
    %mul3A_14 = arith.mulf %mul3A_13, %get3A_12 : vector<4096x128xf32>
    %get3A_15 = arith.constant 0 : index
    %get3A_16 = arith.constant 0 : index
    %get3A_17 = vector.load %arg3[%get3A_15, %get3A_16] : memref<128x512xf32, #tpu.memory_space<vmem>>, vector<128x512xf32>
    %dot_general3A = arith.constant dense<0.000000e+00> : vector<4096x512xf32>
    %dot_general3A_18 = tpu.matmul %mul3A_14, %get3A_17, %dot_general3A {dimension_numbers = #tpu.dot_dimension_numbers<[1], [0], [0], [1], [0, 0, 1, 1], [], []>, transpose_lhs_hint = false} : vector<4096x128xf32>, vector<128x512xf32>, vector<4096x512xf32> -> vector<4096x512xf32>
    %get3A_19 = arith.constant 0 : index
    %get3A_20 = arith.constant 0 : index
    %get3A_21 = vector.load %arg4[%get3A_19, %get3A_20] : memref<1x512xf32, #tpu.memory_space<vmem>>, vector<1x512xf32>
    %add3A_22 = vector.broadcast %get3A_21 : vector<1x512xf32> to vector<4096x512xf32>
    %add3A_23 = arith.addf %dot_general3A_18, %add3A_22 : vector<4096x512xf32>
    %tanh3A_24 = math.tanh %add3A_23 : vector<4096x512xf32>
    %get3A_25 = arith.constant 0 : index
    %get3A_26 = arith.constant 0 : index
    %get3A_27 = vector.load %arg5[%get3A_25, %get3A_26] : memref<512x256xf32, #tpu.memory_space<vmem>>, vector<512x256xf32>
    %dot_general3A_28 = arith.constant dense<0.000000e+00> : vector<4096x256xf32>
    %dot_general3A_29 = tpu.matmul %tanh3A_24, %get3A_27, %dot_general3A_28 {dimension_numbers = #tpu.dot_dimension_numbers<[1], [0], [0], [1], [0, 0, 1, 1], [], []>, transpose_lhs_hint = false} : vector<4096x512xf32>, vector<512x256xf32>, vector<4096x256xf32> -> vector<4096x256xf32>
    %get3A_30 = arith.constant 0 : index
    %get3A_31 = arith.constant 0 : index
    %get3A_32 = vector.load %arg6[%get3A_30, %get3A_31] : memref<1x256xf32, #tpu.memory_space<vmem>>, vector<1x256xf32>
    %add3A_33 = vector.broadcast %get3A_32 : vector<1x256xf32> to vector<4096x256xf32>
    %add3A_34 = arith.addf %dot_general3A_29, %add3A_33 : vector<4096x256xf32>
    %tanh3A_35 = math.tanh %add3A_34 : vector<4096x256xf32>
    %get3A_36 = arith.constant 0 : index
    %get3A_37 = arith.constant 0 : index
    %get3A_38 = vector.load %arg7[%get3A_36, %get3A_37] : memref<256x1xf32, #tpu.memory_space<vmem>>, vector<256x1xf32>
    %dot_general3A_39 = arith.constant dense<0.000000e+00> : vector<4096x1xf32>
    %dot_general3A_40 = tpu.matmul %tanh3A_35, %get3A_38, %dot_general3A_39 {dimension_numbers = #tpu.dot_dimension_numbers<[1], [0], [0], [1], [0, 0, 1, 1], [], []>, transpose_lhs_hint = false} : vector<4096x256xf32>, vector<256x1xf32>, vector<4096x1xf32> -> vector<4096x1xf32>
    %get3A_41 = arith.constant 0 : index
    %get3A_42 = arith.constant 0 : index
    %get3A_43 = vector.load %arg8[%get3A_41, %get3A_42] : memref<1x1xf32, #tpu.memory_space<vmem>>, vector<1x1xf32>
    %add3A_44 = vector.broadcast %get3A_43 : vector<1x1xf32> to vector<4096x1xf32>
    %add3A_45 = arith.addf %dot_general3A_40, %add3A_44 : vector<4096x1xf32>
    %tanh3A_46 = math.tanh %add3A_45 : vector<4096x1xf32>
    %reshape3A_47 = vector.shape_cast %tanh3A_46 : vector<4096x1xf32> to vector<4096xf32>
    %mul3A_48 = arith.constant 5.000000e-01 : f32
    %mul3A_49 = vector.broadcast %mul3A_48 : f32 to vector<4096xf32>
    %mul3A_50 = arith.mulf %mul3A_49, %reshape3A_47 : vector<4096xf32>
    %add3A_51 = arith.constant 5.000000e-01 : f32
    %add3A_52 = vector.broadcast %add3A_51 : f32 to vector<4096xf32>
    %add3A_53 = arith.addf %mul3A_50, %add3A_52 : vector<4096xf32>
    %swap3A = arith.constant 0 : index
    %swap3A_54 = vector.load %arg9[%swap3A] : memref<4096xf32, #tpu.memory_space<vmem>>, vector<4096xf32>
    tpu.vector_store %arg9[%swap3A], %add3A_53 {strides = array<i32>} : memref<4096xf32, #tpu.memory_space<vmem>>, vector<4096xf32>,
    return
  }
  func.func @transform_0(%arg0: i32) -> (i32, i32) {
    %c0_i32 = arith.constant 0 : i32
    %c0_i32_0 = arith.constant 0 : i32
    return %arg0, %c0_i32 : i32, i32
  }
  func.func @transform_1(%arg0: i32) -> (i32, i32, i32) {
    %c0_i32 = arith.constant 0 : i32
    %c0_i32_0 = arith.constant 0 : i32
    %c0_i32_1 = arith.constant 0 : i32
    return %arg0, %c0_i32, %c0_i32_0 : i32, i32, i32
  }
  func.func @transform_2(%arg0: i32) -> (i32, i32) {
    %c0_i32 = arith.constant 0 : i32
    %c0_i32_0 = arith.constant 0 : i32
    %c0_i32_1 = arith.constant 0 : i32
    return %c0_i32, %c0_i32_0 : i32, i32
  }
  func.func @transform_3(%arg0: i32) -> (i32, i32) {
    %c0_i32 = arith.constant 0 : i32
    %c0_i32_0 = arith.constant 0 : i32
    %c0_i32_1 = arith.constant 0 : i32
    return %c0_i32, %c0_i32_0 : i32, i32
  }
  func.func @transform_4(%arg0: i32) -> (i32, i32) {
    %c0_i32 = arith.constant 0 : i32
    %c0_i32_0 = arith.constant 0 : i32
    %c0_i32_1 = arith.constant 0 : i32
    return %c0_i32, %c0_i32_0 : i32, i32
  }
  func.func @transform_5(%arg0: i32) -> (i32, i32) {
    %c0_i32 = arith.constant 0 : i32
    %c0_i32_0 = arith.constant 0 : i32
    %c0_i32_1 = arith.constant 0 : i32
    return %c0_i32, %c0_i32_0 : i32, i32
  }
  func.func @transform_6(%arg0: i32) -> (i32, i32) {
    %c0_i32 = arith.constant 0 : i32
    %c0_i32_0 = arith.constant 0 : i32
    %c0_i32_1 = arith.constant 0 : i32
    return %c0_i32, %c0_i32_0 : i32, i32
  }
  func.func @transform_7(%arg0: i32) -> (i32, i32) {
    %c0_i32 = arith.constant 0 : i32
    %c0_i32_0 = arith.constant 0 : i32
    %c0_i32_1 = arith.constant 0 : i32
    return %c0_i32, %c0_i32_0 : i32, i32
  }
  func.func @transform_8(%arg0: i32) -> i32 {
    %c0_i32 = arith.constant 0 : i32
    return %arg0 : i32
  }
}

</mosaic_0001>

<sc_bundles>
// kernel: kernel.6.cloned.1.call-start
scs
__scs_entry_jumppad:
0x0: {  	(pc) =	sbr.rel $0x88, $3  }
0x1: {  	(tag) =	ssettag $0x0;
	lr =	simm.s32 $0x1  }
0x2: {  	[smem:$0x3F95] =	sst lr;
	_ =	strace $0xD0000000  }
0x3: {  	_ = 	snop  }
0x4: {  	_ = 	snop  }
0x5: {  	_ = 	snop  }
0x6: {  	_ = 	snop  }
0x7: {  	_ = 	snop  }
__scs_overlays_trampoline_lowered:
0x8: {  	[smem:$0x3FA4] =	sst s0  }
0x9: {  	[smem:$0x3FA5] =	sst s1  }
0xa: {  	[smem:$0x3FA6] =	sst s2  }
0xb: {  	[smem:$0x3FA7] =	sst s3  }
0xc: {  	[smem:$0x3FA8] =	sst s4  }
0xd: {  	[smem:$0x3FA9] =	sst s5  }
0xe: {  	[smem:$0x3FAA] =	sst s6  }
0xf: {  	[smem:$0x3FAB] =	sst s7  }
0x10: {  	[smem:$0x3FAC] =	sst s8  }
0x11: {  	[smem:$0x3FAD] =	sst s9;
	s0 =	simm.s32 @!p0 $0x0  }
0x12: {  	s1 =	sld [smem:$0x3F93];
	s0 =	simm.s32 @p0 $0x1  }
0x13: {  	[smem:$0x3FAE] =	sst s0;
	s0 =	simm.s32 @!p1 $0x0  }
0x14: {  	s2 =	sld [smem:$0x3F92];
	s0 =	simm.s32 @p1 $0x1  }
0x15: {  	[smem:$0x3FAF] =	sst s0;
	s0 =	simm.s32 @!p2 $0x0  }
0x16: {  	s3 =	sld [smem:$0x3FDB];
	s0 =	simm.s32 @p2 $0x1  }
0x17: {  	s4 =	simm.s32 $0x1BF5;
	[smem:$0x3FB1] =	sst s0  }
0x18: {  	s0 =	sld [smem:$0x3F94];
	_ =	swait.ge [sflag:s4], $0x0  }
0x19: {  	s7 =	sld [smem:$0x3F95]  }
0x1a: {  	s8 =	sadd.s32 $0xFFFFE003, lr  }
0x1b: {  	s9 =	sadd.s32 $0xFFFFFEF7, lr;
	s5 =	simm.s32 $0xFFFFFFFF;
	p2 =	slt.u32 s8, $0xFFFFF086  }
0x1c: {  	p1 =	slt.u32 s9, $0xF7A;
	s5 =	simm.s32 @!p2 $0x0  }
0x1d: {  	s5 =	simm.s32 @p1 $0x1;
	p0 =	seq.s32 s7, s2  }
0x1e: {  	s7 =	smul.u32 @!p0 $0xF7A, s2;
	p2 =	seq.s32 @!p0 s5, $0x0  }
0x1f: {  	s9 =	smul.u32 $0xF7A, s1;
	s8 =	simm.s32 @!p0 $0x1BF5;
	p2 =	por !p2, p0  }
0x20: {  	[sflag:s8] =	ssyncset.s32 @!p0 $0xFFFFF086;
	s6 =	sadd.s32 @!p0 s3, s7;
	s7 =	simm.s32 @!p0 $0x108  }
0x21: {  	s3 =	sadd.s32 s3, s9;
	s6 =	sadd.s32 @!p0 $0x88, s6;
	s7 =	simm.s32 @p2 $0x1082  }
0x22: {  	[simem:s7], [sflag:s8] =	dma.local @!p0 [hbm:s6], $0xF7A  }
0x23: {  	s9 =	sor.u32 $0xD0000000, s2;
	s6 =	simm.s32 $0x108;
	_ =	swait.ge @!p0 [sflag:s8], $0x0  }
0x24: {  	s3 =	sadd.s32 $0x88, s3;
	s6 =	simm.s32 @!p1 $0x1082;
	[sflag:s4] =	ssyncset.s32 $0xFFFFF086  }
0x25: {  	[simem:s6], [sflag:s4] =	dma.local [hbm:s3], $0xF7A  }
0x26: {  	[smem:$0x3F95] =	sst s1;
	(tag) =	ssettag s2;
	_ =	strace s9  }
0x27: {  	s1 =	sld [smem:$0x3FA5]  }
0x28: {  	s2 =	sld [smem:$0x3FA6]  }
0x29: {  	s4 =	sld [smem:$0x3FA8]  }
0x2a: {  	p0 =	seq.s32 s5, $0x0;
	s5 =	sld [smem:$0x3FA9]  }
0x2b: {  	s6 =	sld [smem:$0x3FAA]  }
0x2c: {  	s7 =	sld [smem:$0x3FAB]  }
0x2d: {  	s3 =	simm.s32 $0x108;
	s8 =	sld [smem:$0x3FAC]  }
0x2e: {  	s3 =	simm.s32 @!p0 $0x1082;
	s9 =	sld [smem:$0x3FAD]  }
0x2f: {  	lr =	sadd.s32 s0, s3;
	s0 =	sld [smem:$0x3FA4]  }
0x30: {  	s3 =	sld [smem:$0x3FA7]  }
0x31: {  	[smem:$0x3FB0] =	sst s10  }
0x32: {  	s10 =	sld [smem:$0x3FAE];
	_ =	sdelay $0x3  }
0x33: {  	p0 =	seq.s32 s10, $0x1;
	s10 =	sld [smem:$0x3FB0];
	_ =	sdelay $0x3  }
0x34: {  	[smem:$0x3FB0] =	sst s10  }
0x35: {  	s10 =	sld [smem:$0x3FAF];
	_ =	sdelay $0x3  }
0x36: {  	p1 =	seq.s32 s10, $0x1;
	s10 =	sld [smem:$0x3FB0];
	_ =	sdelay $0x3  }
0x37: {  	[smem:$0x3FB0] =	sst s10  }
0x38: {  	s10 =	sld [smem:$0x3FB1]  }
0x39: {  	_ = 	snop;
	(pc) =	sbr.ind lr, $3  }
0x3a: {  	_ = 	snop  }
0x3b: {  	_ = 	snop  }
0x3c: {  	p2 =	seq.s32 s10, $0x1;
	s10 =	sld [smem:$0x3FB0]  }
0x3d: {  	_ =	shalt  }
0x3e: {  	_ =	shalt  }
0x3f: {  	_ =	shalt  }
0x40: {  	_ =	shalt  }
0x41: {  	_ =	shalt  }
0x42: {  	_ =	shalt  }
0x43: {  	_ =	shalt  }
0x44: {  	_ =	shalt  }
0x45: {  	_ =	shalt  }
0x46: {  	_ =	shalt  }
0x47: {  	_ =	shalt  }
0x48: {  	_ =	shalt  }
0x49: {  	_ =	shalt  }
0x4a: {  	_ =	shalt  }
0x4b: {  	_ =	shalt  }
0x4c: {  	_ =	shalt  }
0x4d: {  	_ =	shalt  }
0x4e: {  	_ =	shalt  }
0x4f: {  	_ =	shalt  }
0x50: {  	_ =	shalt  }
0x51: {  	_ =	shalt  }
0x52: {  	_ =	shalt  }
0x53: {  	_ =	shalt  }
0x54: {  	_ =	shalt  }
0x55: {  	_ =	shalt  }
0x56: {  	_ =	shalt  }
0x57: {  	_ =	shalt  }
0x58: {  	_ =	shalt  }
0x59: {  	_ =	shalt  }
0x5a: {  	_ =	shalt  }
0x5b: {  	_ =	shalt  }
0x5c: {  	_ =	shalt  }
0x5d: {  	_ =	shalt  }
0x5e: {  	_ =	shalt  }
0x5f: {  	_ =	shalt  }
0x60: {  	_ =	shalt  }
0x61: {  	_ =	shalt  }
0x62: {  	_ =	shalt  }
0x63: {  	_ =	shalt  }
0x64: {  	_ =	shalt  }
0x65: {  	_ =	shalt  }
0x66: {  	_ =	shalt  }
0x67: {  	_ =	shalt  }
0x68: {  	_ =	shalt  }
0x69: {  	_ =	shalt  }
0x6a: {  	_ =	shalt  }
0x6b: {  	_ =	shalt  }
0x6c: {  	_ =	shalt  }
0x6d: {  	_ =	shalt  }
0x6e: {  	_ =	shalt  }
0x6f: {  	_ =	shalt  }
0x70: {  	_ =	shalt  }
0x71: {  	_ =	shalt  }
0x72: {  	_ =	shalt  }
0x73: {  	_ =	shalt  }
0x74: {  	_ =	shalt  }
0x75: {  	_ =	shalt  }
0x76: {  	_ =	shalt  }
0x77: {  	_ =	shalt  }
0x78: {  	_ =	shalt  }
0x79: {  	_ =	shalt  }
0x7a: {  	_ =	shalt  }
0x7b: {  	_ =	shalt  }
0x7c: {  	_ =	shalt  }
0x7d: {  	_ =	shalt  }
0x7e: {  	_ =	shalt  }
0x7f: {  	_ =	shalt  }
0x80: {  	_ =	shalt  }
0x81: {  	_ =	shalt  }
0x82: {  	_ =	shalt  }
0x83: {  	_ =	shalt  }
0x84: {  	_ =	shalt  }
0x85: {  	_ =	shalt  }
0x86: {  	_ =	shalt  }
0x87: {  	_ =	shalt  }
.Lfunc_end0:
.L_simem_size_0:
called_computation_lowered:
.L_overlay_start_0:
0x88: {  	s2 =	sld [smem:$0x3FD9]  }
0x89: {  	s3 =	sld [smem:$0x3FFE];
	_ =	sdelay $0x1  }
0x8a: {  	s1 =	srdreg.scid  }
0x8b: {  	s0 =	sand.u32 $0x1, s1  }
0x8c: {  	s17 =	sshll.u32 s0, $0xA;
	s2 =	sadd.s32 s3, s2  }
0x8d: {  	s2 =	sadd.s32 s2, s17  }
0x8e: {  	[smem:$0x3FBC] =	sst s2  }
0x8f: {  	_ = 	snop  }
0x90: {  	s5 =	sld [smem:$0x3FC9]  }
0x91: {  	s6 =	sld [smem:$0x3FC8]  }
0x92: {  	s7 =	sld [smem:$0x3FC7]  }
0x93: {  	s8 =	sld [smem:$0x3FC6]  }
0x94: {  	s18 =	sld [smem:$0x3FC4]  }
0x95: {  	s4 =	sld [smem:$0x3FD0];
	(tm) =	ssettm $0x1  }
0x96: {  	s19 =	sld [smem:$0x3FFB];
	_ =	sdelay $0x3  }
0x97: {  	_ =	strace s19  }
0x98: {  	s2 =	sld [smem:$0x3FFC];
	_ =	sdelay $0x3  }
0x99: {  	_ =	strace s2  }
0x9a: {  	s2 =	sld [smem:$0x3FFD];
	_ =	sdelay $0x3  }
0x9b: {  	_ =	strace s2  }
0x9c: {  	_ =	strace $0x8FFFFFFF  }
0x9d: {  	s20 =	sld [smem:$0x3FDB];
	_ =	sdelay $0x1  }
0x9e: {  	s9 =	simm.s32 $_scs_section_size  }
0x9f: {  	s10 =	simm.s32 $_size__tile_overlayer_lowered;
	s11 =	simm.s32 $_tile_overlayer_lowered  }
0xa0: {  	s12 =	simm.s32 $0x1BFF;
	s21 =	sshll.u32 s11, $0x1;
	s9 =	sadd.s32 s9, s20  }
0xa1: {  	s22 =	simm.s32 $0x0;
	s10 =	sshll.u32 s10, $0x1;
	s11 =	sadd.s32 s21, s9  }
0xa2: {  	[timem:s22], [sflag:s12] =	dma.local [hbm:s11], s10  }
0xa3: {  	_ =	swait.ge [sflag:s12], s10  }
0xa4: {  	s10 =	ssub.s32 $0x0, s10;
	[sflag:s12] =	ssyncset.done $0x0  }
0xa5: {  	[sflag:s12] =	ssyncadd.s32 s10;
	_ =	sdelay $0x1  }
0xa6: {  	s23 =	simm.s32 $0x1B8B  }
0xa7: {  	_ =	swait.ge [sflag:s23], $0x1  }
0xa8: {  	[sflag:s23] =	ssyncset.done $0x0  }
0xa9: {  	[sflag:s23] =	ssyncadd.s32 $0xFFFFFFFF  }
0xaa: {  	s10 =	sld [smem:$0x0]  }
0xab: {  	s11 =	sand.u32 $0xFFFFFFFE, s1  }
0xac: {  	p0 =	sne.s32 s1, s11  }
0xad: {  	s11 =	sshll.u32 @p0 s11, $0xE  }
0xae: {  	s11 =	sadd.s32 @p0 $0x11B8D, s11;
	s12 =	sshll.u32 @p0 s10, $0x11  }
0xaf: {  	s11 =	sor.u32 @p0 s12, s11  }
0xb0: {  	[sflag:s11] =	ssyncadd.remote.s32 @p0 $0x1;
	_ =	sdelay $0x1  }
0xb1: {  	s11 =	simm.s32 @p0 $0x1B8D  }
0xb2: {  	_ =	swait.eq @p0 [sflag:s11], $0x1  }
0xb3: {  	[sflag:s11] =	ssyncadd.s32 @p0 $0xFFFFFFFF  }
0xb4: {  	s12 =	sshll.u32 @!p0 s1, $0xE  }
0xb5: {  	s12 =	sor.u32 @!p0 $0x4000, s12;
	s11 =	simm.s32 @!p0 $0x1B8D  }
0xb6: {  	s10 =	sshll.u32 @!p0 s10, $0x11;
	s12 =	sadd.s32 @!p0 $0x11B8D, s12;
	_ =	swait.eq @!p0 [sflag:s11], $0x1  }
0xb7: {  	s10 =	sor.u32 @!p0 s10, s12;
	[sflag:s11] =	ssyncadd.s32 @!p0 $0xFFFFFFFF  }
0xb8: {  	s25 =	simm.s32 $0x1B8E;
	s24 =	sld [smem:$0x3FFE];
	[sflag:s10] =	ssyncadd.remote.s32 @!p0 $0x1  }
0xb9: {  	s26 =	simm.s32 $execute0_lowered;
	[smem:$0x3FD2] =	sst s25  }
0xba: {  	s11 =	sshll.u32 s26, $0x1;
	_ =	strace $0x80000049;
	[dreg:$0x1] =	wrdreg $0xFFFFFFFF  }
0xbb: {  	s28 =	simm.s32 $_size_execute0_lowered;
	s9 =	sadd.s32 s9, s11;
	[dreg:$0x0] =	wrdreg $0x0  }
0xbc: {  	s11 =	sshll.u32 s28, $0x1;
	[dreg:$0x2] =	wrdreg s9  }
0xbd: {  	[dreg:$0x3] =	wrdreg s11  }
0xbe: {  	[dreg:$0x4] =	wrdreg $0xC0  }
0xbf: {  	_ =	task [dreg:s22], $0x5FFFF  }
0xc0: {  	[dreg:$0x1] =	wrdreg $0xFFFFFFFF  }
0xc1: {  	[dreg:$0x0] =	wrdreg $0x60  }
0xc2: {  	[dreg:$0x2] =	wrdreg s5  }
0xc3: {  	[dreg:$0x3] =	wrdreg s6  }
0xc4: {  	[dreg:$0x4] =	wrdreg s7  }
0xc5: {  	[dreg:$0x5] =	wrdreg s8  }
0xc6: {  	[dreg:$0x6] =	wrdreg s24  }
0xc7: {  	[dreg:$0x7] =	wrdreg s18  }
0xc8: {  	[dreg:$0x8] =	wrdreg s4  }
0xc9: {  	[dreg:$0x9] =	wrdreg $0x9  }
0xca: {  	_ =	task.clear_ibuf [dreg:s22], $0xAFFFF;
	_ =	strace $0x90000049  }
0xcb: {  	s29 =	simm.s32 $0x9;
	_ =	strace $0x8000004B  }
0xcc: {  	_ =	swait.ge [sflag:s29], $0x1  }
0xcd: {  	[sflag:s29] =	ssyncadd.s32 $0xFFFFFFFF  }
0xce: {  	_ =	strace $0x9000004B  }
0xcf: {  	_ =	sfence  }
0xd0: {  	s30 =	sld [smem:$0x0];
	_ =	sdelay $0x2  }
0xd1: {  	s31 =	sshll.u32 s1, $0xD;
	s1 =	sshrl.u32 s1, $0x2  }
0xd2: {  	s4 =	sand.u32 $0x4000, s31;
	s1 =	sadd.s32 s1, s30  }
0xd3: {  	s0 =	sor.u32 s4, s0;
	s1 =	sshll.u32 s1, $0x11  }
0xd4: {  	s0 =	sor.u32 s1, s0  }
0xd5: {  	s0 =	sadd.s32 $0x8F2B, s0  }
0xd6: {  	[sflag:s0] =	ssyncadd.remote.s32 $0x1  }
0xd7: {  	_ =	sfence.sel $0xFFFF  }
0xd8: {  	[dreg:$0x0] =	wrdreg $0xFFFFFFFF;
	(pc) =	sbr.abs _section_cstart, $3  }
0xd9: {  	[dreg:$0x1] =	wrdreg $0xFFFFFFFF  }
0xda: {  	_ =	task.clear_ibuf [dreg:s22], $0x2FFFF;
	_ =	strace $0x9FFFFFFF  }
0xdb: {  	(tm) =	ssettm $0x7FFFFFFF  }
tec
execute0_lowered:
.L_overlay_start_1:
0x0: {  	(tag) =	ssettag $0x1  }
0x1: {  	s0 =	rddreg [dreg:$0x0]  }
0x2: {  	s4 =	rddreg [dreg:$0x1]  }
0x3: {  	s1 =	rddreg [dreg:$0x2]  }
0x4: {  	s2 =	rddreg [dreg:$0x3]  }
0x5: {  	s7 =	rddreg [dreg:$0x4]  }
0x6: {  	s3 =	rddreg [dreg:$0x5]  }
0x7: {  	s12 =	rddreg [dreg:$0x6]  }
0x8: {  	s5 =	simm.s32 $0x0;
	s6 =	srdreg.scid;
	s10 =	stileid.u32  }
0x9: {  	s15 =	simm.s32 $0x100;
	s16 =	simm.s32 $0x80;
	s17 =	simm.s32 $0x200  }
0xa: {  	s18 =	simm.s32 $0x8200;
	s19 =	simm.s32 $0x10200;
	s20 =	simm.s32 $0x18200  }
0xb: {  	s21 =	simm.s32 $0x4200;
	s22 =	simm.s32 $0x180;
	s28 =	simm.s32 $0x2  }
0xc: {  	s29 =	simm.s32 $0x3;
	s30 =	simm.s32 $0x0;
	[smem:$0x7FF] =	sst s5  }
0xd: {  	s8 =	sand.u32 $0x1, s6;
	s6 =	sadd.s32 $0x1400, s7;
	s10 =	sshll.u32 s10, $0x1  }
0xe: {  	s11 =	sadd.s32 $0x24A00, s7;
	s9 =	ssub.s32 $0x2, s8;
	s8 =	sor.u32 s8, s10  }
0xf: {  	_ =	strace $0x8000004A;
	s23 =	sshrl.u32 s9, $0x1;
	s24 =	sshll.u32 s8, $0x8  }
0x10: {  	s10 =	sshll.u32 s8, $0x5;
	s25 =	sshll.u32 s8, $0xC;
	s13 =	ssub.s32 s9, s23  }
0x11: {  	s7 =	sadd.s32 s0, s10;
	s14 =	sor.u32 $0x80, s24;
	s8 =	sadd.s32 s4, s10  }
0x12: {  	s9 =	sadd.s32 s11, s25;
	s10 =	sadd.s32 s12, s10;
	s23 =	simm.s32 $0xC200  }
0x13: {  	s24 =	simm.s32 $0x14200;
	s25 =	simm.s32 $0x18280;
	s26 =	sshll.u32 s14, $0x4  }
0x14: {  	s31 =	sshrl.u32 s14, $0x3;
	s13 =	smax.u32 s13, $0x1;
	s14 =	simm.s32 $0x4  }
0x15: {  	s11 =	sadd.s32 s11, s26;
	s12 =	sadd.s32 s12, s31;
	s26 =	simm.s32 $0x1  }
.LBB2_1:
0x16: {  	[tilespmem:s5], [sflag:$0x4] =	stream.linear.gather [hbm4b:s7+s5], $0x100, $0x38;
	[tilespmem:$0x18300] =	vst v63  }
0x17: {  	_ =	swait.ge [sflag:s14], $0x100  }
0x18: {  	[sflag:s14] =	ssyncset.done $0x0  }
0x19: {  	[sflag:s14] =	ssyncadd.s32 $0xFFFFFF00  }
0x1a: {  	[tilespmem:s15], [sflag:$0x4] =	stream.linear.gather [hbm4b:s8+s5], $0x100, $0x38;
	[tilespmem:$0x18300] =	vst v63  }
0x1b: {  	_ =	swait.ge [sflag:s14], $0x100  }
0x1c: {  	[sflag:s14] =	ssyncset.done $0x0  }
0x1d: {  	[sflag:s14] =	ssyncadd.s32 $0xFFFFFF00  }
0x1e: {  	[tilespmem:s17], [sflag:$0x1] =	stream.indirect.gather [hbm4b:s1+s16], $0x80, s5, s16, $0xb8;
	[tilespmem:$0x18300] =	vst v63  }
0x1f: {  	_ = 	snop  }
0x20: {  	[tilespmem:s18], [sflag:$0x1] =	stream.indirect.gather [hbm4b:s2+s16], $0x80, s15, s16, $0xb8;
	[tilespmem:$0x18300] =	vst v63  }
0x21: {  	_ = 	snop  }
0x22: {  	[tilespmem:s19], [sflag:$0x1] =	stream.indirect.gather [hbm4b:s3+s16], $0x80, s15, s16, $0xb8;
	[tilespmem:$0x18300] =	vst v63  }
0x23: {  	_ = 	snop  }
0x24: {  	[tilespmem:s20], [sflag:$0x1] =	stream.indirect.gather [hbm4b:s6+s16], $0x1, s15, s16, $0xb8;
	[tilespmem:$0x18300] =	vst v63  }
0x25: {  	_ = 	snop  }
0x26: {  	[tilespmem:s21], [sflag:$0x2] =	stream.indirect.gather [hbm4b:s1+s16], $0x80, s16, s16, $0xb8;
	[tilespmem:$0x18300] =	vst v63  }
0x27: {  	_ = 	snop  }
0x28: {  	[tilespmem:s23], [sflag:$0x2] =	stream.indirect.gather [hbm4b:s2+s16], $0x80, s22, s16, $0xb8;
	[tilespmem:$0x18300] =	vst v63  }
0x29: {  	_ = 	snop  }
0x2a: {  	[tilespmem:s24], [sflag:$0x2] =	stream.indirect.gather [hbm4b:s3+s16], $0x80, s22, s16, $0xb8;
	[tilespmem:$0x18300] =	vst v63  }
0x2b: {  	_ = 	snop  }
0x2c: {  	[tilespmem:s25], [sflag:$0x2] =	stream.indirect.gather [hbm4b:s6+s16], $0x1, s22, s16, $0xb8;
	[tilespmem:$0x18300] =	vst v63  }
0x2d: {  	_ =	swait.ge [sflag:s26], $0x4000  }
0x2e: {  	[sflag:s26] =	ssyncset.done $0x0  }
0x2f: {  	[sflag:s26] =	ssyncadd.s32 $0xFFFFC000  }
0x30: {  	_ =	swait.ge [sflag:s26], $0x4000  }
0x31: {  	[sflag:s26] =	ssyncset.done $0x0  }
0x32: {  	[sflag:s26] =	ssyncadd.s32 $0xFFFFC000  }
0x33: {  	_ =	swait.ge [sflag:s26], $0x4000  }
0x34: {  	[sflag:s26] =	ssyncset.done $0x0  }
0x35: {  	[sflag:s26] =	ssyncadd.s32 $0xFFFFC000  }
0x36: {  	_ =	swait.ge [sflag:s26], $0x80  }
0x37: {  	[sflag:s26] =	ssyncset.done $0x0  }
0x38: {  	s31 =	simm.s32 $0x0;
	[sflag:s26] =	ssyncadd.s32 $0xFFFFFF80  }
0x39: {  	v0 =	vld [tilespmem:s31+$0x8200]  }
0x3a: {  	v1 =	vld [tilespmem:s31+$0x8210];
	_ =	sdelay $0x3  }
0x3b: {  	v0 =	vsub.f32 $0.0e+00, v0  }
0x3c: {  	v2 =	vld [tilespmem:s31+$0x8220];
	v1 =	vsub.f32 $0.0e+00, v1  }
0x3d: {  	v3 =	vld [tilespmem:s31+$0x8230];
	v0 =	vmul.f32 $1.442695020e+00, v0  }
0x3e: {  	v4 =	vld [tilespmem:s31+$0x8240];
	v1 =	vmul.f32 $1.442695020e+00, v1  }
0x3f: {  	(erf) = vpow2.f32 v0;
	v0 =	vld [tilespmem:s31+$0x8250]  }
0x40: {  	(erf) = vpow2.f32 v1;
	v1 =	vld [tilespmem:s31+$0x8260];
	_ =	sdelay $0x1  }
0x41: {  	v5 =	vld [tilespmem:s31+$0x8270];
	v2 =	vsub.f32 $0.0e+00, v2  }
0x42: {  	v6 =	vld [tilespmem:s31+$0x200];
	v3 =	vsub.f32 $0.0e+00, v3  }
0x43: {  	v9 =	vld [tilespmem:s31+$0x210];
	v4 =	vsub.f32 $0.0e+00, v4;
	v7 =	vmul.f32 $1.442695020e+00, v2;
	v0 =	vsub.f32 $0.0e+00, v0  }
0x44: {  	v8 =	vmul.f32 $1.442695020e+00, v3;
	v3 =	vld [tilespmem:s31+$0x220];
	v1 =	vsub.f32 $0.0e+00, v1  }
0x45: {  	v10 =	vmul.f32 $1.442695020e+00, v4;
	v2 =	vld [tilespmem:s31+$0x230];
	(erf) = vpow2.f32 v7  }
0x46: {  	v12 =	vsub.f32 $0.0e+00, v5;
	v4 =	vld [tilespmem:s31+$0x240];
	(erf) = vpow2.f32 v8;
	v11 =	vmul.f32 $1.442695020e+00, v0  }
0x47: {  	v5 =	vld [tilespmem:s31+$0x250];
	v8 =	vsub.f32 $0.0e+00, v6;
	v7 =	vmul.f32 $1.442695020e+00, v1;
	v0 =	vpop (erf);
	(erf) = vpow2.f32 v10  }
0x48: {  	s0 =	simm.s32 $0x200;
	v9 =	vsub.f32 $0.0e+00, v9;
	v6 =	vld [tilespmem:s31+$0x260];
	v10 =	vmul.f32 $1.442695020e+00, v12;
	v1 =	vpop (erf);
	(erf) = vpow2.f32 v11  }
.LBB2_2:
0x49: {  	p0 =	sne.s32 s0, $0xFE00;
	v8 =	vmul.f32 $1.442695020e+00, v8;
	v3 =	vsub.f32 $0.0e+00, v3;
	v11 =	vld [tilespmem:s31+$0x270];
	(erf) = vpow2.f32 v7  }
0x4a: {  	v7 =	vmul.f32 $1.442695020e+00, v9;
	v2 =	vsub.f32 $0.0e+00, v2;
	(erf) = vpow2.f32 v10  }
0x4b: {  	s4 =	sshra.s32 s0, $0x2;
	v3 =	vmul.f32 $1.442695020e+00, v3;
	v4 =	vsub.f32 $0.0e+00, v4;
	(erf) = vpow2.f32 v8  }
0x4c: {  	v8 =	vld [tilespmem:s4+$0x8200];
	v2 =	vmul.f32 $1.442695020e+00, v2;
	v5 =	vsub.f32 $0.0e+00, v5;
	(erf) = vpow2.f32 v7  }
0x4d: {  	v7 =	vld [tilespmem:s4+$0x8210];
	v4 =	vmul.f32 $1.442695020e+00, v4;
	v10 =	vsub.f32 $0.0e+00, v6;
	(erf) = vpow2.f32 v3  }
0x4e: {  	v12 =	vmul.f32 $1.442695020e+00, v5;
	v11 =	vsub.f32 $0.0e+00, v11;
	v9 =	vpop (erf);
	(erf) = vpow2.f32 v2  }
0x4f: {  	v2 =	vmul.f32 $1.442695020e+00, v10;
	v6 =	vpop (erf);
	(erf) = vpow2.f32 v4  }
0x50: {  	v4 =	vmul.f32 $1.442695020e+00, v11;
	v5 =	vpop (erf);
	(erf) = vpow2.f32 v12  }
0x51: {  	v3 =	vpop (erf);
	(erf) = vpow2.f32 v2  }
0x52: {  	v2 =	vsub.f32 $0.0e+00, v8;
	v7 =	vsub.f32 $0.0e+00, v7;
	v8 =	vpop (erf);
	(erf) = vpow2.f32 v4  }
0x53: {  	v10 =	vadd.f32 $1.000000000e+00, v1;
	v4 =	vadd.f32 $1.000000000e+00, v0;
	v11 =	vpop (erf)  }
0x54: {  	v12 =	vadd.f32 $1.000000000e+00, v9;
	v13 =	vadd.f32 $1.000000000e+00, v6;
	v14 =	vpop (erf)  }
0x55: {  	v16 =	vadd.f32 $1.000000000e+00, v5;
	v15 =	vadd.f32 $1.000000000e+00, v14;
	v17 =	vpop (erf)  }
0x56: {  	v19 =	vadd.f32 $1.000000000e+00, v3;
	v18 =	vadd.f32 $1.000000000e+00, v17;
	v20 =	vpop (erf)  }
0x57: {  	v21 =	vadd.f32 $1.000000000e+00, v8;
	v27 =	vmul.f32 v4, v15;
	v15 =	vadd.f32 $1.000000000e+00, v20;
	v22 =	vpop (erf)  }
0x58: {  	v24 =	vadd.f32 $1.000000000e+00, v11;
	v23 =	vld [tilespmem:s4+$0x8220];
	v28 =	vmul.f32 v10, v18;
	v18 =	vadd.f32 $1.000000000e+00, v22;
	v25 =	vpop (erf)  }
0x59: {  	v26 =	vld [tilespmem:s4+$0x8230];
	v29 =	vmul.f32 v12, v15;
	v15 =	vadd.f32 $1.000000000e+00, v25;
	(erf) = vrcp.f32 v27;
	v4 =	vpop (erf)  }
0x5a: {  	v27 =	vld [tilespmem:s4+$0x8240];
	v13 =	vmul.f32 v13, v18;
	v18 =	vadd.f32 $1.000000000e+00, v4;
	(erf) = vrcp.f32 v28;
	v10 =	vpop (erf)  }
0x5b: {  	v28 =	vld [tilespmem:s4+$0x8250];
	v15 =	vmul.f32 v16, v15;
	v16 =	vadd.f32 $1.000000000e+00, v10;
	(erf) = vrcp.f32 v29;
	v12 =	vpop (erf)  }
0x5c: {  	v18 =	vmul.f32 v19, v18;
	v19 =	vadd.f32 $1.000000000e+00, v12;
	(erf) = vrcp.f32 v13  }
0x5d: {  	v13 =	vsub.f32 $0.0e+00, v23;
	v16 =	vmul.f32 v21, v16;
	(erf) = vrcp.f32 v15  }
0x5e: {  	v15 =	vsub.f32 $0.0e+00, v26;
	v21 =	vld [tilespmem:s31+$0x10200];
	v19 =	vmul.f32 v24, v19;
	(erf) = vrcp.f32 v18  }
0x5f: {  	v2 =	vmul.f32 $1.442695020e+00, v2;
	v18 =	vsub.f32 $0.0e+00, v27;
	v23 =	vld [tilespmem:s31+$0x10210];
	(erf) = vrcp.f32 v16  }
0x60: {  	v7 =	vmul.f32 $1.442695020e+00, v7;
	v16 =	vsub.f32 $0.0e+00, v28;
	v24 =	vld [tilespmem:s31+$0x10220];
	(erf) = vrcp.f32 v19  }
0x61: {  	v0 =	vsub.f32 v0, v14;
	v13 =	vmul.f32 $1.442695020e+00, v13;
	v15 =	vmul.f32 $1.442695020e+00, v15;
	v14 =	vld [tilespmem:s31+$0x10230]  }
0x62: {  	v1 =	vsub.f32 v1, v17;
	v18 =	vmul.f32 $1.442695020e+00, v18;
	v16 =	vmul.f32 $1.442695020e+00, v16;
	v17 =	vld [tilespmem:s31+$0x10240];
	v19 =	vpop (erf)  }
0x63: {  	(erf) = vpow2.f32 v2;
	v0 =	vmul.f32 v19, v0;
	v2 =	vsub.f32 v9, v20;
	v9 =	vld [tilespmem:s31+$0x10250];
	v19 =	vpop (erf)  }
0x64: {  	v6 =	vsub.f32 v6, v22;
	(erf) = vpow2.f32 v7;
	v1 =	vmul.f32 v19, v1;
	v7 =	vld [tilespmem:s31+$0x10260];
	v19 =	vpop (erf)  }
0x65: {  	v22 =	vsub.f32 v5, v25;
	v0 =	vmul.f32 v0, v21;
	v2 =	vmul.f32 v19, v2;
	v19 =	vld [tilespmem:s31+$0x10270];
	v20 =	vpop (erf)  }
0x66: {  	v21 =	vld [tilespmem:s4+$0x8260];
	v1 =	vmul.f32 v1, v23;
	v6 =	vmul.f32 v20, v6;
	v23 =	vsub.f32 v3, v4;
	v4 =	vpop (erf)  }
0x67: {  	v20 =	vld [tilespmem:s4+$0x8270];
	[tilespmem:s31+$0x200] =	vst v0;
	v0 =	vmul.f32 v2, v24;
	v22 =	vmul.f32 v4, v22;
	v4 =	vsub.f32 v8, v10;
	v5 =	vpop (erf)  }
0x68: {  	v8 =	vld [tilespmem:s4+$0x200];
	[tilespmem:s31+$0x210] =	vst v1;
	v1 =	vmul.f32 v6, v14;
	v5 =	vmul.f32 v5, v23;
	v6 =	vsub.f32 v11, v12;
	v3 =	vpop (erf)  }
0x69: {  	v10 =	vld [tilespmem:s4+$0x210];
	[tilespmem:s31+$0x220] =	vst v0;
	v12 =	vmul.f32 v22, v17;
	v4 =	vmul.f32 v3, v4;
	v2 =	vpop (erf)  }
.Ltmp0:
0x6a: {  	v3 =	vld [tilespmem:s4+$0x220];
	[tilespmem:s31+$0x230] =	vst v1;
	v14 =	vmul.f32 v5, v9;
	v5 =	vmul.f32 v2, v6;
	(pc) =	sbr.rel @p0 .LBB2_2-.Ltmp0, $4  }
0x6b: {  	v2 =	vld [tilespmem:s4+$0x230];
	v6 =	vsub.f32 $0.0e+00, v21;
	(erf) = vpow2.f32 v13;
	[tilespmem:s31+$0x240] =	vst v12;
	v9 =	vmul.f32 v4, v7  }
0x6c: {  	v4 =	vld [tilespmem:s4+$0x240];
	v11 =	vsub.f32 $0.0e+00, v20;
	v0 =	vpop (erf);
	(erf) = vpow2.f32 v15;
	[tilespmem:s31+$0x250] =	vst v14;
	v12 =	vmul.f32 v5, v19  }
0x6d: {  	v8 =	vsub.f32 $0.0e+00, v8;
	v5 =	vld [tilespmem:s4+$0x250];
	v7 =	vmul.f32 $1.442695020e+00, v6;
	v1 =	vpop (erf);
	(erf) = vpow2.f32 v18;
	[tilespmem:s31+$0x260] =	vst v9  }
0x6e: {  	s0 =	sadd.s32 $0x200, s0;
	v9 =	vsub.f32 $0.0e+00, v10;
	v6 =	vld [tilespmem:s4+$0x260];
	v10 =	vmul.f32 $1.442695020e+00, v11;
	(erf) = vpow2.f32 v16;
	[tilespmem:s31+$0x270] =	vst v12;
	s31 =	smov.u32 s4  }
0x6f: {  	v8 =	vmul.f32 $1.442695020e+00, v8;
	v3 =	vsub.f32 $0.0e+00, v3;
	v11 =	vld [tilespmem:s31+$0x270]  }
0x70: {  	(erf) = vpow2.f32 v7;
	v7 =	vmul.f32 $1.442695020e+00, v9  }
0x71: {  	v2 =	vsub.f32 $0.0e+00, v2;
	(erf) = vpow2.f32 v10;
	v3 =	vmul.f32 $1.442695020e+00, v3  }
0x72: {  	v4 =	vsub.f32 $0.0e+00, v4;
	(erf) = vpow2.f32 v8;
	v5 =	vsub.f32 $0.0e+00, v5  }
0x73: {  	v2 =	vmul.f32 $1.442695020e+00, v2;
	(erf) = vpow2.f32 v7;
	v6 =	vsub.f32 $0.0e+00, v6  }
0x74: {  	(erf) = vpow2.f32 v3;
	v3 =	vmul.f32 $1.442695020e+00, v5;
	v5 =	vsub.f32 $0.0e+00, v11  }
0x75: {  	v4 =	vmul.f32 $1.442695020e+00, v4  }
0x76: {  	v7 =	vpop (erf);
	(erf) = vpow2.f32 v2;
	v2 =	vmul.f32 $1.442695020e+00, v6  }
0x77: {  	v6 =	vpop (erf);
	(erf) = vpow2.f32 v4  }
0x78: {  	v4 =	vmul.f32 $1.442695020e+00, v5;
	v5 =	vpop (erf)  }
0x79: {  	(erf) = vpow2.f32 v3;
	v3 =	vpop (erf)  }
0x7a: {  	(erf) = vpow2.f32 v2;
	v2 =	vpop (erf)  }
0x7b: {  	v9 =	vpop (erf)  }
0x7c: {  	v8 =	vadd.f32 $1.000000000e+00, v1;
	(erf) = vpow2.f32 v4;
	v12 =	vpop (erf)  }
0x7d: {  	v4 =	vadd.f32 $1.000000000e+00, v0;
	v13 =	vadd.f32 $1.000000000e+00, v12;
	v15 =	vpop (erf)  }
0x7e: {  	v10 =	vadd.f32 $1.000000000e+00, v7;
	v16 =	vadd.f32 $1.000000000e+00, v15;
	v18 =	vpop (erf)  }
0x7f: {  	v11 =	vadd.f32 $1.000000000e+00, v6;
	v4 =	vmul.f32 v4, v13;
	v45 =	vadd.f32 $1.000000000e+00, v18;
	v20 =	vpop (erf)  }
0x80: {  	v14 =	vadd.f32 $1.000000000e+00, v5;
	v8 =	vmul.f32 v8, v16;
	v46 =	vadd.f32 $1.000000000e+00, v20;
	v22 =	vpop (erf)  }
0x81: {  	v10 =	vmul.f32 v10, v45;
	v47 =	vadd.f32 $1.000000000e+00, v22;
	(erf) = vrcp.f32 v4  }
0x82: {  	v11 =	vmul.f32 v11, v46;
	(erf) = vrcp.f32 v8  }
0x83: {  	v4 =	vpop (erf);
	v13 =	vmul.f32 v14, v47;
	(erf) = vrcp.f32 v10  }
0x84: {  	v17 =	vadd.f32 $1.000000000e+00, v3;
	v48 =	vadd.f32 $1.000000000e+00, v4;
	v8 =	vpop (erf);
	(erf) = vrcp.f32 v11  }
0x85: {  	v19 =	vadd.f32 $1.000000000e+00, v2;
	v49 =	vadd.f32 $1.000000000e+00, v8;
	v10 =	vpop (erf);
	(erf) = vrcp.f32 v13  }
0x86: {  	v21 =	vadd.f32 $1.000000000e+00, v9;
	v16 =	vmul.f32 v17, v48;
	v50 =	vadd.f32 $1.000000000e+00, v10  }
0x87: {  	v11 =	vmul.f32 v19, v49  }
0x88: {  	v51 =	vmul.f32 v21, v50;
	(erf) = vrcp.f32 v16  }
0x89: {  	v52 =	vld [tilespmem:s31+$0x10200];
	(erf) = vrcp.f32 v11  }
0x8a: {  	v0 =	vsub.f32 v0, v12;
	(erf) = vrcp.f32 v51;
	v55 =	vpop (erf)  }
0x8b: {  	v1 =	vsub.f32 v1, v15;
	v11 =	vld [tilespmem:s31+$0x10210];
	v57 =	vpop (erf)  }
0x8c: {  	v53 =	vld [tilespmem:s31+$0x10220];
	v6 =	vsub.f32 v6, v20;
	v0 =	vmul.f32 v55, v0;
	v59 =	vpop (erf)  }
0x8d: {  	v54 =	vld [tilespmem:s31+$0x10230];
	v7 =	vsub.f32 v7, v18;
	v5 =	vsub.f32 v5, v22;
	v1 =	vmul.f32 v57, v1;
	v61 =	vpop (erf)  }
0x8e: {  	v56 =	vld [tilespmem:s31+$0x10240];
	v3 =	vsub.f32 v3, v4;
	v0 =	vmul.f32 v0, v52;
	v6 =	vmul.f32 v61, v6;
	v4 =	vpop (erf)  }
0x8f: {  	v58 =	vld [tilespmem:s31+$0x10250];
	v7 =	vmul.f32 v59, v7;
	v4 =	vmul.f32 v4, v5  }
0x90: {  	v60 =	vld [tilespmem:s31+$0x10260];
	v1 =	vmul.f32 v1, v11  }
0x91: {  	v62 =	vld [tilespmem:s31+$0x10270];
	v2 =	vsub.f32 v2, v8;
	[tilespmem:s31+$0x200] =	vst v0;
	v0 =	vmul.f32 v7, v53;
	v5 =	vpop (erf)  }
0x92: {  	[tilespmem:s31+$0x210] =	vst v1;
	v1 =	vmul.f32 v6, v54;
	v3 =	vmul.f32 v5, v3;
	v5 =	vsub.f32 v9, v10;
	v6 =	vpop (erf)  }
0x93: {  	[tilespmem:s31+$0x220] =	vst v0;
	v0 =	vmul.f32 v4, v56;
	v2 =	vmul.f32 v6, v2;
	v4 =	vpop (erf)  }
0x94: {  	[tilespmem:s31+$0x230] =	vst v1;
	v1 =	vmul.f32 v3, v58;
	v3 =	vmul.f32 v4, v5  }
0x95: {  	[tilespmem:s31+$0x240] =	vst v0;
	v0 =	vmul.f32 v2, v60  }
0x96: {  	[tilespmem:s31+$0x250] =	vst v1;
	v1 =	vmul.f32 v3, v62  }
0x97: {  	[tilespmem:s31+$0x260] =	vst v0  }
0x98: {  	s0 =	simm.s32 $0x0;
	[tilespmem:s31+$0x270] =	vst v1  }
0x99: {  	[hbm4b:s9+s0] =	stream.linear.scatter [tilespmem:s17], [sflag:$0x3], $0x4000, $0x38;
	[tilespmem:$0x18300] =	vst v63  }
0x9a: {  	_ = 	snop  }
0x9b: {  	[hbm4b:s10+s0] =	stream.linear.scatter [tilespmem:s20], [sflag:$0x3], $0x80, $0x38;
	[tilespmem:$0x18300] =	vst v63  }
0x9c: {  	_ =	swait.ge [sflag:s28], $0x4000  }
0x9d: {  	[sflag:s28] =	ssyncset.done $0x0  }
0x9e: {  	[sflag:s28] =	ssyncadd.s32 $0xFFFFC000  }
0x9f: {  	_ =	swait.ge [sflag:s28], $0x4000  }
0xa0: {  	[sflag:s28] =	ssyncset.done $0x0  }
0xa1: {  	[sflag:s28] =	ssyncadd.s32 $0xFFFFC000  }
0xa2: {  	_ =	swait.ge [sflag:s28], $0x4000  }
0xa3: {  	[sflag:s28] =	ssyncset.done $0x0  }
0xa4: {  	[sflag:s28] =	ssyncadd.s32 $0xFFFFC000  }
0xa5: {  	_ =	swait.ge [sflag:s28], $0x80  }
0xa6: {  	[sflag:s28] =	ssyncset.done $0x0  }
0xa7: {  	s31 =	simm.s32 $0x0;
	[sflag:s28] =	ssyncadd.s32 $0xFFFFFF80  }
0xa8: {  	v0 =	vld [tilespmem:s31+$0xC200]  }
0xa9: {  	v1 =	vld [tilespmem:s31+$0xC210];
	_ =	sdelay $0x3  }
0xaa: {  	v0 =	vsub.f32 $0.0e+00, v0  }
0xab: {  	v2 =	vld [tilespmem:s31+$0xC220];
	v1 =	vsub.f32 $0.0e+00, v1  }
0xac: {  	v3 =	vld [tilespmem:s31+$0xC230];
	v0 =	vmul.f32 $1.442695020e+00, v0  }
0xad: {  	v4 =	vld [tilespmem:s31+$0xC240];
	v1 =	vmul.f32 $1.442695020e+00, v1  }
0xae: {  	(erf) = vpow2.f32 v0;
	v0 =	vld [tilespmem:s31+$0xC250]  }
0xaf: {  	(erf) = vpow2.f32 v1;
	v1 =	vld [tilespmem:s31+$0xC260];
	_ =	sdelay $0x1  }
0xb0: {  	v5 =	vld [tilespmem:s31+$0xC270];
	v2 =	vsub.f32 $0.0e+00, v2  }
0xb1: {  	v6 =	vld [tilespmem:s31+$0x4200];
	v3 =	vsub.f32 $0.0e+00, v3  }
0xb2: {  	v9 =	vld [tilespmem:s31+$0x4210];
	v4 =	vsub.f32 $0.0e+00, v4;
	v7 =	vmul.f32 $1.442695020e+00, v2;
	v0 =	vsub.f32 $0.0e+00, v0  }
0xb3: {  	v8 =	vmul.f32 $1.442695020e+00, v3;
	v3 =	vld [tilespmem:s31+$0x4220];
	v1 =	vsub.f32 $0.0e+00, v1  }
0xb4: {  	v10 =	vmul.f32 $1.442695020e+00, v4;
	v2 =	vld [tilespmem:s31+$0x4230];
	(erf) = vpow2.f32 v7  }
0xb5: {  	v63 =	vsub.f32 $0.0e+00, v5;
	v4 =	vld [tilespmem:s31+$0x4240];
	(erf) = vpow2.f32 v8;
	v11 =	vmul.f32 $1.442695020e+00, v0  }
0xb6: {  	v5 =	vld [tilespmem:s31+$0x4250];
	v8 =	vsub.f32 $0.0e+00, v6;
	v7 =	vmul.f32 $1.442695020e+00, v1;
	v0 =	vpop (erf);
	(erf) = vpow2.f32 v10  }
0xb7: {  	s0 =	simm.s32 $0x200;
	v9 =	vsub.f32 $0.0e+00, v9;
	v6 =	vld [tilespmem:s31+$0x4260];
	v10 =	vmul.f32 $1.442695020e+00, v63;
	v1 =	vpop (erf);
	(erf) = vpow2.f32 v11  }
.LBB2_4:
0xb8: {  	p0 =	sne.s32 s0, $0xFE00;
	v8 =	vmul.f32 $1.442695020e+00, v8;
	v3 =	vsub.f32 $0.0e+00, v3;
	v11 =	vld [tilespmem:s31+$0x4270];
	(erf) = vpow2.f32 v7  }
0xb9: {  	v7 =	vmul.f32 $1.442695020e+00, v9;
	v2 =	vsub.f32 $0.0e+00, v2;
	(erf) = vpow2.f32 v10  }
0xba: {  	s4 =	sshra.s32 s0, $0x2;
	v3 =	vmul.f32 $1.442695020e+00, v3;
	v4 =	vsub.f32 $0.0e+00, v4;
	(erf) = vpow2.f32 v8  }
0xbb: {  	v8 =	vld [tilespmem:s4+$0xC200];
	v2 =	vmul.f32 $1.442695020e+00, v2;
	v5 =	vsub.f32 $0.0e+00, v5;
	(erf) = vpow2.f32 v7  }
0xbc: {  	v7 =	vld [tilespmem:s4+$0xC210];
	v4 =	vmul.f32 $1.442695020e+00, v4;
	v10 =	vsub.f32 $0.0e+00, v6;
	(erf) = vpow2.f32 v3  }
0xbd: {  	v12 =	vmul.f32 $1.442695020e+00, v5;
	v11 =	vsub.f32 $0.0e+00, v11;
	v9 =	vpop (erf);
	(erf) = vpow2.f32 v2  }
0xbe: {  	v2 =	vmul.f32 $1.442695020e+00, v10;
	v6 =	vpop (erf);
	(erf) = vpow2.f32 v4  }
0xbf: {  	v4 =	vmul.f32 $1.442695020e+00, v11;
	v5 =	vpop (erf);
	(erf) = vpow2.f32 v12  }
0xc0: {  	v3 =	vpop (erf);
	(erf) = vpow2.f32 v2  }
0xc1: {  	v2 =	vsub.f32 $0.0e+00, v8;
	v7 =	vsub.f32 $0.0e+00, v7;
	v8 =	vpop (erf);
	(erf) = vpow2.f32 v4  }
0xc2: {  	v10 =	vadd.f32 $1.000000000e+00, v1;
	v4 =	vadd.f32 $1.000000000e+00, v0;
	v11 =	vpop (erf)  }
0xc3: {  	v12 =	vadd.f32 $1.000000000e+00, v9;
	v13 =	vadd.f32 $1.000000000e+00, v6;
	v14 =	vpop (erf)  }
0xc4: {  	v16 =	vadd.f32 $1.000000000e+00, v5;
	v15 =	vadd.f32 $1.000000000e+00, v14;
	v17 =	vpop (erf)  }
0xc5: {  	v19 =	vadd.f32 $1.000000000e+00, v3;
	v18 =	vadd.f32 $1.000000000e+00, v17;
	v20 =	vpop (erf)  }
0xc6: {  	v21 =	vadd.f32 $1.000000000e+00, v8;
	v27 =	vmul.f32 v4, v15;
	v15 =	vadd.f32 $1.000000000e+00, v20;
	v22 =	vpop (erf)  }
0xc7: {  	v24 =	vadd.f32 $1.000000000e+00, v11;
	v23 =	vld [tilespmem:s4+$0xC220];
	v28 =	vmul.f32 v10, v18;
	v18 =	vadd.f32 $1.000000000e+00, v22;
	v25 =	vpop (erf)  }
0xc8: {  	v26 =	vld [tilespmem:s4+$0xC230];
	v29 =	vmul.f32 v12, v15;
	v15 =	vadd.f32 $1.000000000e+00, v25;
	(erf) = vrcp.f32 v27;
	v4 =	vpop (erf)  }
0xc9: {  	v27 =	vld [tilespmem:s4+$0xC240];
	v13 =	vmul.f32 v13, v18;
	v18 =	vadd.f32 $1.000000000e+00, v4;
	(erf) = vrcp.f32 v28;
	v10 =	vpop (erf)  }
0xca: {  	v28 =	vld [tilespmem:s4+$0xC250];
	v15 =	vmul.f32 v16, v15;
	v16 =	vadd.f32 $1.000000000e+00, v10;
	(erf) = vrcp.f32 v29;
	v12 =	vpop (erf)  }
0xcb: {  	v18 =	vmul.f32 v19, v18;
	v19 =	vadd.f32 $1.000000000e+00, v12;
	(erf) = vrcp.f32 v13  }
0xcc: {  	v13 =	vsub.f32 $0.0e+00, v23;
	v16 =	vmul.f32 v21, v16;
	(erf) = vrcp.f32 v15  }
0xcd: {  	v15 =	vsub.f32 $0.0e+00, v26;
	v21 =	vld [tilespmem:s31+$0x14200];
	v19 =	vmul.f32 v24, v19;
	(erf) = vrcp.f32 v18  }
0xce: {  	v2 =	vmul.f32 $1.442695020e+00, v2;
	v18 =	vsub.f32 $0.0e+00, v27;
	v23 =	vld [tilespmem:s31+$0x14210];
	(erf) = vrcp.f32 v16  }
0xcf: {  	v7 =	vmul.f32 $1.442695020e+00, v7;
	v16 =	vsub.f32 $0.0e+00, v28;
	v24 =	vld [tilespmem:s31+$0x14220];
	(erf) = vrcp.f32 v19  }
0xd0: {  	v0 =	vsub.f32 v0, v14;
	v13 =	vmul.f32 $1.442695020e+00, v13;
	v15 =	vmul.f32 $1.442695020e+00, v15;
	v14 =	vld [tilespmem:s31+$0x14230]  }
0xd1: {  	v1 =	vsub.f32 v1, v17;
	v18 =	vmul.f32 $1.442695020e+00, v18;
	v16 =	vmul.f32 $1.442695020e+00, v16;
	v17 =	vld [tilespmem:s31+$0x14240];
	v19 =	vpop (erf)  }
0xd2: {  	(erf) = vpow2.f32 v2;
	v0 =	vmul.f32 v19, v0;
	v2 =	vsub.f32 v9, v20;
	v9 =	vld [tilespmem:s31+$0x14250];
	v19 =	vpop (erf)  }
0xd3: {  	v6 =	vsub.f32 v6, v22;
	(erf) = vpow2.f32 v7;
	v1 =	vmul.f32 v19, v1;
	v7 =	vld [tilespmem:s31+$0x14260];
	v19 =	vpop (erf)  }
0xd4: {  	v22 =	vsub.f32 v5, v25;
	v0 =	vmul.f32 v0, v21;
	v2 =	vmul.f32 v19, v2;
	v19 =	vld [tilespmem:s31+$0x14270];
	v20 =	vpop (erf)  }
0xd5: {  	v21 =	vld [tilespmem:s4+$0xC260];
	v1 =	vmul.f32 v1, v23;
	v6 =	vmul.f32 v20, v6;
	v23 =	vsub.f32 v3, v4;
	v4 =	vpop (erf)  }
0xd6: {  	v20 =	vld [tilespmem:s4+$0xC270];
	[tilespmem:s31+$0x4200] =	vst v0;
	v0 =	vmul.f32 v2, v24;
	v22 =	vmul.f32 v4, v22;
	v4 =	vsub.f32 v8, v10;
	v5 =	vpop (erf)  }
0xd7: {  	v8 =	vld [tilespmem:s4+$0x4200];
	[tilespmem:s31+$0x4210] =	vst v1;
	v1 =	vmul.f32 v6, v14;
	v5 =	vmul.f32 v5, v23;
	v6 =	vsub.f32 v11, v12;
	v3 =	vpop (erf)  }
0xd8: {  	v10 =	vld [tilespmem:s4+$0x4210];
	[tilespmem:s31+$0x4220] =	vst v0;
	v12 =	vmul.f32 v22, v17;
	v4 =	vmul.f32 v3, v4;
	v2 =	vpop (erf)  }
.Ltmp1:
0xd9: {  	v3 =	vld [tilespmem:s4+$0x4220];
	[tilespmem:s31+$0x4230] =	vst v1;
	v14 =	vmul.f32 v5, v9;
	v5 =	vmul.f32 v2, v6;
	(pc) =	sbr.rel @p0 .LBB2_4-.Ltmp1, $4  }
0xda: {  	v2 =	vld [tilespmem:s4+$0x4230];
	v6 =	vsub.f32 $0.0e+00, v21;
	(erf) = vpow2.f32 v13;
	[tilespmem:s31+$0x4240] =	vst v12;
	v9 =	vmul.f32 v4, v7  }
0xdb: {  	v4 =	vld [tilespmem:s4+$0x4240];
	v11 =	vsub.f32 $0.0e+00, v20;
	v0 =	vpop (erf);
	(erf) = vpow2.f32 v15;
	[tilespmem:s31+$0x4250] =	vst v14;
	v12 =	vmul.f32 v5, v19  }
0xdc: {  	v8 =	vsub.f32 $0.0e+00, v8;
	v5 =	vld [tilespmem:s4+$0x4250];
	v7 =	vmul.f32 $1.442695020e+00, v6;
	v1 =	vpop (erf);
	(erf) = vpow2.f32 v18;
	[tilespmem:s31+$0x4260] =	vst v9  }
0xdd: {  	s0 =	sadd.s32 $0x200, s0;
	v9 =	vsub.f32 $0.0e+00, v10;
	v6 =	vld [tilespmem:s4+$0x4260];
	v10 =	vmul.f32 $1.442695020e+00, v11;
	(erf) = vpow2.f32 v16;
	[tilespmem:s31+$0x4270] =	vst v12;
	s31 =	smov.u32 s4  }
0xde: {  	v8 =	vmul.f32 $1.442695020e+00, v8;
	v3 =	vsub.f32 $0.0e+00, v3;
	v11 =	vld [tilespmem:s31+$0x4270];
	(erf) = vpow2.f32 v7  }
0xdf: {  	v52 =	vmul.f32 $1.442695020e+00, v9;
	v2 =	vsub.f32 $0.0e+00, v2;
	(erf) = vpow2.f32 v10  }
0xe0: {  	v3 =	vmul.f32 $1.442695020e+00, v3;
	v4 =	vsub.f32 $0.0e+00, v4;
	(erf) = vpow2.f32 v8  }
0xe1: {  	v2 =	vmul.f32 $1.442695020e+00, v2;
	v5 =	vsub.f32 $0.0e+00, v5;
	(erf) = vpow2.f32 v52  }
0xe2: {  	v4 =	vmul.f32 $1.442695020e+00, v4;
	v6 =	vsub.f32 $0.0e+00, v6;
	(erf) = vpow2.f32 v3  }
0xe3: {  	v53 =	vmul.f32 $1.442695020e+00, v5;
	v54 =	vsub.f32 $0.0e+00, v11;
	v55 =	vpop (erf);
	(erf) = vpow2.f32 v2  }
0xe4: {  	v56 =	vmul.f32 $1.442695020e+00, v6;
	v57 =	vpop (erf);
	(erf) = vpow2.f32 v4  }
0xe5: {  	v58 =	vmul.f32 $1.442695020e+00, v54;
	v59 =	vpop (erf);
	(erf) = vpow2.f32 v53  }
0xe6: {  	v60 =	vpop (erf);
	(erf) = vpow2.f32 v56  }
0xe7: {  	v61 =	vpop (erf);
	(erf) = vpow2.f32 v58  }
0xe8: {  	v62 =	vadd.f32 $1.000000000e+00, v0;
	v63 =	vadd.f32 $1.000000000e+00, v1;
	v24 =	vpop (erf)  }
0xe9: {  	v25 =	vadd.f32 $1.000000000e+00, v55;
	v26 =	vadd.f32 $1.000000000e+00, v57;
	v12 =	vpop (erf)  }
0xea: {  	v14 =	vadd.f32 $1.000000000e+00, v59;
	v13 =	vadd.f32 $1.000000000e+00, v12;
	v15 =	vpop (erf)  }
0xeb: {  	v17 =	vadd.f32 $1.000000000e+00, v60;
	v16 =	vadd.f32 $1.000000000e+00, v15;
	v18 =	vpop (erf)  }
0xec: {  	v19 =	vadd.f32 $1.000000000e+00, v61;
	v4 =	vmul.f32 v62, v13;
	v27 =	vadd.f32 $1.000000000e+00, v18;
	v20 =	vpop (erf)  }
0xed: {  	v21 =	vadd.f32 $1.000000000e+00, v24;
	v8 =	vmul.f32 v63, v16;
	v28 =	vadd.f32 $1.000000000e+00, v20;
	v22 =	vpop (erf)  }
0xee: {  	v10 =	vmul.f32 v25, v27;
	v29 =	vadd.f32 $1.000000000e+00, v22;
	(erf) = vrcp.f32 v4;
	v30 =	vpop (erf)  }
0xef: {  	v11 =	vmul.f32 v26, v28;
	v31 =	vadd.f32 $1.000000000e+00, v30;
	(erf) = vrcp.f32 v8;
	v32 =	vpop (erf)  }
0xf0: {  	v13 =	vmul.f32 v14, v29;
	v33 =	vadd.f32 $1.000000000e+00, v32;
	(erf) = vrcp.f32 v10;
	v34 =	vpop (erf)  }
0xf1: {  	v16 =	vmul.f32 v17, v31;
	v35 =	vadd.f32 $1.000000000e+00, v34;
	(erf) = vrcp.f32 v11  }
0xf2: {  	v36 =	vmul.f32 v19, v33;
	(erf) = vrcp.f32 v13  }
0xf3: {  	v37 =	vmul.f32 v21, v35;
	(erf) = vrcp.f32 v16  }
0xf4: {  	(erf) = vrcp.f32 v36  }
0xf5: {  	v38 =	vld [tilespmem:s31+$0x14200];
	(erf) = vrcp.f32 v37  }
0xf6: {  	v39 =	vld [tilespmem:s31+$0x14210];
	v41 =	vsub.f32 v0, v12  }
0xf7: {  	v40 =	vld [tilespmem:s31+$0x14220];
	v43 =	vsub.f32 v1, v15;
	v44 =	vpop (erf)  }
0xf8: {  	v42 =	vld [tilespmem:s31+$0x14230];
	v7 =	vsub.f32 v55, v18;
	v0 =	vmul.f32 v44, v41;
	v46 =	vpop (erf)  }
0xf9: {  	v45 =	vld [tilespmem:s31+$0x14240];
	v6 =	vsub.f32 v57, v20;
	v1 =	vmul.f32 v46, v43;
	v48 =	vpop (erf)  }
0xfa: {  	v47 =	vld [tilespmem:s31+$0x14250];
	v5 =	vsub.f32 v59, v22;
	v0 =	vmul.f32 v0, v38;
	v7 =	vmul.f32 v48, v7;
	v50 =	vpop (erf)  }
0xfb: {  	v49 =	vld [tilespmem:s31+$0x14260];
	v3 =	vsub.f32 v60, v30;
	v1 =	vmul.f32 v1, v39;
	v6 =	vmul.f32 v50, v6;
	v52 =	vpop (erf)  }
0xfc: {  	v51 =	vld [tilespmem:s31+$0x14270];
	v2 =	vsub.f32 v61, v32;
	[tilespmem:s31+$0x4200] =	vst v0;
	v53 =	vmul.f32 v7, v40;
	v4 =	vmul.f32 v52, v5;
	v54 =	vpop (erf)  }
0xfd: {  	v56 =	vsub.f32 v24, v34;
	[tilespmem:s31+$0x4210] =	vst v1;
	v55 =	vmul.f32 v6, v42;
	v3 =	vmul.f32 v54, v3;
	v57 =	vpop (erf)  }
0xfe: {  	[tilespmem:s31+$0x4220] =	vst v53;
	v58 =	vmul.f32 v4, v45;
	v2 =	vmul.f32 v57, v2;
	v59 =	vpop (erf)  }
0xff: {  	[tilespmem:s31+$0x4230] =	vst v55;
	v60 =	vmul.f32 v3, v47;
	v61 =	vmul.f32 v59, v56  }
0x100: {  	[tilespmem:s31+$0x4240] =	vst v58;
	v62 =	vmul.f32 v2, v49  }
0x101: {  	[tilespmem:s31+$0x4250] =	vst v60;
	v63 =	vmul.f32 v61, v51  }
0x102: {  	[tilespmem:s31+$0x4260] =	vst v62  }
0x103: {  	[tilespmem:s31+$0x4270] =	vst v63  }
0x104: {  	[hbm4b:s11+s5] =	stream.linear.scatter [tilespmem:s21], [sflag:$0x3], $0x4000, $0x38;
	[tilespmem:$0x18300] =	vst v63  }
0x105: {  	_ = 	snop  }
0x106: {  	[hbm4b:s12+s5] =	stream.linear.scatter [tilespmem:s25], [sflag:$0x3], $0x80, $0x38;
	[tilespmem:$0x18300] =	vst v63  }
0x107: {  	_ =	swait.ge [sflag:s29], $0x4000  }
0x108: {  	[sflag:s29] =	ssyncset.done $0x0  }
0x109: {  	[sflag:s29] =	ssyncadd.s32 $0xFFFFC000  }
0x10a: {  	_ =	swait.ge [sflag:s29], $0x80  }
0x10b: {  	[sflag:s29] =	ssyncset.done $0x0  }
0x10c: {  	s30 =	sadd.s32 $0x1, s30;
	[sflag:s29] =	ssyncadd.s32 $0xFFFFFF80  }
0x10d: {  	p0 =	sne.s32 s30, s13;
	_ =	swait.ge [sflag:s29], $0x4000  }
.Ltmp2:
0x10e: {  	[sflag:s29] =	ssyncset.done $0x0;
	(pc) =	sbr.rel @p0 .LBB2_1-.Ltmp2, $4  }
0x10f: {  	[sflag:s29] =	ssyncadd.s32 $0xFFFFC000  }
0x110: {  	_ =	swait.ge [sflag:s29], $0x80  }
0x111: {  	[sflag:s29] =	ssyncset.done $0x0  }
0x112: {  	[sflag:s29] =	ssyncadd.s32 $0xFFFFFF80  }
0x113: {  	_ =	sfence.sel $0x180000  }
0x114: {  	[bflag:$0x0] =	sbarrier.arrive $0xFFFF  }
0x115: {  	_ =	strace $0x9000004A  }
0x116: {  	s0 =	stileid.u32;
	[bflag:$0x2] =	sbarrier.arrive $0xFFFF  }
0x117: {  	p0 =	sne.s32 s0, $0x0;
	s0 =	rddreg [dreg:$0x7]  }
0x118: {  	s0 =	sadd.s32 @!p0 $0x100000, s0  }
0x119: {  	[sflag:s0] =	ssyncadd.tile.s32 @!p0 $0x1;
	_ =	shalt  }
.Lfunc_end2:
_tile_overlayer_lowered:
.L_overlay_start_2:
0x11a: {  	(tag) =	ssettag $0x2  }
0x11b: {  	s0 =	rddreg [dreg:$0x0];
	s2 =	stileid.u32  }
0x11c: {  	s1 =	rddreg [dreg:$0x1];
	p0 =	sne.s32 s2, $0x0  }
0x11d: {  	s3 =	rddreg [dreg:$0x2];
	[bflag:$0x3] =	sbarrier.arrive $0xFFFF;
	s2 =	simm.s32 @!p0 $0x1C04  }
0x11e: {  	[timem:s3], [sflag:s2] =	dma.local @!p0 [hbm:s0], s1  }
0x11f: {  	s0 =	simm.s32 @!p0 $0x4  }
0x120: {  	_ =	swait.ge @!p0 [sflag:s0], s1  }
0x121: {  	s1 =	ssub.s32 @!p0 $0x0, s1;
	[sflag:s0] =	ssyncset.done @!p0 $0x0  }
0x122: {  	[sflag:s0] =	ssyncadd.s32 @!p0 s1  }
0x123: {  	[bflag:$0x3] =	sbarrier.arrive $0xFFFF  }
0x124: {  	_ =	shalt  }

// kernel: kernel.9.cloned.1.call-start
scs
__scs_entry_jumppad:
0x0: {  	(pc) =	sbr.rel $0x88, $3  }
0x1: {  	(tag) =	ssettag $0x0;
	lr =	simm.s32 $0x1  }
0x2: {  	[smem:$0x3F95] =	sst lr;
	_ =	strace $0xD0000000  }
0x3: {  	_ = 	snop  }
0x4: {  	_ = 	snop  }
0x5: {  	_ = 	snop  }
0x6: {  	_ = 	snop  }
0x7: {  	_ = 	snop  }
__scs_overlays_trampoline_lowered:
0x8: {  	[smem:$0x3FA4] =	sst s0  }
0x9: {  	[smem:$0x3FA5] =	sst s1  }
0xa: {  	[smem:$0x3FA6] =	sst s2  }
0xb: {  	[smem:$0x3FA7] =	sst s3  }
0xc: {  	[smem:$0x3FA8] =	sst s4  }
0xd: {  	[smem:$0x3FA9] =	sst s5  }
0xe: {  	[smem:$0x3FAA] =	sst s6  }
0xf: {  	[smem:$0x3FAB] =	sst s7  }
0x10: {  	[smem:$0x3FAC] =	sst s8  }
0x11: {  	[smem:$0x3FAD] =	sst s9;
	s0 =	simm.s32 @!p0 $0x0  }
0x12: {  	s1 =	sld [smem:$0x3F93];
	s0 =	simm.s32 @p0 $0x1  }
0x13: {  	[smem:$0x3FAE] =	sst s0;
	s0 =	simm.s32 @!p1 $0x0  }
0x14: {  	s2 =	sld [smem:$0x3F92];
	s0 =	simm.s32 @p1 $0x1  }
0x15: {  	[smem:$0x3FAF] =	sst s0;
	s0 =	simm.s32 @!p2 $0x0  }
0x16: {  	s3 =	sld [smem:$0x3FDB];
	s0 =	simm.s32 @p2 $0x1  }
0x17: {  	s4 =	simm.s32 $0x1BF5;
	[smem:$0x3FB1] =	sst s0  }
0x18: {  	s0 =	sld [smem:$0x3F94];
	_ =	swait.ge [sflag:s4], $0x0  }
0x19: {  	s7 =	sld [smem:$0x3F95]  }
0x1a: {  	s8 =	sadd.s32 $0xFFFFE003, lr  }
0x1b: {  	s9 =	sadd.s32 $0xFFFFFEF7, lr;
	s5 =	simm.s32 $0xFFFFFFFF;
	p2 =	slt.u32 s8, $0xFFFFF086  }
0x1c: {  	p1 =	slt.u32 s9, $0xF7A;
	s5 =	simm.s32 @!p2 $0x0  }
0x1d: {  	s5 =	simm.s32 @p1 $0x1;
	p0 =	seq.s32 s7, s2  }
0x1e: {  	s7 =	smul.u32 @!p0 $0xF7A, s2;
	p2 =	seq.s32 @!p0 s5, $0x0  }
0x1f: {  	s9 =	smul.u32 $0xF7A, s1;
	s8 =	simm.s32 @!p0 $0x1BF5;
	p2 =	por !p2, p0  }
0x20: {  	[sflag:s8] =	ssyncset.s32 @!p0 $0xFFFFF086;
	s6 =	sadd.s32 @!p0 s3, s7;
	s7 =	simm.s32 @!p0 $0x108  }
0x21: {  	s3 =	sadd.s32 s3, s9;
	s6 =	sadd.s32 @!p0 $0x88, s6;
	s7 =	simm.s32 @p2 $0x1082  }
0x22: {  	[simem:s7], [sflag:s8] =	dma.local @!p0 [hbm:s6], $0xF7A  }
0x23: {  	s9 =	sor.u32 $0xD0000000, s2;
	s6 =	simm.s32 $0x108;
	_ =	swait.ge @!p0 [sflag:s8], $0x0  }
0x24: {  	s3 =	sadd.s32 $0x88, s3;
	s6 =	simm.s32 @!p1 $0x1082;
	[sflag:s4] =	ssyncset.s32 $0xFFFFF086  }
0x25: {  	[simem:s6], [sflag:s4] =	dma.local [hbm:s3], $0xF7A  }
0x26: {  	[smem:$0x3F95] =	sst s1;
	(tag) =	ssettag s2;
	_ =	strace s9  }
0x27: {  	s1 =	sld [smem:$0x3FA5]  }
0x28: {  	s2 =	sld [smem:$0x3FA6]  }
0x29: {  	s4 =	sld [smem:$0x3FA8]  }
0x2a: {  	p0 =	seq.s32 s5, $0x0;
	s5 =	sld [smem:$0x3FA9]  }
0x2b: {  	s6 =	sld [smem:$0x3FAA]  }
0x2c: {  	s7 =	sld [smem:$0x3FAB]  }
0x2d: {  	s3 =	simm.s32 $0x108;
	s8 =	sld [smem:$0x3FAC]  }
0x2e: {  	s3 =	simm.s32 @!p0 $0x1082;
	s9 =	sld [smem:$0x3FAD]  }
0x2f: {  	lr =	sadd.s32 s0, s3;
	s0 =	sld [smem:$0x3FA4]  }
0x30: {  	s3 =	sld [smem:$0x3FA7]  }
0x31: {  	[smem:$0x3FB0] =	sst s10  }
0x32: {  	s10 =	sld [smem:$0x3FAE];
	_ =	sdelay $0x3  }
0x33: {  	p0 =	seq.s32 s10, $0x1;
	s10 =	sld [smem:$0x3FB0];
	_ =	sdelay $0x3  }
0x34: {  	[smem:$0x3FB0] =	sst s10  }
0x35: {  	s10 =	sld [smem:$0x3FAF];
	_ =	sdelay $0x3  }
0x36: {  	p1 =	seq.s32 s10, $0x1;
	s10 =	sld [smem:$0x3FB0];
	_ =	sdelay $0x3  }
0x37: {  	[smem:$0x3FB0] =	sst s10  }
0x38: {  	s10 =	sld [smem:$0x3FB1]  }
0x39: {  	_ = 	snop;
	(pc) =	sbr.ind lr, $3  }
0x3a: {  	_ = 	snop  }
0x3b: {  	_ = 	snop  }
0x3c: {  	p2 =	seq.s32 s10, $0x1;
	s10 =	sld [smem:$0x3FB0]  }
0x3d: {  	_ =	shalt  }
0x3e: {  	_ =	shalt  }
0x3f: {  	_ =	shalt  }
0x40: {  	_ =	shalt  }
0x41: {  	_ =	shalt  }
0x42: {  	_ =	shalt  }
0x43: {  	_ =	shalt  }
0x44: {  	_ =	shalt  }
0x45: {  	_ =	shalt  }
0x46: {  	_ =	shalt  }
0x47: {  	_ =	shalt  }
0x48: {  	_ =	shalt  }
0x49: {  	_ =	shalt  }
0x4a: {  	_ =	shalt  }
0x4b: {  	_ =	shalt  }
0x4c: {  	_ =	shalt  }
0x4d: {  	_ =	shalt  }
0x4e: {  	_ =	shalt  }
0x4f: {  	_ =	shalt  }
0x50: {  	_ =	shalt  }
0x51: {  	_ =	shalt  }
0x52: {  	_ =	shalt  }
0x53: {  	_ =	shalt  }
0x54: {  	_ =	shalt  }
0x55: {  	_ =	shalt  }
0x56: {  	_ =	shalt  }
0x57: {  	_ =	shalt  }
0x58: {  	_ =	shalt  }
0x59: {  	_ =	shalt  }
0x5a: {  	_ =	shalt  }
0x5b: {  	_ =	shalt  }
0x5c: {  	_ =	shalt  }
0x5d: {  	_ =	shalt  }
0x5e: {  	_ =	shalt  }
0x5f: {  	_ =	shalt  }
0x60: {  	_ =	shalt  }
0x61: {  	_ =	shalt  }
0x62: {  	_ =	shalt  }
0x63: {  	_ =	shalt  }
0x64: {  	_ =	shalt  }
0x65: {  	_ =	shalt  }
0x66: {  	_ =	shalt  }
0x67: {  	_ =	shalt  }
0x68: {  	_ =	shalt  }
0x69: {  	_ =	shalt  }
0x6a: {  	_ =	shalt  }
0x6b: {  	_ =	shalt  }
0x6c: {  	_ =	shalt  }
0x6d: {  	_ =	shalt  }
0x6e: {  	_ =	shalt  }
0x6f: {  	_ =	shalt  }
0x70: {  	_ =	shalt  }
0x71: {  	_ =	shalt  }
0x72: {  	_ =	shalt  }
0x73: {  	_ =	shalt  }
0x74: {  	_ =	shalt  }
0x75: {  	_ =	shalt  }
0x76: {  	_ =	shalt  }
0x77: {  	_ =	shalt  }
0x78: {  	_ =	shalt  }
0x79: {  	_ =	shalt  }
0x7a: {  	_ =	shalt  }
0x7b: {  	_ =	shalt  }
0x7c: {  	_ =	shalt  }
0x7d: {  	_ =	shalt  }
0x7e: {  	_ =	shalt  }
0x7f: {  	_ =	shalt  }
0x80: {  	_ =	shalt  }
0x81: {  	_ =	shalt  }
0x82: {  	_ =	shalt  }
0x83: {  	_ =	shalt  }
0x84: {  	_ =	shalt  }
0x85: {  	_ =	shalt  }
0x86: {  	_ =	shalt  }
0x87: {  	_ =	shalt  }
.Lfunc_end0:
.L_simem_size_0:
called_computation.1_lowered:
.L_overlay_start_0:
0x88: {  	s2 =	sld [smem:$0x3FD9]  }
0x89: {  	s3 =	sld [smem:$0x3FFE];
	_ =	sdelay $0x1  }
0x8a: {  	s1 =	srdreg.scid  }
0x8b: {  	s0 =	sand.u32 $0x1, s1  }
0x8c: {  	s17 =	sshll.u32 s0, $0xA;
	s2 =	sadd.s32 s3, s2  }
0x8d: {  	s2 =	sadd.s32 s2, s17  }
0x8e: {  	[smem:$0x3FBC] =	sst s2  }
0x8f: {  	_ = 	snop  }
0x90: {  	s2 =	sld [smem:$0x3FC9]  }
0x91: {  	s18 =	sld [smem:$0x3FC8]  }
0x92: {  	s4 =	sld [smem:$0x3FC7]  }
0x93: {  	s5 =	sld [smem:$0x3FC6]  }
0x94: {  	s6 =	sld [smem:$0x3FC4];
	(tm) =	ssettm $0x1  }
0x95: {  	s7 =	sld [smem:$0x3FFB];
	_ =	sdelay $0x3  }
0x96: {  	_ =	strace s7  }
0x97: {  	s7 =	sld [smem:$0x3FFC];
	_ =	sdelay $0x3  }
0x98: {  	_ =	strace s7  }
0x99: {  	s7 =	sld [smem:$0x3FFD];
	_ =	sdelay $0x3  }
0x9a: {  	_ =	strace s7  }
0x9b: {  	_ =	strace $0x8FFFFFFF  }
0x9c: {  	s19 =	sld [smem:$0x3FDB];
	_ =	sdelay $0x1  }
0x9d: {  	s8 =	simm.s32 $_scs_section_size  }
0x9e: {  	s9 =	simm.s32 $_size__tile_overlayer_lowered;
	s10 =	simm.s32 $_tile_overlayer_lowered  }
0x9f: {  	s22 =	simm.s32 $0x1BFF;
	s21 =	sshll.u32 s10, $0x1;
	s7 =	sadd.s32 s8, s19  }
0xa0: {  	s11 =	simm.s32 $0x0;
	s20 =	sshll.u32 s9, $0x1;
	s9 =	sadd.s32 s21, s7  }
0xa1: {  	[timem:s11], [sflag:s22] =	dma.local [hbm:s9], s20  }
0xa2: {  	_ =	swait.ge [sflag:s22], s20  }
0xa3: {  	s8 =	ssub.s32 $0x0, s20;
	[sflag:s22] =	ssyncset.done $0x0  }
0xa4: {  	[sflag:s22] =	ssyncadd.s32 s8;
	_ =	sdelay $0x1  }
0xa5: {  	s23 =	simm.s32 $0x1B8B  }
0xa6: {  	_ =	swait.ge [sflag:s23], $0x1  }
0xa7: {  	[sflag:s23] =	ssyncset.done $0x0  }
0xa8: {  	s25 =	simm.s32 $0x1B8E;
	s24 =	sld [smem:$0x3FFE];
	[sflag:s23] =	ssyncadd.s32 $0xFFFFFFFF  }
0xa9: {  	s26 =	simm.s32 $execute0_lowered;
	[smem:$0x3FD2] =	sst s25  }
0xaa: {  	s9 =	sshll.u32 s26, $0x1;
	_ =	strace $0x80000046;
	[dreg:$0x1] =	wrdreg $0xFFFFFFFF  }
0xab: {  	s28 =	simm.s32 $_size_execute0_lowered;
	s7 =	sadd.s32 s7, s9;
	[dreg:$0x0] =	wrdreg $0x0  }
0xac: {  	s9 =	sshll.u32 s28, $0x1;
	[dreg:$0x2] =	wrdreg s7  }
0xad: {  	[dreg:$0x3] =	wrdreg s9  }
0xae: {  	[dreg:$0x4] =	wrdreg $0xC0  }
0xaf: {  	_ =	task [dreg:s11], $0x5FFFF  }
0xb0: {  	[dreg:$0x1] =	wrdreg $0xFFFFFFFF  }
0xb1: {  	[dreg:$0x0] =	wrdreg $0x60  }
0xb2: {  	[dreg:$0x2] =	wrdreg s2  }
0xb3: {  	[dreg:$0x3] =	wrdreg s18  }
0xb4: {  	[dreg:$0x4] =	wrdreg s4  }
0xb5: {  	[dreg:$0x5] =	wrdreg s5  }
0xb6: {  	[dreg:$0x6] =	wrdreg s24  }
0xb7: {  	[dreg:$0x7] =	wrdreg s6  }
0xb8: {  	[dreg:$0x8] =	wrdreg $0xA  }
0xb9: {  	_ =	task.clear_ibuf [dreg:s11], $0x9FFFF;
	_ =	strace $0x90000046  }
0xba: {  	s29 =	simm.s32 $0xA;
	_ =	strace $0x80000048  }
0xbb: {  	_ =	swait.ge [sflag:s29], $0x1  }
0xbc: {  	[sflag:s29] =	ssyncadd.s32 $0xFFFFFFFF  }
0xbd: {  	_ =	strace $0x90000048  }
0xbe: {  	_ =	sfence  }
0xbf: {  	s30 =	sld [smem:$0x0];
	_ =	sdelay $0x2  }
0xc0: {  	s31 =	sshll.u32 s1, $0xD;
	s1 =	sshrl.u32 s1, $0x2  }
0xc1: {  	s3 =	sand.u32 $0x4000, s31;
	s1 =	sadd.s32 s1, s30  }
0xc2: {  	s0 =	sor.u32 s3, s0;
	s1 =	sshll.u32 s1, $0x11  }
0xc3: {  	s0 =	sor.u32 s1, s0  }
0xc4: {  	s0 =	sadd.s32 $0x8F2B, s0  }
0xc5: {  	[sflag:s0] =	ssyncadd.remote.s32 $0x1  }
0xc6: {  	_ =	sfence.sel $0xFFFF  }
0xc7: {  	[dreg:$0x0] =	wrdreg $0xFFFFFFFF;
	(pc) =	sbr.abs _section_cstart, $3  }
0xc8: {  	[dreg:$0x1] =	wrdreg $0xFFFFFFFF  }
0xc9: {  	_ =	task.clear_ibuf [dreg:s11], $0x2FFFF;
	_ =	strace $0x9FFFFFFF  }
0xca: {  	(tm) =	ssettm $0x7FFFFFFF  }
0xcb: {  	_ =	shalt  }
tec
execute0_lowered:
.L_overlay_start_1:
0x0: {  	(tag) =	ssettag $0x1  }
0x1: {  	s0 =	rddreg [dreg:$0x0]  }
0x2: {  	s4 =	rddreg [dreg:$0x1]  }
0x3: {  	s1 =	rddreg [dreg:$0x2]  }
0x4: {  	s2 =	rddreg [dreg:$0x3]  }
0x5: {  	s7 =	rddreg [dreg:$0x4]  }
0x6: {  	s3 =	rddreg [dreg:$0x5];
	s5 =	simm.s32 $0x0;
	s8 =	srdreg.scid  }
0x7: {  	s9 =	stileid.u32;
	s16 =	simm.s32 $0x80;
	s17 =	simm.s32 $0x200  }
0x8: {  	s18 =	simm.s32 $0x8200;
	s19 =	simm.s32 $0x10200;
	s20 =	simm.s32 $0x18200  }
0x9: {  	s21 =	simm.s32 $0x4200;
	s22 =	simm.s32 $0x180;
	s28 =	simm.s32 $0x2  }
0xa: {  	s29 =	simm.s32 $0x3;
	s30 =	simm.s32 $0x0;
	[smem:$0x7FF] =	sst s5  }
0xb: {  	s6 =	sadd.s32 $0x1400, s7;
	s8 =	sand.u32 $0x1, s8;
	s9 =	sshll.u32 s9, $0x1  }
0xc: {  	s11 =	sadd.s32 $0x4600, s7;
	s12 =	sadd.s32 $0x24600, s7;
	s10 =	ssub.s32 $0x2, s8  }
0xd: {  	_ =	strace $0x80000047;
	s8 =	sor.u32 s8, s9;
	s23 =	sshrl.u32 s10, $0x1  }
0xe: {  	s13 =	sshll.u32 s8, $0x5;
	s9 =	sshll.u32 s8, $0x8;
	s25 =	sshll.u32 s8, $0xC  }
0xf: {  	s14 =	ssub.s32 s10, s23;
	s24 =	sor.u32 $0x400, s13;
	s15 =	sor.u32 $0x80, s9  }
0x10: {  	s9 =	sadd.s32 s11, s25;
	s10 =	sadd.s32 s12, s13;
	s23 =	simm.s32 $0xC200  }
0x11: {  	s25 =	simm.s32 $0x18280;
	s7 =	sadd.s32 s0, s24;
	s8 =	sadd.s32 s4, s24  }
0x12: {  	s26 =	sshll.u32 s15, $0x4;
	s31 =	sshrl.u32 s15, $0x3;
	s13 =	smax.u32 s14, $0x1  }
0x13: {  	s14 =	simm.s32 $0x4;
	s15 =	simm.s32 $0x100;
	s24 =	simm.s32 $0x14200  }
0x14: {  	s11 =	sadd.s32 s11, s26;
	s12 =	sadd.s32 s12, s31;
	s26 =	simm.s32 $0x1  }
.LBB2_1:
0x15: {  	[tilespmem:s5], [sflag:$0x4] =	stream.linear.gather [hbm4b:s7+s5], $0x100, $0x38;
	[tilespmem:$0x18300] =	vst v63  }
0x16: {  	_ =	swait.ge [sflag:s14], $0x100  }
0x17: {  	[sflag:s14] =	ssyncset.done $0x0  }
0x18: {  	[sflag:s14] =	ssyncadd.s32 $0xFFFFFF00  }
0x19: {  	[tilespmem:s15], [sflag:$0x4] =	stream.linear.gather [hbm4b:s8+s5], $0x100, $0x38;
	[tilespmem:$0x18300] =	vst v63  }
0x1a: {  	_ =	swait.ge [sflag:s14], $0x100  }
0x1b: {  	[sflag:s14] =	ssyncset.done $0x0  }
0x1c: {  	[sflag:s14] =	ssyncadd.s32 $0xFFFFFF00  }
0x1d: {  	[tilespmem:s17], [sflag:$0x1] =	stream.indirect.gather [hbm4b:s1+s16], $0x80, s5, s16, $0xb8;
	[tilespmem:$0x18300] =	vst v63  }
0x1e: {  	_ = 	snop  }
0x1f: {  	[tilespmem:s18], [sflag:$0x1] =	stream.indirect.gather [hbm4b:s2+s16], $0x80, s15, s16, $0xb8;
	[tilespmem:$0x18300] =	vst v63  }
0x20: {  	_ = 	snop  }
0x21: {  	[tilespmem:s19], [sflag:$0x1] =	stream.indirect.gather [hbm4b:s3+s16], $0x80, s15, s16, $0xb8;
	[tilespmem:$0x18300] =	vst v63  }
0x22: {  	_ = 	snop  }
0x23: {  	[tilespmem:s20], [sflag:$0x1] =	stream.indirect.gather [hbm4b:s6+s16], $0x1, s15, s16, $0xb8;
	[tilespmem:$0x18300] =	vst v63  }
0x24: {  	_ = 	snop  }
0x25: {  	[tilespmem:s21], [sflag:$0x2] =	stream.indirect.gather [hbm4b:s1+s16], $0x80, s16, s16, $0xb8;
	[tilespmem:$0x18300] =	vst v63  }
0x26: {  	_ = 	snop  }
0x27: {  	[tilespmem:s23], [sflag:$0x2] =	stream.indirect.gather [hbm4b:s2+s16], $0x80, s22, s16, $0xb8;
	[tilespmem:$0x18300] =	vst v63  }
0x28: {  	_ = 	snop  }
0x29: {  	[tilespmem:s24], [sflag:$0x2] =	stream.indirect.gather [hbm4b:s3+s16], $0x80, s22, s16, $0xb8;
	[tilespmem:$0x18300] =	vst v63  }
0x2a: {  	_ = 	snop  }
0x2b: {  	[tilespmem:s25], [sflag:$0x2] =	stream.indirect.gather [hbm4b:s6+s16], $0x1, s22, s16, $0xb8;
	[tilespmem:$0x18300] =	vst v63  }
0x2c: {  	_ =	swait.ge [sflag:s26], $0x4000  }
0x2d: {  	[sflag:s26] =	ssyncset.done $0x0  }
0x2e: {  	[sflag:s26] =	ssyncadd.s32 $0xFFFFC000  }
0x2f: {  	_ =	swait.ge [sflag:s26], $0x4000  }
0x30: {  	[sflag:s26] =	ssyncset.done $0x0  }
0x31: {  	[sflag:s26] =	ssyncadd.s32 $0xFFFFC000  }
0x32: {  	_ =	swait.ge [sflag:s26], $0x4000  }
0x33: {  	[sflag:s26] =	ssyncset.done $0x0  }
0x34: {  	[sflag:s26] =	ssyncadd.s32 $0xFFFFC000  }
0x35: {  	_ =	swait.ge [sflag:s26], $0x80  }
0x36: {  	[sflag:s26] =	ssyncset.done $0x0  }
0x37: {  	s31 =	simm.s32 $0x0;
	[sflag:s26] =	ssyncadd.s32 $0xFFFFFF80  }
0x38: {  	v0 =	vld [tilespmem:s31+$0x8200]  }
0x39: {  	v1 =	vld [tilespmem:s31+$0x8210];
	_ =	sdelay $0x3  }
0x3a: {  	v0 =	vsub.f32 $0.0e+00, v0  }
0x3b: {  	v2 =	vld [tilespmem:s31+$0x8220];
	v1 =	vsub.f32 $0.0e+00, v1  }
0x3c: {  	v3 =	vld [tilespmem:s31+$0x8230];
	v0 =	vmul.f32 $1.442695020e+00, v0  }
0x3d: {  	v4 =	vld [tilespmem:s31+$0x8240];
	v1 =	vmul.f32 $1.442695020e+00, v1  }
0x3e: {  	(erf) = vpow2.f32 v0;
	v0 =	vld [tilespmem:s31+$0x8250]  }
0x3f: {  	(erf) = vpow2.f32 v1;
	v1 =	vld [tilespmem:s31+$0x8260];
	_ =	sdelay $0x1  }
0x40: {  	v5 =	vld [tilespmem:s31+$0x8270];
	v2 =	vsub.f32 $0.0e+00, v2  }
0x41: {  	v6 =	vld [tilespmem:s31+$0x200];
	v3 =	vsub.f32 $0.0e+00, v3  }
0x42: {  	v9 =	vld [tilespmem:s31+$0x210];
	v4 =	vsub.f32 $0.0e+00, v4;
	v7 =	vmul.f32 $1.442695020e+00, v2;
	v0 =	vsub.f32 $0.0e+00, v0  }
0x43: {  	v8 =	vmul.f32 $1.442695020e+00, v3;
	v3 =	vld [tilespmem:s31+$0x220];
	v1 =	vsub.f32 $0.0e+00, v1  }
0x44: {  	v10 =	vmul.f32 $1.442695020e+00, v4;
	v2 =	vld [tilespmem:s31+$0x230];
	(erf) = vpow2.f32 v7  }
0x45: {  	v12 =	vsub.f32 $0.0e+00, v5;
	v4 =	vld [tilespmem:s31+$0x240];
	(erf) = vpow2.f32 v8;
	v11 =	vmul.f32 $1.442695020e+00, v0  }
0x46: {  	v5 =	vld [tilespmem:s31+$0x250];
	v8 =	vsub.f32 $0.0e+00, v6;
	v7 =	vmul.f32 $1.442695020e+00, v1;
	v0 =	vpop (erf);
	(erf) = vpow2.f32 v10  }
0x47: {  	s0 =	simm.s32 $0x200;
	v9 =	vsub.f32 $0.0e+00, v9;
	v6 =	vld [tilespmem:s31+$0x260];
	v10 =	vmul.f32 $1.442695020e+00, v12;
	v1 =	vpop (erf);
	(erf) = vpow2.f32 v11  }
.LBB2_2:
0x48: {  	p0 =	sne.s32 s0, $0xFE00;
	v8 =	vmul.f32 $1.442695020e+00, v8;
	v3 =	vsub.f32 $0.0e+00, v3;
	v11 =	vld [tilespmem:s31+$0x270];
	(erf) = vpow2.f32 v7  }
0x49: {  	v7 =	vmul.f32 $1.442695020e+00, v9;
	v2 =	vsub.f32 $0.0e+00, v2;
	(erf) = vpow2.f32 v10  }
0x4a: {  	s4 =	sshra.s32 s0, $0x2;
	v3 =	vmul.f32 $1.442695020e+00, v3;
	v4 =	vsub.f32 $0.0e+00, v4;
	(erf) = vpow2.f32 v8  }
0x4b: {  	v8 =	vld [tilespmem:s4+$0x8200];
	v2 =	vmul.f32 $1.442695020e+00, v2;
	v5 =	vsub.f32 $0.0e+00, v5;
	(erf) = vpow2.f32 v7  }
0x4c: {  	v7 =	vld [tilespmem:s4+$0x8210];
	v4 =	vmul.f32 $1.442695020e+00, v4;
	v10 =	vsub.f32 $0.0e+00, v6;
	(erf) = vpow2.f32 v3  }
0x4d: {  	v12 =	vmul.f32 $1.442695020e+00, v5;
	v11 =	vsub.f32 $0.0e+00, v11;
	v9 =	vpop (erf);
	(erf) = vpow2.f32 v2  }
0x4e: {  	v2 =	vmul.f32 $1.442695020e+00, v10;
	v6 =	vpop (erf);
	(erf) = vpow2.f32 v4  }
0x4f: {  	v4 =	vmul.f32 $1.442695020e+00, v11;
	v5 =	vpop (erf);
	(erf) = vpow2.f32 v12  }
0x50: {  	v3 =	vpop (erf);
	(erf) = vpow2.f32 v2  }
0x51: {  	v2 =	vsub.f32 $0.0e+00, v8;
	v7 =	vsub.f32 $0.0e+00, v7;
	v8 =	vpop (erf);
	(erf) = vpow2.f32 v4  }
0x52: {  	v10 =	vadd.f32 $1.000000000e+00, v1;
	v4 =	vadd.f32 $1.000000000e+00, v0;
	v11 =	vpop (erf)  }
0x53: {  	v12 =	vadd.f32 $1.000000000e+00, v9;
	v13 =	vadd.f32 $1.000000000e+00, v6;
	v14 =	vpop (erf)  }
0x54: {  	v16 =	vadd.f32 $1.000000000e+00, v5;
	v15 =	vadd.f32 $1.000000000e+00, v14;
	v17 =	vpop (erf)  }
0x55: {  	v19 =	vadd.f32 $1.000000000e+00, v3;
	v18 =	vadd.f32 $1.000000000e+00, v17;
	v20 =	vpop (erf)  }
0x56: {  	v21 =	vadd.f32 $1.000000000e+00, v8;
	v27 =	vmul.f32 v4, v15;
	v15 =	vadd.f32 $1.000000000e+00, v20;
	v22 =	vpop (erf)  }
0x57: {  	v24 =	vadd.f32 $1.000000000e+00, v11;
	v23 =	vld [tilespmem:s4+$0x8220];
	v28 =	vmul.f32 v10, v18;
	v18 =	vadd.f32 $1.000000000e+00, v22;
	v25 =	vpop (erf)  }
0x58: {  	v26 =	vld [tilespmem:s4+$0x8230];
	v29 =	vmul.f32 v12, v15;
	v15 =	vadd.f32 $1.000000000e+00, v25;
	(erf) = vrcp.f32 v27;
	v4 =	vpop (erf)  }
0x59: {  	v27 =	vld [tilespmem:s4+$0x8240];
	v13 =	vmul.f32 v13, v18;
	v18 =	vadd.f32 $1.000000000e+00, v4;
	(erf) = vrcp.f32 v28;
	v10 =	vpop (erf)  }
0x5a: {  	v28 =	vld [tilespmem:s4+$0x8250];
	v15 =	vmul.f32 v16, v15;
	v16 =	vadd.f32 $1.000000000e+00, v10;
	(erf) = vrcp.f32 v29;
	v12 =	vpop (erf)  }
0x5b: {  	v18 =	vmul.f32 v19, v18;
	v19 =	vadd.f32 $1.000000000e+00, v12;
	(erf) = vrcp.f32 v13  }
0x5c: {  	v13 =	vsub.f32 $0.0e+00, v23;
	v16 =	vmul.f32 v21, v16;
	(erf) = vrcp.f32 v15  }
0x5d: {  	v15 =	vsub.f32 $0.0e+00, v26;
	v21 =	vld [tilespmem:s31+$0x10200];
	v19 =	vmul.f32 v24, v19;
	(erf) = vrcp.f32 v18  }
0x5e: {  	v2 =	vmul.f32 $1.442695020e+00, v2;
	v18 =	vsub.f32 $0.0e+00, v27;
	v23 =	vld [tilespmem:s31+$0x10210];
	(erf) = vrcp.f32 v16  }
0x5f: {  	v7 =	vmul.f32 $1.442695020e+00, v7;
	v16 =	vsub.f32 $0.0e+00, v28;
	v24 =	vld [tilespmem:s31+$0x10220];
	(erf) = vrcp.f32 v19  }
0x60: {  	v0 =	vsub.f32 v0, v14;
	v13 =	vmul.f32 $1.442695020e+00, v13;
	v15 =	vmul.f32 $1.442695020e+00, v15;
	v14 =	vld [tilespmem:s31+$0x10230]  }
0x61: {  	v1 =	vsub.f32 v1, v17;
	v18 =	vmul.f32 $1.442695020e+00, v18;
	v16 =	vmul.f32 $1.442695020e+00, v16;
	v17 =	vld [tilespmem:s31+$0x10240];
	v19 =	vpop (erf)  }
0x62: {  	(erf) = vpow2.f32 v2;
	v0 =	vmul.f32 v19, v0;
	v2 =	vsub.f32 v9, v20;
	v9 =	vld [tilespmem:s31+$0x10250];
	v19 =	vpop (erf)  }
0x63: {  	v6 =	vsub.f32 v6, v22;
	(erf) = vpow2.f32 v7;
	v1 =	vmul.f32 v19, v1;
	v7 =	vld [tilespmem:s31+$0x10260];
	v19 =	vpop (erf)  }
0x64: {  	v22 =	vsub.f32 v5, v25;
	v0 =	vmul.f32 v0, v21;
	v2 =	vmul.f32 v19, v2;
	v19 =	vld [tilespmem:s31+$0x10270];
	v20 =	vpop (erf)  }
0x65: {  	v21 =	vld [tilespmem:s4+$0x8260];
	v1 =	vmul.f32 v1, v23;
	v6 =	vmul.f32 v20, v6;
	v23 =	vsub.f32 v3, v4;
	v4 =	vpop (erf)  }
0x66: {  	v20 =	vld [tilespmem:s4+$0x8270];
	[tilespmem:s31+$0x200] =	vst v0;
	v0 =	vmul.f32 v2, v24;
	v22 =	vmul.f32 v4, v22;
	v4 =	vsub.f32 v8, v10;
	v5 =	vpop (erf)  }
0x67: {  	v8 =	vld [tilespmem:s4+$0x200];
	[tilespmem:s31+$0x210] =	vst v1;
	v1 =	vmul.f32 v6, v14;
	v5 =	vmul.f32 v5, v23;
	v6 =	vsub.f32 v11, v12;
	v3 =	vpop (erf)  }
0x68: {  	v10 =	vld [tilespmem:s4+$0x210];
	[tilespmem:s31+$0x220] =	vst v0;
	v12 =	vmul.f32 v22, v17;
	v4 =	vmul.f32 v3, v4;
	v2 =	vpop (erf)  }
.Ltmp0:
0x69: {  	v3 =	vld [tilespmem:s4+$0x220];
	[tilespmem:s31+$0x230] =	vst v1;
	v14 =	vmul.f32 v5, v9;
	v5 =	vmul.f32 v2, v6;
	(pc) =	sbr.rel @p0 .LBB2_2-.Ltmp0, $4  }
0x6a: {  	v2 =	vld [tilespmem:s4+$0x230];
	v6 =	vsub.f32 $0.0e+00, v21;
	(erf) = vpow2.f32 v13;
	[tilespmem:s31+$0x240] =	vst v12;
	v9 =	vmul.f32 v4, v7  }
0x6b: {  	v4 =	vld [tilespmem:s4+$0x240];
	v11 =	vsub.f32 $0.0e+00, v20;
	v0 =	vpop (erf);
	(erf) = vpow2.f32 v15;
	[tilespmem:s31+$0x250] =	vst v14;
	v12 =	vmul.f32 v5, v19  }
0x6c: {  	v8 =	vsub.f32 $0.0e+00, v8;
	v5 =	vld [tilespmem:s4+$0x250];
	v7 =	vmul.f32 $1.442695020e+00, v6;
	v1 =	vpop (erf);
	(erf) = vpow2.f32 v18;
	[tilespmem:s31+$0x260] =	vst v9  }
0x6d: {  	s0 =	sadd.s32 $0x200, s0;
	v9 =	vsub.f32 $0.0e+00, v10;
	v6 =	vld [tilespmem:s4+$0x260];
	v10 =	vmul.f32 $1.442695020e+00, v11;
	(erf) = vpow2.f32 v16;
	[tilespmem:s31+$0x270] =	vst v12;
	s31 =	smov.u32 s4  }
0x6e: {  	v8 =	vmul.f32 $1.442695020e+00, v8;
	v3 =	vsub.f32 $0.0e+00, v3;
	v11 =	vld [tilespmem:s31+$0x270]  }
0x6f: {  	(erf) = vpow2.f32 v7;
	v7 =	vmul.f32 $1.442695020e+00, v9  }
0x70: {  	v2 =	vsub.f32 $0.0e+00, v2;
	(erf) = vpow2.f32 v10;
	v3 =	vmul.f32 $1.442695020e+00, v3  }
0x71: {  	v4 =	vsub.f32 $0.0e+00, v4;
	(erf) = vpow2.f32 v8;
	v5 =	vsub.f32 $0.0e+00, v5  }
0x72: {  	v2 =	vmul.f32 $1.442695020e+00, v2;
	(erf) = vpow2.f32 v7;
	v6 =	vsub.f32 $0.0e+00, v6  }
0x73: {  	(erf) = vpow2.f32 v3;
	v3 =	vmul.f32 $1.442695020e+00, v5;
	v5 =	vsub.f32 $0.0e+00, v11  }
0x74: {  	v4 =	vmul.f32 $1.442695020e+00, v4  }
0x75: {  	v7 =	vpop (erf);
	(erf) = vpow2.f32 v2;
	v2 =	vmul.f32 $1.442695020e+00, v6  }
0x76: {  	v6 =	vpop (erf);
	(erf) = vpow2.f32 v4  }
0x77: {  	v4 =	vmul.f32 $1.442695020e+00, v5;
	v5 =	vpop (erf)  }
0x78: {  	(erf) = vpow2.f32 v3;
	v3 =	vpop (erf)  }
0x79: {  	(erf) = vpow2.f32 v2;
	v2 =	vpop (erf)  }
0x7a: {  	v9 =	vpop (erf)  }
0x7b: {  	v8 =	vadd.f32 $1.000000000e+00, v1;
	(erf) = vpow2.f32 v4;
	v12 =	vpop (erf)  }
0x7c: {  	v4 =	vadd.f32 $1.000000000e+00, v0;
	v13 =	vadd.f32 $1.000000000e+00, v12;
	v15 =	vpop (erf)  }
0x7d: {  	v10 =	vadd.f32 $1.000000000e+00, v7;
	v16 =	vadd.f32 $1.000000000e+00, v15;
	v18 =	vpop (erf)  }
0x7e: {  	v11 =	vadd.f32 $1.000000000e+00, v6;
	v4 =	vmul.f32 v4, v13;
	v45 =	vadd.f32 $1.000000000e+00, v18;
	v20 =	vpop (erf)  }
0x7f: {  	v14 =	vadd.f32 $1.000000000e+00, v5;
	v8 =	vmul.f32 v8, v16;
	v46 =	vadd.f32 $1.000000000e+00, v20;
	v22 =	vpop (erf)  }
0x80: {  	v10 =	vmul.f32 v10, v45;
	v47 =	vadd.f32 $1.000000000e+00, v22;
	(erf) = vrcp.f32 v4  }
0x81: {  	v11 =	vmul.f32 v11, v46;
	(erf) = vrcp.f32 v8  }
0x82: {  	v4 =	vpop (erf);
	v13 =	vmul.f32 v14, v47;
	(erf) = vrcp.f32 v10  }
0x83: {  	v17 =	vadd.f32 $1.000000000e+00, v3;
	v48 =	vadd.f32 $1.000000000e+00, v4;
	v8 =	vpop (erf);
	(erf) = vrcp.f32 v11  }
0x84: {  	v19 =	vadd.f32 $1.000000000e+00, v2;
	v49 =	vadd.f32 $1.000000000e+00, v8;
	v10 =	vpop (erf);
	(erf) = vrcp.f32 v13  }
0x85: {  	v21 =	vadd.f32 $1.000000000e+00, v9;
	v16 =	vmul.f32 v17, v48;
	v50 =	vadd.f32 $1.000000000e+00, v10  }
0x86: {  	v11 =	vmul.f32 v19, v49  }
0x87: {  	v51 =	vmul.f32 v21, v50;
	(erf) = vrcp.f32 v16  }
0x88: {  	v52 =	vld [tilespmem:s31+$0x10200];
	(erf) = vrcp.f32 v11  }
0x89: {  	v0 =	vsub.f32 v0, v12;
	(erf) = vrcp.f32 v51;
	v55 =	vpop (erf)  }
0x8a: {  	v1 =	vsub.f32 v1, v15;
	v11 =	vld [tilespmem:s31+$0x10210];
	v57 =	vpop (erf)  }
0x8b: {  	v53 =	vld [tilespmem:s31+$0x10220];
	v6 =	vsub.f32 v6, v20;
	v0 =	vmul.f32 v55, v0;
	v59 =	vpop (erf)  }
0x8c: {  	v54 =	vld [tilespmem:s31+$0x10230];
	v7 =	vsub.f32 v7, v18;
	v5 =	vsub.f32 v5, v22;
	v1 =	vmul.f32 v57, v1;
	v61 =	vpop (erf)  }
0x8d: {  	v56 =	vld [tilespmem:s31+$0x10240];
	v3 =	vsub.f32 v3, v4;
	v0 =	vmul.f32 v0, v52;
	v6 =	vmul.f32 v61, v6;
	v4 =	vpop (erf)  }
0x8e: {  	v58 =	vld [tilespmem:s31+$0x10250];
	v7 =	vmul.f32 v59, v7;
	v4 =	vmul.f32 v4, v5  }
0x8f: {  	v60 =	vld [tilespmem:s31+$0x10260];
	v1 =	vmul.f32 v1, v11  }
0x90: {  	v62 =	vld [tilespmem:s31+$0x10270];
	v2 =	vsub.f32 v2, v8;
	[tilespmem:s31+$0x200] =	vst v0;
	v0 =	vmul.f32 v7, v53;
	v5 =	vpop (erf)  }
0x91: {  	[tilespmem:s31+$0x210] =	vst v1;
	v1 =	vmul.f32 v6, v54;
	v3 =	vmul.f32 v5, v3;
	v5 =	vsub.f32 v9, v10;
	v6 =	vpop (erf)  }
0x92: {  	[tilespmem:s31+$0x220] =	vst v0;
	v0 =	vmul.f32 v4, v56;
	v2 =	vmul.f32 v6, v2;
	v4 =	vpop (erf)  }
0x93: {  	[tilespmem:s31+$0x230] =	vst v1;
	v1 =	vmul.f32 v3, v58;
	v3 =	vmul.f32 v4, v5  }
0x94: {  	[tilespmem:s31+$0x240] =	vst v0;
	v0 =	vmul.f32 v2, v60  }
0x95: {  	[tilespmem:s31+$0x250] =	vst v1;
	v1 =	vmul.f32 v3, v62  }
0x96: {  	[tilespmem:s31+$0x260] =	vst v0  }
0x97: {  	s0 =	simm.s32 $0x0;
	[tilespmem:s31+$0x270] =	vst v1  }
0x98: {  	[hbm4b:s9+s0] =	stream.linear.scatter [tilespmem:s17], [sflag:$0x3], $0x4000, $0x38;
	[tilespmem:$0x18300] =	vst v63  }
0x99: {  	_ = 	snop  }
0x9a: {  	[hbm4b:s10+s0] =	stream.linear.scatter [tilespmem:s20], [sflag:$0x3], $0x80, $0x38;
	[tilespmem:$0x18300] =	vst v63  }
0x9b: {  	_ =	swait.ge [sflag:s28], $0x4000  }
0x9c: {  	[sflag:s28] =	ssyncset.done $0x0  }
0x9d: {  	[sflag:s28] =	ssyncadd.s32 $0xFFFFC000  }
0x9e: {  	_ =	swait.ge [sflag:s28], $0x4000  }
0x9f: {  	[sflag:s28] =	ssyncset.done $0x0  }
0xa0: {  	[sflag:s28] =	ssyncadd.s32 $0xFFFFC000  }
0xa1: {  	_ =	swait.ge [sflag:s28], $0x4000  }
0xa2: {  	[sflag:s28] =	ssyncset.done $0x0  }
0xa3: {  	[sflag:s28] =	ssyncadd.s32 $0xFFFFC000  }
0xa4: {  	_ =	swait.ge [sflag:s28], $0x80  }
0xa5: {  	[sflag:s28] =	ssyncset.done $0x0  }
0xa6: {  	s31 =	simm.s32 $0x0;
	[sflag:s28] =	ssyncadd.s32 $0xFFFFFF80  }
0xa7: {  	v0 =	vld [tilespmem:s31+$0xC200]  }
0xa8: {  	v1 =	vld [tilespmem:s31+$0xC210];
	_ =	sdelay $0x3  }
0xa9: {  	v0 =	vsub.f32 $0.0e+00, v0  }
0xaa: {  	v2 =	vld [tilespmem:s31+$0xC220];
	v1 =	vsub.f32 $0.0e+00, v1  }
0xab: {  	v3 =	vld [tilespmem:s31+$0xC230];
	v0 =	vmul.f32 $1.442695020e+00, v0  }
0xac: {  	v4 =	vld [tilespmem:s31+$0xC240];
	v1 =	vmul.f32 $1.442695020e+00, v1  }
0xad: {  	(erf) = vpow2.f32 v0;
	v0 =	vld [tilespmem:s31+$0xC250]  }
0xae: {  	(erf) = vpow2.f32 v1;
	v1 =	vld [tilespmem:s31+$0xC260];
	_ =	sdelay $0x1  }
0xaf: {  	v5 =	vld [tilespmem:s31+$0xC270];
	v2 =	vsub.f32 $0.0e+00, v2  }
0xb0: {  	v6 =	vld [tilespmem:s31+$0x4200];
	v3 =	vsub.f32 $0.0e+00, v3  }
0xb1: {  	v9 =	vld [tilespmem:s31+$0x4210];
	v4 =	vsub.f32 $0.0e+00, v4;
	v7 =	vmul.f32 $1.442695020e+00, v2;
	v0 =	vsub.f32 $0.0e+00, v0  }
0xb2: {  	v8 =	vmul.f32 $1.442695020e+00, v3;
	v3 =	vld [tilespmem:s31+$0x4220];
	v1 =	vsub.f32 $0.0e+00, v1  }
0xb3: {  	v10 =	vmul.f32 $1.442695020e+00, v4;
	v2 =	vld [tilespmem:s31+$0x4230];
	(erf) = vpow2.f32 v7  }
0xb4: {  	v63 =	vsub.f32 $0.0e+00, v5;
	v4 =	vld [tilespmem:s31+$0x4240];
	(erf) = vpow2.f32 v8;
	v11 =	vmul.f32 $1.442695020e+00, v0  }
0xb5: {  	v5 =	vld [tilespmem:s31+$0x4250];
	v8 =	vsub.f32 $0.0e+00, v6;
	v7 =	vmul.f32 $1.442695020e+00, v1;
	v0 =	vpop (erf);
	(erf) = vpow2.f32 v10  }
0xb6: {  	s0 =	simm.s32 $0x200;
	v9 =	vsub.f32 $0.0e+00, v9;
	v6 =	vld [tilespmem:s31+$0x4260];
	v10 =	vmul.f32 $1.442695020e+00, v63;
	v1 =	vpop (erf);
	(erf) = vpow2.f32 v11  }
.LBB2_4:
0xb7: {  	p0 =	sne.s32 s0, $0xFE00;
	v8 =	vmul.f32 $1.442695020e+00, v8;
	v3 =	vsub.f32 $0.0e+00, v3;
	v11 =	vld [tilespmem:s31+$0x4270];
	(erf) = vpow2.f32 v7  }
0xb8: {  	v7 =	vmul.f32 $1.442695020e+00, v9;
	v2 =	vsub.f32 $0.0e+00, v2;
	(erf) = vpow2.f32 v10  }
0xb9: {  	s4 =	sshra.s32 s0, $0x2;
	v3 =	vmul.f32 $1.442695020e+00, v3;
	v4 =	vsub.f32 $0.0e+00, v4;
	(erf) = vpow2.f32 v8  }
0xba: {  	v8 =	vld [tilespmem:s4+$0xC200];
	v2 =	vmul.f32 $1.442695020e+00, v2;
	v5 =	vsub.f32 $0.0e+00, v5;
	(erf) = vpow2.f32 v7  }
0xbb: {  	v7 =	vld [tilespmem:s4+$0xC210];
	v4 =	vmul.f32 $1.442695020e+00, v4;
	v10 =	vsub.f32 $0.0e+00, v6;
	(erf) = vpow2.f32 v3  }
0xbc: {  	v12 =	vmul.f32 $1.442695020e+00, v5;
	v11 =	vsub.f32 $0.0e+00, v11;
	v9 =	vpop (erf);
	(erf) = vpow2.f32 v2  }
0xbd: {  	v2 =	vmul.f32 $1.442695020e+00, v10;
	v6 =	vpop (erf);
	(erf) = vpow2.f32 v4  }
0xbe: {  	v4 =	vmul.f32 $1.442695020e+00, v11;
	v5 =	vpop (erf);
	(erf) = vpow2.f32 v12  }
0xbf: {  	v3 =	vpop (erf);
	(erf) = vpow2.f32 v2  }
0xc0: {  	v2 =	vsub.f32 $0.0e+00, v8;
	v7 =	vsub.f32 $0.0e+00, v7;
	v8 =	vpop (erf);
	(erf) = vpow2.f32 v4  }
0xc1: {  	v10 =	vadd.f32 $1.000000000e+00, v1;
	v4 =	vadd.f32 $1.000000000e+00, v0;
	v11 =	vpop (erf)  }
0xc2: {  	v12 =	vadd.f32 $1.000000000e+00, v9;
	v13 =	vadd.f32 $1.000000000e+00, v6;
	v14 =	vpop (erf)  }
0xc3: {  	v16 =	vadd.f32 $1.000000000e+00, v5;
	v15 =	vadd.f32 $1.000000000e+00, v14;
	v17 =	vpop (erf)  }
0xc4: {  	v19 =	vadd.f32 $1.000000000e+00, v3;
	v18 =	vadd.f32 $1.000000000e+00, v17;
	v20 =	vpop (erf)  }
0xc5: {  	v21 =	vadd.f32 $1.000000000e+00, v8;
	v27 =	vmul.f32 v4, v15;
	v15 =	vadd.f32 $1.000000000e+00, v20;
	v22 =	vpop (erf)  }
0xc6: {  	v24 =	vadd.f32 $1.000000000e+00, v11;
	v23 =	vld [tilespmem:s4+$0xC220];
	v28 =	vmul.f32 v10, v18;
	v18 =	vadd.f32 $1.000000000e+00, v22;
	v25 =	vpop (erf)  }
0xc7: {  	v26 =	vld [tilespmem:s4+$0xC230];
	v29 =	vmul.f32 v12, v15;
	v15 =	vadd.f32 $1.000000000e+00, v25;
	(erf) = vrcp.f32 v27;
	v4 =	vpop (erf)  }
0xc8: {  	v27 =	vld [tilespmem:s4+$0xC240];
	v13 =	vmul.f32 v13, v18;
	v18 =	vadd.f32 $1.000000000e+00, v4;
	(erf) = vrcp.f32 v28;
	v10 =	vpop (erf)  }
0xc9: {  	v28 =	vld [tilespmem:s4+$0xC250];
	v15 =	vmul.f32 v16, v15;
	v16 =	vadd.f32 $1.000000000e+00, v10;
	(erf) = vrcp.f32 v29;
	v12 =	vpop (erf)  }
0xca: {  	v18 =	vmul.f32 v19, v18;
	v19 =	vadd.f32 $1.000000000e+00, v12;
	(erf) = vrcp.f32 v13  }
0xcb: {  	v13 =	vsub.f32 $0.0e+00, v23;
	v16 =	vmul.f32 v21, v16;
	(erf) = vrcp.f32 v15  }
0xcc: {  	v15 =	vsub.f32 $0.0e+00, v26;
	v21 =	vld [tilespmem:s31+$0x14200];
	v19 =	vmul.f32 v24, v19;
	(erf) = vrcp.f32 v18  }
0xcd: {  	v2 =	vmul.f32 $1.442695020e+00, v2;
	v18 =	vsub.f32 $0.0e+00, v27;
	v23 =	vld [tilespmem:s31+$0x14210];
	(erf) = vrcp.f32 v16  }
0xce: {  	v7 =	vmul.f32 $1.442695020e+00, v7;
	v16 =	vsub.f32 $0.0e+00, v28;
	v24 =	vld [tilespmem:s31+$0x14220];
	(erf) = vrcp.f32 v19  }
0xcf: {  	v0 =	vsub.f32 v0, v14;
	v13 =	vmul.f32 $1.442695020e+00, v13;
	v15 =	vmul.f32 $1.442695020e+00, v15;
	v14 =	vld [tilespmem:s31+$0x14230]  }
0xd0: {  	v1 =	vsub.f32 v1, v17;
	v18 =	vmul.f32 $1.442695020e+00, v18;
	v16 =	vmul.f32 $1.442695020e+00, v16;
	v17 =	vld [tilespmem:s31+$0x14240];
	v19 =	vpop (erf)  }
0xd1: {  	(erf) = vpow2.f32 v2;
	v0 =	vmul.f32 v19, v0;
	v2 =	vsub.f32 v9, v20;
	v9 =	vld [tilespmem:s31+$0x14250];
	v19 =	vpop (erf)  }
0xd2: {  	v6 =	vsub.f32 v6, v22;
	(erf) = vpow2.f32 v7;
	v1 =	vmul.f32 v19, v1;
	v7 =	vld [tilespmem:s31+$0x14260];
	v19 =	vpop (erf)  }
0xd3: {  	v22 =	vsub.f32 v5, v25;
	v0 =	vmul.f32 v0, v21;
	v2 =	vmul.f32 v19, v2;
	v19 =	vld [tilespmem:s31+$0x14270];
	v20 =	vpop (erf)  }
0xd4: {  	v21 =	vld [tilespmem:s4+$0xC260];
	v1 =	vmul.f32 v1, v23;
	v6 =	vmul.f32 v20, v6;
	v23 =	vsub.f32 v3, v4;
	v4 =	vpop (erf)  }
0xd5: {  	v20 =	vld [tilespmem:s4+$0xC270];
	[tilespmem:s31+$0x4200] =	vst v0;
	v0 =	vmul.f32 v2, v24;
	v22 =	vmul.f32 v4, v22;
	v4 =	vsub.f32 v8, v10;
	v5 =	vpop (erf)  }
0xd6: {  	v8 =	vld [tilespmem:s4+$0x4200];
	[tilespmem:s31+$0x4210] =	vst v1;
	v1 =	vmul.f32 v6, v14;
	v5 =	vmul.f32 v5, v23;
	v6 =	vsub.f32 v11, v12;
	v3 =	vpop (erf)  }
0xd7: {  	v10 =	vld [tilespmem:s4+$0x4210];
	[tilespmem:s31+$0x4220] =	vst v0;
	v12 =	vmul.f32 v22, v17;
	v4 =	vmul.f32 v3, v4;
	v2 =	vpop (erf)  }
.Ltmp1:
0xd8: {  	v3 =	vld [tilespmem:s4+$0x4220];
	[tilespmem:s31+$0x4230] =	vst v1;
	v14 =	vmul.f32 v5, v9;
	v5 =	vmul.f32 v2, v6;
	(pc) =	sbr.rel @p0 .LBB2_4-.Ltmp1, $4  }
0xd9: {  	v2 =	vld [tilespmem:s4+$0x4230];
	v6 =	vsub.f32 $0.0e+00, v21;
	(erf) = vpow2.f32 v13;
	[tilespmem:s31+$0x4240] =	vst v12;
	v9 =	vmul.f32 v4, v7  }
0xda: {  	v4 =	vld [tilespmem:s4+$0x4240];
	v11 =	vsub.f32 $0.0e+00, v20;
	v0 =	vpop (erf);
	(erf) = vpow2.f32 v15;
	[tilespmem:s31+$0x4250] =	vst v14;
	v12 =	vmul.f32 v5, v19  }
0xdb: {  	v8 =	vsub.f32 $0.0e+00, v8;
	v5 =	vld [tilespmem:s4+$0x4250];
	v7 =	vmul.f32 $1.442695020e+00, v6;
	v1 =	vpop (erf);
	(erf) = vpow2.f32 v18;
	[tilespmem:s31+$0x4260] =	vst v9  }
0xdc: {  	s0 =	sadd.s32 $0x200, s0;
	v9 =	vsub.f32 $0.0e+00, v10;
	v6 =	vld [tilespmem:s4+$0x4260];
	v10 =	vmul.f32 $1.442695020e+00, v11;
	(erf) = vpow2.f32 v16;
	[tilespmem:s31+$0x4270] =	vst v12;
	s31 =	smov.u32 s4  }
0xdd: {  	v8 =	vmul.f32 $1.442695020e+00, v8;
	v3 =	vsub.f32 $0.0e+00, v3;
	v11 =	vld [tilespmem:s31+$0x4270];
	(erf) = vpow2.f32 v7  }
0xde: {  	v52 =	vmul.f32 $1.442695020e+00, v9;
	v2 =	vsub.f32 $0.0e+00, v2;
	(erf) = vpow2.f32 v10  }
0xdf: {  	v3 =	vmul.f32 $1.442695020e+00, v3;
	v4 =	vsub.f32 $0.0e+00, v4;
	(erf) = vpow2.f32 v8  }
0xe0: {  	v2 =	vmul.f32 $1.442695020e+00, v2;
	v5 =	vsub.f32 $0.0e+00, v5;
	(erf) = vpow2.f32 v52  }
0xe1: {  	v4 =	vmul.f32 $1.442695020e+00, v4;
	v6 =	vsub.f32 $0.0e+00, v6;
	(erf) = vpow2.f32 v3  }
0xe2: {  	v53 =	vmul.f32 $1.442695020e+00, v5;
	v54 =	vsub.f32 $0.0e+00, v11;
	v55 =	vpop (erf);
	(erf) = vpow2.f32 v2  }
0xe3: {  	v56 =	vmul.f32 $1.442695020e+00, v6;
	v57 =	vpop (erf);
	(erf) = vpow2.f32 v4  }
0xe4: {  	v58 =	vmul.f32 $1.442695020e+00, v54;
	v59 =	vpop (erf);
	(erf) = vpow2.f32 v53  }
0xe5: {  	v60 =	vpop (erf);
	(erf) = vpow2.f32 v56  }
0xe6: {  	v61 =	vpop (erf);
	(erf) = vpow2.f32 v58  }
0xe7: {  	v62 =	vadd.f32 $1.000000000e+00, v0;
	v63 =	vadd.f32 $1.000000000e+00, v1;
	v24 =	vpop (erf)  }
0xe8: {  	v25 =	vadd.f32 $1.000000000e+00, v55;
	v26 =	vadd.f32 $1.000000000e+00, v57;
	v12 =	vpop (erf)  }
0xe9: {  	v14 =	vadd.f32 $1.000000000e+00, v59;
	v13 =	vadd.f32 $1.000000000e+00, v12;
	v15 =	vpop (erf)  }
0xea: {  	v17 =	vadd.f32 $1.000000000e+00, v60;
	v16 =	vadd.f32 $1.000000000e+00, v15;
	v18 =	vpop (erf)  }
0xeb: {  	v19 =	vadd.f32 $1.000000000e+00, v61;
	v4 =	vmul.f32 v62, v13;
	v27 =	vadd.f32 $1.000000000e+00, v18;
	v20 =	vpop (erf)  }
0xec: {  	v21 =	vadd.f32 $1.000000000e+00, v24;
	v8 =	vmul.f32 v63, v16;
	v28 =	vadd.f32 $1.000000000e+00, v20;
	v22 =	vpop (erf)  }
0xed: {  	v10 =	vmul.f32 v25, v27;
	v29 =	vadd.f32 $1.000000000e+00, v22;
	(erf) = vrcp.f32 v4;
	v30 =	vpop (erf)  }
0xee: {  	v11 =	vmul.f32 v26, v28;
	v31 =	vadd.f32 $1.000000000e+00, v30;
	(erf) = vrcp.f32 v8;
	v32 =	vpop (erf)  }
0xef: {  	v13 =	vmul.f32 v14, v29;
	v33 =	vadd.f32 $1.000000000e+00, v32;
	(erf) = vrcp.f32 v10;
	v34 =	vpop (erf)  }
0xf0: {  	v16 =	vmul.f32 v17, v31;
	v35 =	vadd.f32 $1.000000000e+00, v34;
	(erf) = vrcp.f32 v11  }
0xf1: {  	v36 =	vmul.f32 v19, v33;
	(erf) = vrcp.f32 v13  }
0xf2: {  	v37 =	vmul.f32 v21, v35;
	(erf) = vrcp.f32 v16  }
0xf3: {  	(erf) = vrcp.f32 v36  }
0xf4: {  	v38 =	vld [tilespmem:s31+$0x14200];
	(erf) = vrcp.f32 v37  }
0xf5: {  	v39 =	vld [tilespmem:s31+$0x14210];
	v41 =	vsub.f32 v0, v12  }
0xf6: {  	v40 =	vld [tilespmem:s31+$0x14220];
	v43 =	vsub.f32 v1, v15;
	v44 =	vpop (erf)  }
0xf7: {  	v42 =	vld [tilespmem:s31+$0x14230];
	v7 =	vsub.f32 v55, v18;
	v0 =	vmul.f32 v44, v41;
	v46 =	vpop (erf)  }
0xf8: {  	v45 =	vld [tilespmem:s31+$0x14240];
	v6 =	vsub.f32 v57, v20;
	v1 =	vmul.f32 v46, v43;
	v48 =	vpop (erf)  }
0xf9: {  	v47 =	vld [tilespmem:s31+$0x14250];
	v5 =	vsub.f32 v59, v22;
	v0 =	vmul.f32 v0, v38;
	v7 =	vmul.f32 v48, v7;
	v50 =	vpop (erf)  }
0xfa: {  	v49 =	vld [tilespmem:s31+$0x14260];
	v3 =	vsub.f32 v60, v30;
	v1 =	vmul.f32 v1, v39;
	v6 =	vmul.f32 v50, v6;
	v52 =	vpop (erf)  }
0xfb: {  	v51 =	vld [tilespmem:s31+$0x14270];
	v2 =	vsub.f32 v61, v32;
	[tilespmem:s31+$0x4200] =	vst v0;
	v53 =	vmul.f32 v7, v40;
	v4 =	vmul.f32 v52, v5;
	v54 =	vpop (erf)  }
0xfc: {  	v56 =	vsub.f32 v24, v34;
	[tilespmem:s31+$0x4210] =	vst v1;
	v55 =	vmul.f32 v6, v42;
	v3 =	vmul.f32 v54, v3;
	v57 =	vpop (erf)  }
0xfd: {  	[tilespmem:s31+$0x4220] =	vst v53;
	v58 =	vmul.f32 v4, v45;
	v2 =	vmul.f32 v57, v2;
	v59 =	vpop (erf)  }
0xfe: {  	[tilespmem:s31+$0x4230] =	vst v55;
	v60 =	vmul.f32 v3, v47;
	v61 =	vmul.f32 v59, v56  }
0xff: {  	[tilespmem:s31+$0x4240] =	vst v58;
	v62 =	vmul.f32 v2, v49  }
0x100: {  	[tilespmem:s31+$0x4250] =	vst v60;
	v63 =	vmul.f32 v61, v51  }
0x101: {  	[tilespmem:s31+$0x4260] =	vst v62  }
0x102: {  	[tilespmem:s31+$0x4270] =	vst v63  }
0x103: {  	[hbm4b:s11+s5] =	stream.linear.scatter [tilespmem:s21], [sflag:$0x3], $0x4000, $0x38;
	[tilespmem:$0x18300] =	vst v63  }
0x104: {  	_ = 	snop  }
0x105: {  	[hbm4b:s12+s5] =	stream.linear.scatter [tilespmem:s25], [sflag:$0x3], $0x80, $0x38;
	[tilespmem:$0x18300] =	vst v63  }
0x106: {  	_ =	swait.ge [sflag:s29], $0x4000  }
0x107: {  	[sflag:s29] =	ssyncset.done $0x0  }
0x108: {  	[sflag:s29] =	ssyncadd.s32 $0xFFFFC000  }
0x109: {  	_ =	swait.ge [sflag:s29], $0x80  }
0x10a: {  	[sflag:s29] =	ssyncset.done $0x0  }
0x10b: {  	s30 =	sadd.s32 $0x1, s30;
	[sflag:s29] =	ssyncadd.s32 $0xFFFFFF80  }
0x10c: {  	p0 =	sne.s32 s30, s13;
	_ =	swait.ge [sflag:s29], $0x4000  }
.Ltmp2:
0x10d: {  	[sflag:s29] =	ssyncset.done $0x0;
	(pc) =	sbr.rel @p0 .LBB2_1-.Ltmp2, $4  }
0x10e: {  	[sflag:s29] =	ssyncadd.s32 $0xFFFFC000  }
0x10f: {  	_ =	swait.ge [sflag:s29], $0x80  }
0x110: {  	[sflag:s29] =	ssyncset.done $0x0  }
0x111: {  	[sflag:s29] =	ssyncadd.s32 $0xFFFFFF80  }
0x112: {  	_ =	sfence.sel $0x180000  }
0x113: {  	[bflag:$0x0] =	sbarrier.arrive $0xFFFF  }
0x114: {  	_ =	strace $0x90000047  }
0x115: {  	s0 =	stileid.u32;
	[bflag:$0x2] =	sbarrier.arrive $0xFFFF  }
0x116: {  	p0 =	sne.s32 s0, $0x0;
	s0 =	rddreg [dreg:$0x6]  }
0x117: {  	s0 =	sadd.s32 @!p0 $0x100000, s0  }
0x118: {  	[sflag:s0] =	ssyncadd.tile.s32 @!p0 $0x1;
	_ =	shalt  }
.Lfunc_end2:
_tile_overlayer_lowered:
.L_overlay_start_2:
0x119: {  	(tag) =	ssettag $0x2  }
0x11a: {  	s0 =	rddreg [dreg:$0x0];
	s2 =	stileid.u32  }
0x11b: {  	s1 =	rddreg [dreg:$0x1];
	p0 =	sne.s32 s2, $0x0  }
0x11c: {  	s3 =	rddreg [dreg:$0x2];
	[bflag:$0x3] =	sbarrier.arrive $0xFFFF;
	s2 =	simm.s32 @!p0 $0x1C04  }
0x11d: {  	[timem:s3], [sflag:s2] =	dma.local @!p0 [hbm:s0], s1  }
0x11e: {  	s0 =	simm.s32 @!p0 $0x4  }
0x11f: {  	_ =	swait.ge @!p0 [sflag:s0], s1  }
0x120: {  	s1 =	ssub.s32 @!p0 $0x0, s1;
	[sflag:s0] =	ssyncset.done @!p0 $0x0  }
0x121: {  	[sflag:s0] =	ssyncadd.s32 @!p0 s1  }
0x122: {  	[bflag:$0x3] =	sbarrier.arrive $0xFFFF  }
0x123: {  	_ =	shalt  }

</sc_bundles>
